<compile_context>
chip_gen: v7x
topology: tpu7x:2x2x1
jax: 0.10.2.dev20260603
libtpu: 0.0.44.dev20260713+nightly
codegen_flags: <defaults>
</compile_context>

<pallas_src>
import functools

import jax
import jax.numpy as jnp
from jax import lax
from jax.experimental import pallas as pl
from jax.experimental.pallas import tpu as pltpu
from jax.experimental.pallas import tpu_sc as plsc

NC, NS = 2, 16
NW = NC * NS
NQ = 32
D_GATE = 256
CHUNK = 128
PHASES = 5
TM = 4096


def _sc_gather_counts(gates_flat, qubits2, gate_table, tok0, mp):
    tpw = mp // NW
    nchunk = tpw // CHUNK
    mesh = plsc.VectorSubcoreMesh(core_axis_name="c", subcore_axis_name="s")

    @functools.partial(
        pl.kernel,
        mesh=mesh,
        out_type=(
            jax.ShapeDtypeStruct((mp, D_GATE // 2), jnp.int32),
            jax.ShapeDtypeStruct((mp, NQ), jnp.float32),
        ),
        scratch_types=[
            pltpu.VMEM((CHUNK,), jnp.int32),
            pltpu.VMEM((CHUNK, D_GATE // 2), jnp.int32),
            pltpu.VMEM((CHUNK, NQ), jnp.int32),
            pltpu.VMEM((CHUNK, NQ), jnp.float32),
            pltpu.SemaphoreType.DMA,
        ],
        compiler_params=pltpu.CompilerParams(needs_layout_passes=False),
    )
    def k(gates_hbm, qubits_hbm, table_hbm, emb_hbm, counts_hbm,
          idx_v, rows_v, qub_v, cnt_v, sem):
        wid = lax.axis_index("s") * NC + lax.axis_index("c")
        lbase0 = wid * tpw

        ones = jnp.ones((16,), jnp.float32)
        zeros = jnp.zeros((16,), jnp.float32)

        def chunk_body(ci, carry):
            lbase = lbase0 + ci * CHUNK
            gbase = tok0 + lbase
            pltpu.sync_copy(gates_hbm.at[pl.ds(gbase, CHUNK)], idx_v)
            gather = pltpu.async_copy(table_hbm.at[idx_v], rows_v, sem)
            pltpu.sync_copy(qubits_hbm.at[pl.ds(gbase, CHUNK)], qub_v)

            def tok_body(t, c):
                cnt_v[t, pl.ds(0, 16)] = zeros
                cnt_v[t, pl.ds(16, 16)] = zeros
                return c
            lax.fori_loop(0, CHUNK, tok_body, None, unroll=8)

            def tok_body2(t, c):
                q0 = qub_v[t, pl.ds(0, 16)]
                q1 = qub_v[t, pl.ds(16, 16)]
                tv = jnp.full((16,), t, jnp.int32)
                plsc.addupdate_scatter(cnt_v, [tv, q0], ones)
                plsc.addupdate_scatter(cnt_v, [tv, q1], ones)
                return c
            lax.fori_loop(0, CHUNK, tok_body2, None, unroll=4)

            gather.wait()
            pltpu.sync_copy(rows_v, emb_hbm.at[pl.ds(lbase, CHUNK)])
            pltpu.sync_copy(cnt_v, counts_hbm.at[pl.ds(lbase, CHUNK)])
            return carry

        lax.fori_loop(0, nchunk, chunk_body, None)

    return k(gates_flat, qubits2, gate_table)


def _tc_combine_phase(prev_out, gate_emb, counts, params, qubit_table, Wp,
                      bp2, Wf, bf2, m, mp, blk0, d_model):
    d4 = d_model // 4

    def body(*refs):
        if prev_out is None:
            (g_ref, c_ref, p_ref, qt_ref, wp_ref, wf_ref, bp_ref, bf_ref,
             o_ref) = refs
        else:
            (_prev, g_ref, c_ref, p_ref, qt_ref, wp_ref, wf_ref, bp_ref,
             bf_ref, o_ref) = refs
        wf = wf_ref[...]
        wq2 = jnp.dot(qt_ref[...], wf[D_GATE:D_GATE + d4],
                      preferred_element_type=jnp.float32)
        wp2 = jnp.dot(wp_ref[...], wf[D_GATE + d4:],
                      preferred_element_type=jnp.float32)
        bias = jnp.dot(bp_ref[...], wf[D_GATE + d4:],
                       preferred_element_type=jnp.float32) + bf_ref[...]
        u = lax.bitcast_convert_type(g_ref[...], jnp.uint32)
        g_lo = lax.bitcast_convert_type((u & 0xFFFF).astype(jnp.uint16),
                                        jnp.bfloat16)
        g_hi = lax.bitcast_convert_type((u >> 16).astype(jnp.uint16),
                                        jnp.bfloat16)
        dg2 = D_GATE // 2
        acc = jnp.dot(g_lo, wf[:dg2].astype(jnp.bfloat16),
                      preferred_element_type=jnp.float32)
        acc = acc + jnp.dot(g_hi, wf[dg2:D_GATE].astype(jnp.bfloat16),
                            preferred_element_type=jnp.float32)
        acc = acc + jnp.dot(c_ref[...], wq2,
                            preferred_element_type=jnp.float32) * (1.0 / NQ)
        acc = acc + jnp.dot(p_ref[...], wp2,
                            preferred_element_type=jnp.float32)
        o_ref[...] = acc + bias

    in_specs = [
        pl.BlockSpec((TM, D_GATE // 2), lambda i: (i, 0)),
        pl.BlockSpec((TM, NQ), lambda i: (i, 0)),
        pl.BlockSpec((TM, 8), lambda i: (i + blk0, 0)),
        pl.BlockSpec((NQ, d_model // 4), lambda i: (0, 0)),
        pl.BlockSpec((8, d_model // 4), lambda i: (0, 0)),
        pl.BlockSpec((d_model, d_model), lambda i: (0, 0)),
        pl.BlockSpec((1, d_model // 4), lambda i: (0, 0)),
        pl.BlockSpec((1, d_model), lambda i: (0, 0)),
    ]
    args = [gate_emb, counts, params, qubit_table, Wp, Wf, bp2, bf2]
    aliases = {}
    if prev_out is not None:
        in_specs = [pl.BlockSpec((8, 128), lambda i: (0, 0))] + in_specs
        args = [prev_out] + args
        aliases = {0: 0}

    return pl.pallas_call(
        body,
        grid=(mp // TM,),
        in_specs=in_specs,
        out_specs=pl.BlockSpec((TM, d_model), lambda i: (i + blk0, 0)),
        out_shape=jax.ShapeDtypeStruct((m, d_model), jnp.float32),
        input_output_aliases=aliases,
    )(*args)


def kernel(gates, qubits, parameters, gate_table, qubit_table, Wp, bp, Wf,
           bf):
    b, s = gates.shape
    m = b * s
    d_model = Wf.shape[0]
    mp = m // PHASES

    gates_flat = gates.reshape(m).astype(jnp.int32)
    qubits2 = qubits.reshape(m, NQ).astype(jnp.int32)
    d2 = D_GATE // 2

    def _rne_bf16_bits(x):
        u = lax.bitcast_convert_type(x, jnp.uint32)
        return (u + 0x7FFF + ((u >> 16) & 1)) >> 16

    lo = _rne_bf16_bits(gate_table[:, :d2])
    hi = _rne_bf16_bits(gate_table[:, d2:])
    gate_table_pk = lax.bitcast_convert_type(lo | (hi << 16), jnp.int32)
    params2 = parameters.reshape(m, parameters.shape[-1])
    bp2 = bp.reshape(1, -1)
    bf2 = bf.reshape(1, -1)

    out = None
    pending = []
    for p in range(PHASES):
        g_in = gates_flat
        if p >= 2:
            g_in, _ = lax.optimization_barrier((gates_flat, pending[p - 2]))
        e, c = _sc_gather_counts(g_in, qubits2, gate_table_pk, p * mp, mp)
        out = _tc_combine_phase(out, e, c, params2, qubit_table, Wp, bp2,
                                Wf, bf2, m, mp, p * (mp // TM), d_model)
        pending.append(out)
    return out.reshape(b, s, d_model)

# --- scband reference (transcript-rebuilt; emitter-appended) ---
"""Pipeline reference for scband-gate-encoder-24189255811133 (READ-ONLY COPY).

The authoritative reference and input builder live on the scoring server;
editing this copy changes nothing except your own understanding.
"""

import jax, jax.numpy as jnp
import numpy as np

D_MODEL = 512
GATE_VOCAB = 100000
MAX_QUBITS = 32
MAX_PARAMS = 8
B, S = 1024, 200


def setup_inputs(seed: int = 0) -> dict:
    key = jax.random.key(seed)
    ks = jax.random.split(key, 10)
    gates = jax.random.randint(ks[0], (B, S), 0, GATE_VOCAB + 1, dtype=jnp.int64 if jax.config.jax_enable_x64 else jnp.int32)
    qubits = jax.random.randint(ks[1], (B, S, MAX_QUBITS), 0, MAX_QUBITS, dtype=jnp.int64 if jax.config.jax_enable_x64 else jnp.int32)
    parameters = jax.random.normal(ks[2], (B, S, MAX_PARAMS), dtype=jnp.float32)
    d2 = D_MODEL // 2
    d4 = D_MODEL // 4
    gate_table = jax.random.normal(ks[3], (GATE_VOCAB + 1, d2), dtype=jnp.float32) * 0.02
    qubit_table = jax.random.normal(ks[4], (MAX_QUBITS, d4), dtype=jnp.float32) * 0.02
    Wp = jax.random.normal(ks[5], (MAX_PARAMS, d4), dtype=jnp.float32) * (1.0 / np.sqrt(MAX_PARAMS))
    bp = jnp.zeros((d4,), dtype=jnp.float32)
    Wf = jax.random.normal(ks[6], (D_MODEL, D_MODEL), dtype=jnp.float32) * (1.0 / np.sqrt(D_MODEL))
    bf = jnp.zeros((D_MODEL,), dtype=jnp.float32)
    return {"gates": gates, "qubits": qubits, "parameters": parameters,
            "gate_table": gate_table, "qubit_table": qubit_table,
            "Wp": Wp, "bp": bp, "Wf": Wf, "bf": bf}


def reference(gates, qubits, parameters, gate_table, qubit_table, Wp, bp, Wf, bf):
    # gate embedding lookup: [B, S, d_model//2]
    gate_emb = jnp.take(gate_table, gates, axis=0)
    # qubit embedding lookup then mean over qubit axis: [B, S, d_model//4]
    qubit_emb = jnp.take(qubit_table, qubits, axis=0)
    qubit_emb = qubit_emb.mean(axis=2)
    # parameter linear projection: [B, S, d_model//4]
    param_emb = parameters @ Wp + bp
    combined = jnp.concatenate([gate_emb, qubit_emb, param_emb], axis=-1)
    out = combined @ Wf + bf
    return out

if __name__ == "__main__":
    import jax
    _d = setup_inputs()
    print(jax.jit(kernel)(*tuple(_d.values())))

</pallas_src>

<mosaic_0001>
#map = affine_map<(d0, d1) -> (0)>
#map1 = affine_map<(d0, d1) -> (0, 0)>
module attributes {stable_mosaic.version = 14 : i64} {
  func.func @k(%arg0: i32, %arg1: i32, %arg2: memref<204800xi32, #tpu.memory_space<hbm>>, %arg3: memref<204800x32xi32, #tpu.memory_space<hbm>>, %arg4: memref<100001x128xi32, #tpu.memory_space<hbm>>, %arg5: memref<40960x128xi32, #tpu.memory_space<hbm>>, %arg6: memref<40960x32xf32, #tpu.memory_space<hbm>>, %arg7: memref<128xi32, #tpu.memory_space<vmem>>, %arg8: memref<128x128xi32, #tpu.memory_space<vmem>>, %arg9: memref<128x32xi32, #tpu.memory_space<vmem>>, %arg10: memref<128x32xf32, #tpu.memory_space<vmem>>, %arg11: memref<!tpu.dma_semaphore, #tpu.memory_space<semaphore_mem>>) attributes {dimension_semantics = [#tpu.dimension_semantics<core_parallel>, #tpu.dimension_semantics<subcore_parallel>], iteration_bounds = array<i64: 2, 16>, scalar_prefetch = 0 : i64, scratch_operands = 5 : i64, tpu.core_type = #tpu.core_type<sc_vector_subcore>, window_params = [{transform_indices = #map}, {transform_indices = #map1}, {transform_indices = #map1}, {transform_indices = #map1}, {transform_indices = #map1}]} {
    %mul3A = arith.constant 2 : i32
    %mul3A_0 = arith.muli %arg1, %mul3A : i32
    %add3A = arith.addi %mul3A_0, %arg0 : i32
    %mul3A_1 = arith.constant 1280 : i32
    %mul3A_2 = arith.muli %add3A, %mul3A_1 : i32
    %broadcast_in_dim3A = arith.constant 1.000000e+00 : f32
    %broadcast_in_dim3A_3 = vector.broadcast %broadcast_in_dim3A : f32 to vector<16xf32>
    %broadcast_in_dim3A_4 = arith.constant 0.000000e+00 : f32
    %broadcast_in_dim3A_5 = vector.broadcast %broadcast_in_dim3A_4 : f32 to vector<16xf32>
    %scan3A = arith.constant 0 : i32
    %scan3A_6 = arith.constant 10 : i32
    %scan3A_7 = arith.addi %scan3A, %scan3A_6 : i32
    %scan3A_8 = arith.constant 1 : i32
    scf.for %scan3A_10 = %scan3A to %scan3A_7 step %scan3A_8  : i32 {
      %mul3A_11 = arith.constant 128 : i32
      %mul3A_12 = arith.muli %scan3A_10, %mul3A_11 : i32
      %add3A_13 = arith.addi %mul3A_2, %mul3A_12 : i32
      %add3A_14 = arith.constant 40960 : i32
      %add3A_15 = arith.addi %add3A_14, %add3A_13 : i32
      "tpu.region"() ({
        %run_scoped3A = tpu.sem_alloc : memref<!tpu.dma_semaphore, #tpu.memory_space<semaphore_mem>>
        %dma_start3A_30 = tpu.memref_slice %arg2[%add3A_15] : memref<204800xi32, #tpu.memory_space<hbm>> -> memref<128xi32, #tpu.memory_space<hbm>>
        %dma_start3A_31 = tpu.memref_slice %arg2[%add3A_15] : memref<204800xi32, #tpu.memory_space<hbm>> -> memref<128xi32, #tpu.memory_space<hbm>>
        tpu.enqueue_dma source(%dma_start3A_31 : memref<128xi32, #tpu.memory_space<hbm>>) target(%arg7 : memref<128xi32, #tpu.memory_space<vmem>>) target_semaphore(%run_scoped3A : memref<!tpu.dma_semaphore, #tpu.memory_space<semaphore_mem>>)
        %dma_wait3A_32 = tpu.memref_slice %arg2[%add3A_15] : memref<204800xi32, #tpu.memory_space<hbm>> -> memref<128xi32, #tpu.memory_space<hbm>>
        %dma_wait3A_33 = tpu.memref_slice %arg2[%add3A_15] : memref<204800xi32, #tpu.memory_space<hbm>> -> memref<128xi32, #tpu.memory_space<hbm>>
        tpu.wait_dma2 semaphore(%run_scoped3A : memref<!tpu.dma_semaphore, #tpu.memory_space<semaphore_mem>>) src(%dma_wait3A_33 : memref<128xi32, #tpu.memory_space<hbm>>) dst(%arg7 : memref<128xi32, #tpu.memory_space<vmem>>)
        tpu.yield
      }) : () -> ()
      %dma_start3A = arith.constant 0 : i32
      %dma_start3A_16 = arith.constant 0 : i32
      %dma_start3A_17 = tpu.memref_slice %arg4[%dma_start3A, %dma_start3A_16] : memref<100001x128xi32, #tpu.memory_space<hbm>> -> memref<100001x128xi32, #tpu.memory_space<hbm>>
      tpu.enqueue_indirect_dma source(%dma_start3A_17 : memref<100001x128xi32, #tpu.memory_space<hbm>>) target(%arg8 : memref<128x128xi32, #tpu.memory_space<vmem>>) offsets(%arg7 : memref<128xi32, #tpu.memory_space<vmem>>) semaphore(%arg11 : memref<!tpu.dma_semaphore, #tpu.memory_space<semaphore_mem>>)
      "tpu.region"() ({
        %run_scoped3A = tpu.sem_alloc : memref<!tpu.dma_semaphore, #tpu.memory_space<semaphore_mem>>
        %dma_start3A_30 = arith.constant 0 : i32
        %dma_start3A_31 = tpu.memref_slice %arg3[%add3A_15, %dma_start3A_30] : memref<204800x32xi32, #tpu.memory_space<hbm>> -> memref<128x32xi32, #tpu.memory_space<hbm>>
        %dma_start3A_32 = arith.constant 0 : i32
        %dma_start3A_33 = tpu.memref_slice %arg3[%add3A_15, %dma_start3A_32] : memref<204800x32xi32, #tpu.memory_space<hbm>> -> memref<128x32xi32, #tpu.memory_space<hbm>>
        tpu.enqueue_dma source(%dma_start3A_33 : memref<128x32xi32, #tpu.memory_space<hbm>>) target(%arg9 : memref<128x32xi32, #tpu.memory_space<vmem>>) target_semaphore(%run_scoped3A : memref<!tpu.dma_semaphore, #tpu.memory_space<semaphore_mem>>)
        %dma_wait3A_34 = arith.constant 0 : i32
        %dma_wait3A_35 = tpu.memref_slice %arg3[%add3A_15, %dma_wait3A_34] : memref<204800x32xi32, #tpu.memory_space<hbm>> -> memref<128x32xi32, #tpu.memory_space<hbm>>
        %dma_wait3A_36 = arith.constant 0 : i32
        %dma_wait3A_37 = tpu.memref_slice %arg3[%add3A_15, %dma_wait3A_36] : memref<204800x32xi32, #tpu.memory_space<hbm>> -> memref<128x32xi32, #tpu.memory_space<hbm>>
        tpu.wait_dma2 semaphore(%run_scoped3A : memref<!tpu.dma_semaphore, #tpu.memory_space<semaphore_mem>>) src(%dma_wait3A_37 : memref<128x32xi32, #tpu.memory_space<hbm>>) dst(%arg9 : memref<128x32xi32, #tpu.memory_space<vmem>>)
        tpu.yield
      }) : () -> ()
      %scan3A_18 = arith.constant 0 : i32
      %scan3A_19 = arith.constant 128 : i32
      %scan3A_20 = arith.addi %scan3A_18, %scan3A_19 : i32
      %scan3A_21 = arith.constant 8 : i32
      scf.for %scan3A_30 = %scan3A_18 to %scan3A_20 step %scan3A_21  : i32 {
        %swap3A = arith.index_cast %scan3A_30 : i32 to index
        %swap3A_31 = arith.constant 0 : index
        %swap3A_32 = tpu.vector_load %arg10[%swap3A, %swap3A_31] {strides = array<i32>} : memref<128x32xf32, #tpu.memory_space<vmem>>, vector<16xf32>,
        tpu.vector_store %arg10[%swap3A, %swap3A_31], %broadcast_in_dim3A_5 {strides = array<i32>} : memref<128x32xf32, #tpu.memory_space<vmem>>, vector<16xf32>,
        %swap3A_33 = arith.index_cast %scan3A_30 : i32 to index
        %swap3A_34 = arith.constant 16 : index
        %swap3A_35 = tpu.vector_load %arg10[%swap3A_33, %swap3A_34] {strides = array<i32>} : memref<128x32xf32, #tpu.memory_space<vmem>>, vector<16xf32>,
        tpu.vector_store %arg10[%swap3A_33, %swap3A_34], %broadcast_in_dim3A_5 {strides = array<i32>} : memref<128x32xf32, #tpu.memory_space<vmem>>, vector<16xf32>,
        %scan3A_36 = arith.constant 1 : i32
        %scan3A_37 = arith.addi %scan3A_30, %scan3A_36 : i32
        %swap3A_38 = arith.index_cast %scan3A_37 : i32 to index
        %swap3A_39 = arith.constant 0 : index
        %swap3A_40 = tpu.vector_load %arg10[%swap3A_38, %swap3A_39] {strides = array<i32>} : memref<128x32xf32, #tpu.memory_space<vmem>>, vector<16xf32>,
        tpu.vector_store %arg10[%swap3A_38, %swap3A_39], %broadcast_in_dim3A_5 {strides = array<i32>} : memref<128x32xf32, #tpu.memory_space<vmem>>, vector<16xf32>,
        %swap3A_41 = arith.index_cast %scan3A_37 : i32 to index
        %swap3A_42 = arith.constant 16 : index
        %swap3A_43 = tpu.vector_load %arg10[%swap3A_41, %swap3A_42] {strides = array<i32>} : memref<128x32xf32, #tpu.memory_space<vmem>>, vector<16xf32>,
        tpu.vector_store %arg10[%swap3A_41, %swap3A_42], %broadcast_in_dim3A_5 {strides = array<i32>} : memref<128x32xf32, #tpu.memory_space<vmem>>, vector<16xf32>,
        %scan3A_44 = arith.constant 2 : i32
        %scan3A_45 = arith.addi %scan3A_30, %scan3A_44 : i32
        %swap3A_46 = arith.index_cast %scan3A_45 : i32 to index
        %swap3A_47 = arith.constant 0 : index
        %swap3A_48 = tpu.vector_load %arg10[%swap3A_46, %swap3A_47] {strides = array<i32>} : memref<128x32xf32, #tpu.memory_space<vmem>>, vector<16xf32>,
        tpu.vector_store %arg10[%swap3A_46, %swap3A_47], %broadcast_in_dim3A_5 {strides = array<i32>} : memref<128x32xf32, #tpu.memory_space<vmem>>, vector<16xf32>,
        %swap3A_49 = arith.index_cast %scan3A_45 : i32 to index
        %swap3A_50 = arith.constant 16 : index
        %swap3A_51 = tpu.vector_load %arg10[%swap3A_49, %swap3A_50] {strides = array<i32>} : memref<128x32xf32, #tpu.memory_space<vmem>>, vector<16xf32>,
        tpu.vector_store %arg10[%swap3A_49, %swap3A_50], %broadcast_in_dim3A_5 {strides = array<i32>} : memref<128x32xf32, #tpu.memory_space<vmem>>, vector<16xf32>,
        %scan3A_52 = arith.constant 3 : i32
        %scan3A_53 = arith.addi %scan3A_30, %scan3A_52 : i32
        %swap3A_54 = arith.index_cast %scan3A_53 : i32 to index
        %swap3A_55 = arith.constant 0 : index
        %swap3A_56 = tpu.vector_load %arg10[%swap3A_54, %swap3A_55] {strides = array<i32>} : memref<128x32xf32, #tpu.memory_space<vmem>>, vector<16xf32>,
        tpu.vector_store %arg10[%swap3A_54, %swap3A_55], %broadcast_in_dim3A_5 {strides = array<i32>} : memref<128x32xf32, #tpu.memory_space<vmem>>, vector<16xf32>,
        %swap3A_57 = arith.index_cast %scan3A_53 : i32 to index
        %swap3A_58 = arith.constant 16 : index
        %swap3A_59 = tpu.vector_load %arg10[%swap3A_57, %swap3A_58] {strides = array<i32>} : memref<128x32xf32, #tpu.memory_space<vmem>>, vector<16xf32>,
        tpu.vector_store %arg10[%swap3A_57, %swap3A_58], %broadcast_in_dim3A_5 {strides = array<i32>} : memref<128x32xf32, #tpu.memory_space<vmem>>, vector<16xf32>,
        %scan3A_60 = arith.constant 4 : i32
        %scan3A_61 = arith.addi %scan3A_30, %scan3A_60 : i32
        %swap3A_62 = arith.index_cast %scan3A_61 : i32 to index
        %swap3A_63 = arith.constant 0 : index
        %swap3A_64 = tpu.vector_load %arg10[%swap3A_62, %swap3A_63] {strides = array<i32>} : memref<128x32xf32, #tpu.memory_space<vmem>>, vector<16xf32>,
        tpu.vector_store %arg10[%swap3A_62, %swap3A_63], %broadcast_in_dim3A_5 {strides = array<i32>} : memref<128x32xf32, #tpu.memory_space<vmem>>, vector<16xf32>,
        %swap3A_65 = arith.index_cast %scan3A_61 : i32 to index
        %swap3A_66 = arith.constant 16 : index
        %swap3A_67 = tpu.vector_load %arg10[%swap3A_65, %swap3A_66] {strides = array<i32>} : memref<128x32xf32, #tpu.memory_space<vmem>>, vector<16xf32>,
        tpu.vector_store %arg10[%swap3A_65, %swap3A_66], %broadcast_in_dim3A_5 {strides = array<i32>} : memref<128x32xf32, #tpu.memory_space<vmem>>, vector<16xf32>,
        %scan3A_68 = arith.constant 5 : i32
        %scan3A_69 = arith.addi %scan3A_30, %scan3A_68 : i32
        %swap3A_70 = arith.index_cast %scan3A_69 : i32 to index
        %swap3A_71 = arith.constant 0 : index
        %swap3A_72 = tpu.vector_load %arg10[%swap3A_70, %swap3A_71] {strides = array<i32>} : memref<128x32xf32, #tpu.memory_space<vmem>>, vector<16xf32>,
        tpu.vector_store %arg10[%swap3A_70, %swap3A_71], %broadcast_in_dim3A_5 {strides = array<i32>} : memref<128x32xf32, #tpu.memory_space<vmem>>, vector<16xf32>,
        %swap3A_73 = arith.index_cast %scan3A_69 : i32 to index
        %swap3A_74 = arith.constant 16 : index
        %swap3A_75 = tpu.vector_load %arg10[%swap3A_73, %swap3A_74] {strides = array<i32>} : memref<128x32xf32, #tpu.memory_space<vmem>>, vector<16xf32>,
        tpu.vector_store %arg10[%swap3A_73, %swap3A_74], %broadcast_in_dim3A_5 {strides = array<i32>} : memref<128x32xf32, #tpu.memory_space<vmem>>, vector<16xf32>,
        %scan3A_76 = arith.constant 6 : i32
        %scan3A_77 = arith.addi %scan3A_30, %scan3A_76 : i32
        %swap3A_78 = arith.index_cast %scan3A_77 : i32 to index
        %swap3A_79 = arith.constant 0 : index
        %swap3A_80 = tpu.vector_load %arg10[%swap3A_78, %swap3A_79] {strides = array<i32>} : memref<128x32xf32, #tpu.memory_space<vmem>>, vector<16xf32>,
        tpu.vector_store %arg10[%swap3A_78, %swap3A_79], %broadcast_in_dim3A_5 {strides = array<i32>} : memref<128x32xf32, #tpu.memory_space<vmem>>, vector<16xf32>,
        %swap3A_81 = arith.index_cast %scan3A_77 : i32 to index
        %swap3A_82 = arith.constant 16 : index
        %swap3A_83 = tpu.vector_load %arg10[%swap3A_81, %swap3A_82] {strides = array<i32>} : memref<128x32xf32, #tpu.memory_space<vmem>>, vector<16xf32>,
        tpu.vector_store %arg10[%swap3A_81, %swap3A_82], %broadcast_in_dim3A_5 {strides = array<i32>} : memref<128x32xf32, #tpu.memory_space<vmem>>, vector<16xf32>,
        %scan3A_84 = arith.constant 7 : i32
        %scan3A_85 = arith.addi %scan3A_30, %scan3A_84 : i32
        %swap3A_86 = arith.index_cast %scan3A_85 : i32 to index
        %swap3A_87 = arith.constant 0 : index
        %swap3A_88 = tpu.vector_load %arg10[%swap3A_86, %swap3A_87] {strides = array<i32>} : memref<128x32xf32, #tpu.memory_space<vmem>>, vector<16xf32>,
        tpu.vector_store %arg10[%swap3A_86, %swap3A_87], %broadcast_in_dim3A_5 {strides = array<i32>} : memref<128x32xf32, #tpu.memory_space<vmem>>, vector<16xf32>,
        %swap3A_89 = arith.index_cast %scan3A_85 : i32 to index
        %swap3A_90 = arith.constant 16 : index
        %swap3A_91 = tpu.vector_load %arg10[%swap3A_89, %swap3A_90] {strides = array<i32>} : memref<128x32xf32, #tpu.memory_space<vmem>>, vector<16xf32>,
        tpu.vector_store %arg10[%swap3A_89, %swap3A_90], %broadcast_in_dim3A_5 {strides = array<i32>} : memref<128x32xf32, #tpu.memory_space<vmem>>, vector<16xf32>,
      }
      %scan3A_22 = arith.constant 128 : i32
      %scan3A_23 = arith.constant 0 : i32
      %scan3A_24 = arith.constant 128 : i32
      %scan3A_25 = arith.addi %scan3A_23, %scan3A_24 : i32
      %scan3A_26 = arith.constant 4 : i32
      scf.for %scan3A_30 = %scan3A_23 to %scan3A_25 step %scan3A_26  : i32 {
        %get3A = arith.index_cast %scan3A_30 : i32 to index
        %get3A_31 = arith.constant 0 : index
        %get3A_32 = tpu.vector_load %arg9[%get3A, %get3A_31] {strides = array<i32>} : memref<128x32xi32, #tpu.memory_space<vmem>>, vector<16xi32>,
        %get3A_33 = arith.index_cast %scan3A_30 : i32 to index
        %get3A_34 = arith.constant 16 : index
        %get3A_35 = tpu.vector_load %arg9[%get3A_33, %get3A_34] {strides = array<i32>} : memref<128x32xi32, #tpu.memory_space<vmem>>, vector<16xi32>,
        %broadcast_in_dim3A_36 = vector.broadcast %scan3A_30 : i32 to vector<16xi32>
        tpu.vector_store_idx %arg10[%broadcast_in_dim3A_36, %get3A_32], %broadcast_in_dim3A_3 {add = true} : memref<128x32xf32, #tpu.memory_space<vmem>>[vector<16xi32>, vector<16xi32>], vector<16xf32>,
        tpu.vector_store_idx %arg10[%broadcast_in_dim3A_36, %get3A_35], %broadcast_in_dim3A_3 {add = true} : memref<128x32xf32, #tpu.memory_space<vmem>>[vector<16xi32>, vector<16xi32>], vector<16xf32>,
        %scan3A_37 = arith.constant 1 : i32
        %scan3A_38 = arith.addi %scan3A_30, %scan3A_37 : i32
        %get3A_39 = arith.index_cast %scan3A_38 : i32 to index
        %get3A_40 = arith.constant 0 : index
        %get3A_41 = tpu.vector_load %arg9[%get3A_39, %get3A_40] {strides = array<i32>} : memref<128x32xi32, #tpu.memory_space<vmem>>, vector<16xi32>,
        %get3A_42 = arith.index_cast %scan3A_38 : i32 to index
        %get3A_43 = arith.constant 16 : index
        %get3A_44 = tpu.vector_load %arg9[%get3A_42, %get3A_43] {strides = array<i32>} : memref<128x32xi32, #tpu.memory_space<vmem>>, vector<16xi32>,
        %broadcast_in_dim3A_45 = vector.broadcast %scan3A_38 : i32 to vector<16xi32>
        tpu.vector_store_idx %arg10[%broadcast_in_dim3A_45, %get3A_41], %broadcast_in_dim3A_3 {add = true} : memref<128x32xf32, #tpu.memory_space<vmem>>[vector<16xi32>, vector<16xi32>], vector<16xf32>,
        tpu.vector_store_idx %arg10[%broadcast_in_dim3A_45, %get3A_44], %broadcast_in_dim3A_3 {add = true} : memref<128x32xf32, #tpu.memory_space<vmem>>[vector<16xi32>, vector<16xi32>], vector<16xf32>,
        %scan3A_46 = arith.constant 2 : i32
        %scan3A_47 = arith.addi %scan3A_30, %scan3A_46 : i32
        %get3A_48 = arith.index_cast %scan3A_47 : i32 to index
        %get3A_49 = arith.constant 0 : index
        %get3A_50 = tpu.vector_load %arg9[%get3A_48, %get3A_49] {strides = array<i32>} : memref<128x32xi32, #tpu.memory_space<vmem>>, vector<16xi32>,
        %get3A_51 = arith.index_cast %scan3A_47 : i32 to index
        %get3A_52 = arith.constant 16 : index
        %get3A_53 = tpu.vector_load %arg9[%get3A_51, %get3A_52] {strides = array<i32>} : memref<128x32xi32, #tpu.memory_space<vmem>>, vector<16xi32>,
        %broadcast_in_dim3A_54 = vector.broadcast %scan3A_47 : i32 to vector<16xi32>
        tpu.vector_store_idx %arg10[%broadcast_in_dim3A_54, %get3A_50], %broadcast_in_dim3A_3 {add = true} : memref<128x32xf32, #tpu.memory_space<vmem>>[vector<16xi32>, vector<16xi32>], vector<16xf32>,
        tpu.vector_store_idx %arg10[%broadcast_in_dim3A_54, %get3A_53], %broadcast_in_dim3A_3 {add = true} : memref<128x32xf32, #tpu.memory_space<vmem>>[vector<16xi32>, vector<16xi32>], vector<16xf32>,
        %scan3A_55 = arith.constant 3 : i32
        %scan3A_56 = arith.addi %scan3A_30, %scan3A_55 : i32
        %get3A_57 = arith.index_cast %scan3A_56 : i32 to index
        %get3A_58 = arith.constant 0 : index
        %get3A_59 = tpu.vector_load %arg9[%get3A_57, %get3A_58] {strides = array<i32>} : memref<128x32xi32, #tpu.memory_space<vmem>>, vector<16xi32>,
        %get3A_60 = arith.index_cast %scan3A_56 : i32 to index
        %get3A_61 = arith.constant 16 : index
        %get3A_62 = tpu.vector_load %arg9[%get3A_60, %get3A_61] {strides = array<i32>} : memref<128x32xi32, #tpu.memory_space<vmem>>, vector<16xi32>,
        %broadcast_in_dim3A_63 = vector.broadcast %scan3A_56 : i32 to vector<16xi32>
        tpu.vector_store_idx %arg10[%broadcast_in_dim3A_63, %get3A_59], %broadcast_in_dim3A_3 {add = true} : memref<128x32xf32, #tpu.memory_space<vmem>>[vector<16xi32>, vector<16xi32>], vector<16xf32>,
        tpu.vector_store_idx %arg10[%broadcast_in_dim3A_63, %get3A_62], %broadcast_in_dim3A_3 {add = true} : memref<128x32xf32, #tpu.memory_space<vmem>>[vector<16xi32>, vector<16xi32>], vector<16xf32>,
      }
      %scan3A_27 = arith.constant 128 : i32
      %dma_wait3A = arith.constant 0 : i32
      %dma_wait3A_28 = arith.constant 0 : i32
      %dma_wait3A_29 = tpu.memref_slice %arg4[%dma_wait3A, %dma_wait3A_28] : memref<100001x128xi32, #tpu.memory_space<hbm>> -> memref<100001x128xi32, #tpu.memory_space<hbm>>
      tpu.wait_indirect_dma semaphore(%arg11 : memref<!tpu.dma_semaphore, #tpu.memory_space<semaphore_mem>>) src(%dma_wait3A_29 : memref<100001x128xi32, #tpu.memory_space<hbm>>) dst(%arg8 : memref<128x128xi32, #tpu.memory_space<vmem>>)
      "tpu.region"() ({
        %run_scoped3A = tpu.sem_alloc : memref<!tpu.dma_semaphore, #tpu.memory_space<semaphore_mem>>
        %dma_start3A_30 = arith.constant 0 : i32
        %dma_start3A_31 = tpu.memref_slice %arg5[%add3A_13, %dma_start3A_30] : memref<40960x128xi32, #tpu.memory_space<hbm>> -> memref<128x128xi32, #tpu.memory_space<hbm>>
        %dma_start3A_32 = arith.constant 0 : i32
        %dma_start3A_33 = tpu.memref_slice %arg5[%add3A_13, %dma_start3A_32] : memref<40960x128xi32, #tpu.memory_space<hbm>> -> memref<128x128xi32, #tpu.memory_space<hbm>>
        tpu.enqueue_dma source(%arg8 : memref<128x128xi32, #tpu.memory_space<vmem>>) target(%dma_start3A_33 : memref<128x128xi32, #tpu.memory_space<hbm>>) target_semaphore(%run_scoped3A : memref<!tpu.dma_semaphore, #tpu.memory_space<semaphore_mem>>)
        %dma_wait3A_34 = arith.constant 0 : i32
        %dma_wait3A_35 = tpu.memref_slice %arg5[%add3A_13, %dma_wait3A_34] : memref<40960x128xi32, #tpu.memory_space<hbm>> -> memref<128x128xi32, #tpu.memory_space<hbm>>
        %dma_wait3A_36 = arith.constant 0 : i32
        %dma_wait3A_37 = tpu.memref_slice %arg5[%add3A_13, %dma_wait3A_36] : memref<40960x128xi32, #tpu.memory_space<hbm>> -> memref<128x128xi32, #tpu.memory_space<hbm>>
        tpu.wait_dma2 semaphore(%run_scoped3A : memref<!tpu.dma_semaphore, #tpu.memory_space<semaphore_mem>>) src(%arg8 : memref<128x128xi32, #tpu.memory_space<vmem>>) dst(%dma_wait3A_37 : memref<128x128xi32, #tpu.memory_space<hbm>>)
        tpu.yield
      }) : () -> ()
      "tpu.region"() ({
        %run_scoped3A = tpu.sem_alloc : memref<!tpu.dma_semaphore, #tpu.memory_space<semaphore_mem>>
        %dma_start3A_30 = arith.constant 0 : i32
        %dma_start3A_31 = tpu.memref_slice %arg6[%add3A_13, %dma_start3A_30] : memref<40960x32xf32, #tpu.memory_space<hbm>> -> memref<128x32xf32, #tpu.memory_space<hbm>>
        %dma_start3A_32 = arith.constant 0 : i32
        %dma_start3A_33 = tpu.memref_slice %arg6[%add3A_13, %dma_start3A_32] : memref<40960x32xf32, #tpu.memory_space<hbm>> -> memref<128x32xf32, #tpu.memory_space<hbm>>
        tpu.enqueue_dma source(%arg10 : memref<128x32xf32, #tpu.memory_space<vmem>>) target(%dma_start3A_33 : memref<128x32xf32, #tpu.memory_space<hbm>>) target_semaphore(%run_scoped3A : memref<!tpu.dma_semaphore, #tpu.memory_space<semaphore_mem>>)
        %dma_wait3A_34 = arith.constant 0 : i32
        %dma_wait3A_35 = tpu.memref_slice %arg6[%add3A_13, %dma_wait3A_34] : memref<40960x32xf32, #tpu.memory_space<hbm>> -> memref<128x32xf32, #tpu.memory_space<hbm>>
        %dma_wait3A_36 = arith.constant 0 : i32
        %dma_wait3A_37 = tpu.memref_slice %arg6[%add3A_13, %dma_wait3A_36] : memref<40960x32xf32, #tpu.memory_space<hbm>> -> memref<128x32xf32, #tpu.memory_space<hbm>>
        tpu.wait_dma2 semaphore(%run_scoped3A : memref<!tpu.dma_semaphore, #tpu.memory_space<semaphore_mem>>) src(%arg10 : memref<128x32xf32, #tpu.memory_space<vmem>>) dst(%dma_wait3A_37 : memref<128x32xf32, #tpu.memory_space<hbm>>)
        tpu.yield
      }) : () -> ()
    }
    %scan3A_9 = arith.constant 10 : i32
    return
  }
}

#map = affine_map<(d0, d1) -> (0)>
#map1 = affine_map<(d0, d1) -> (0, 0)>
module attributes {stable_mosaic.version = 14 : i64} {
  func.func @k(%arg0: i32, %arg1: i32, %arg2: memref<204800xi32, #tpu.memory_space<hbm>>, %arg3: memref<204800x32xi32, #tpu.memory_space<hbm>>, %arg4: memref<100001x128xi32, #tpu.memory_space<hbm>>, %arg5: memref<40960x128xi32, #tpu.memory_space<hbm>>, %arg6: memref<40960x32xf32, #tpu.memory_space<hbm>>, %arg7: memref<128xi32, #tpu.memory_space<vmem>>, %arg8: memref<128x128xi32, #tpu.memory_space<vmem>>, %arg9: memref<128x32xi32, #tpu.memory_space<vmem>>, %arg10: memref<128x32xf32, #tpu.memory_space<vmem>>, %arg11: memref<!tpu.dma_semaphore, #tpu.memory_space<semaphore_mem>>) attributes {dimension_semantics = [#tpu.dimension_semantics<core_parallel>, #tpu.dimension_semantics<subcore_parallel>], iteration_bounds = array<i64: 2, 16>, scalar_prefetch = 0 : i64, scratch_operands = 5 : i64, tpu.core_type = #tpu.core_type<sc_vector_subcore>, window_params = [{transform_indices = #map}, {transform_indices = #map1}, {transform_indices = #map1}, {transform_indices = #map1}, {transform_indices = #map1}]} {
    %mul3A = arith.constant 2 : i32
    %mul3A_0 = arith.muli %arg1, %mul3A : i32
    %add3A = arith.addi %mul3A_0, %arg0 : i32
    %mul3A_1 = arith.constant 1280 : i32
    %mul3A_2 = arith.muli %add3A, %mul3A_1 : i32
    %broadcast_in_dim3A = arith.constant 1.000000e+00 : f32
    %broadcast_in_dim3A_3 = vector.broadcast %broadcast_in_dim3A : f32 to vector<16xf32>
    %broadcast_in_dim3A_4 = arith.constant 0.000000e+00 : f32
    %broadcast_in_dim3A_5 = vector.broadcast %broadcast_in_dim3A_4 : f32 to vector<16xf32>
    %scan3A = arith.constant 0 : i32
    %scan3A_6 = arith.constant 10 : i32
    %scan3A_7 = arith.addi %scan3A, %scan3A_6 : i32
    %scan3A_8 = arith.constant 1 : i32
    scf.for %scan3A_10 = %scan3A to %scan3A_7 step %scan3A_8  : i32 {
      %mul3A_11 = arith.constant 128 : i32
      %mul3A_12 = arith.muli %scan3A_10, %mul3A_11 : i32
      %add3A_13 = arith.addi %mul3A_2, %mul3A_12 : i32
      %add3A_14 = arith.constant 81920 : i32
      %add3A_15 = arith.addi %add3A_14, %add3A_13 : i32
      "tpu.region"() ({
        %run_scoped3A = tpu.sem_alloc : memref<!tpu.dma_semaphore, #tpu.memory_space<semaphore_mem>>
        %dma_start3A_30 = tpu.memref_slice %arg2[%add3A_15] : memref<204800xi32, #tpu.memory_space<hbm>> -> memref<128xi32, #tpu.memory_space<hbm>>
        %dma_start3A_31 = tpu.memref_slice %arg2[%add3A_15] : memref<204800xi32, #tpu.memory_space<hbm>> -> memref<128xi32, #tpu.memory_space<hbm>>
        tpu.enqueue_dma source(%dma_start3A_31 : memref<128xi32, #tpu.memory_space<hbm>>) target(%arg7 : memref<128xi32, #tpu.memory_space<vmem>>) target_semaphore(%run_scoped3A : memref<!tpu.dma_semaphore, #tpu.memory_space<semaphore_mem>>)
        %dma_wait3A_32 = tpu.memref_slice %arg2[%add3A_15] : memref<204800xi32, #tpu.memory_space<hbm>> -> memref<128xi32, #tpu.memory_space<hbm>>
        %dma_wait3A_33 = tpu.memref_slice %arg2[%add3A_15] : memref<204800xi32, #tpu.memory_space<hbm>> -> memref<128xi32, #tpu.memory_space<hbm>>
        tpu.wait_dma2 semaphore(%run_scoped3A : memref<!tpu.dma_semaphore, #tpu.memory_space<semaphore_mem>>) src(%dma_wait3A_33 : memref<128xi32, #tpu.memory_space<hbm>>) dst(%arg7 : memref<128xi32, #tpu.memory_space<vmem>>)
        tpu.yield
      }) : () -> ()
      %dma_start3A = arith.constant 0 : i32
      %dma_start3A_16 = arith.constant 0 : i32
      %dma_start3A_17 = tpu.memref_slice %arg4[%dma_start3A, %dma_start3A_16] : memref<100001x128xi32, #tpu.memory_space<hbm>> -> memref<100001x128xi32, #tpu.memory_space<hbm>>
      tpu.enqueue_indirect_dma source(%dma_start3A_17 : memref<100001x128xi32, #tpu.memory_space<hbm>>) target(%arg8 : memref<128x128xi32, #tpu.memory_space<vmem>>) offsets(%arg7 : memref<128xi32, #tpu.memory_space<vmem>>) semaphore(%arg11 : memref<!tpu.dma_semaphore, #tpu.memory_space<semaphore_mem>>)
      "tpu.region"() ({
        %run_scoped3A = tpu.sem_alloc : memref<!tpu.dma_semaphore, #tpu.memory_space<semaphore_mem>>
        %dma_start3A_30 = arith.constant 0 : i32
        %dma_start3A_31 = tpu.memref_slice %arg3[%add3A_15, %dma_start3A_30] : memref<204800x32xi32, #tpu.memory_space<hbm>> -> memref<128x32xi32, #tpu.memory_space<hbm>>
        %dma_start3A_32 = arith.constant 0 : i32
        %dma_start3A_33 = tpu.memref_slice %arg3[%add3A_15, %dma_start3A_32] : memref<204800x32xi32, #tpu.memory_space<hbm>> -> memref<128x32xi32, #tpu.memory_space<hbm>>
        tpu.enqueue_dma source(%dma_start3A_33 : memref<128x32xi32, #tpu.memory_space<hbm>>) target(%arg9 : memref<128x32xi32, #tpu.memory_space<vmem>>) target_semaphore(%run_scoped3A : memref<!tpu.dma_semaphore, #tpu.memory_space<semaphore_mem>>)
        %dma_wait3A_34 = arith.constant 0 : i32
        %dma_wait3A_35 = tpu.memref_slice %arg3[%add3A_15, %dma_wait3A_34] : memref<204800x32xi32, #tpu.memory_space<hbm>> -> memref<128x32xi32, #tpu.memory_space<hbm>>
        %dma_wait3A_36 = arith.constant 0 : i32
        %dma_wait3A_37 = tpu.memref_slice %arg3[%add3A_15, %dma_wait3A_36] : memref<204800x32xi32, #tpu.memory_space<hbm>> -> memref<128x32xi32, #tpu.memory_space<hbm>>
        tpu.wait_dma2 semaphore(%run_scoped3A : memref<!tpu.dma_semaphore, #tpu.memory_space<semaphore_mem>>) src(%dma_wait3A_37 : memref<128x32xi32, #tpu.memory_space<hbm>>) dst(%arg9 : memref<128x32xi32, #tpu.memory_space<vmem>>)
        tpu.yield
      }) : () -> ()
      %scan3A_18 = arith.constant 0 : i32
      %scan3A_19 = arith.constant 128 : i32
      %scan3A_20 = arith.addi %scan3A_18, %scan3A_19 : i32
      %scan3A_21 = arith.constant 8 : i32
      scf.for %scan3A_30 = %scan3A_18 to %scan3A_20 step %scan3A_21  : i32 {
        %swap3A = arith.index_cast %scan3A_30 : i32 to index
        %swap3A_31 = arith.constant 0 : index
        %swap3A_32 = tpu.vector_load %arg10[%swap3A, %swap3A_31] {strides = array<i32>} : memref<128x32xf32, #tpu.memory_space<vmem>>, vector<16xf32>,
        tpu.vector_store %arg10[%swap3A, %swap3A_31], %broadcast_in_dim3A_5 {strides = array<i32>} : memref<128x32xf32, #tpu.memory_space<vmem>>, vector<16xf32>,
        %swap3A_33 = arith.index_cast %scan3A_30 : i32 to index
        %swap3A_34 = arith.constant 16 : index
        %swap3A_35 = tpu.vector_load %arg10[%swap3A_33, %swap3A_34] {strides = array<i32>} : memref<128x32xf32, #tpu.memory_space<vmem>>, vector<16xf32>,
        tpu.vector_store %arg10[%swap3A_33, %swap3A_34], %broadcast_in_dim3A_5 {strides = array<i32>} : memref<128x32xf32, #tpu.memory_space<vmem>>, vector<16xf32>,
        %scan3A_36 = arith.constant 1 : i32
        %scan3A_37 = arith.addi %scan3A_30, %scan3A_36 : i32
        %swap3A_38 = arith.index_cast %scan3A_37 : i32 to index
        %swap3A_39 = arith.constant 0 : index
        %swap3A_40 = tpu.vector_load %arg10[%swap3A_38, %swap3A_39] {strides = array<i32>} : memref<128x32xf32, #tpu.memory_space<vmem>>, vector<16xf32>,
        tpu.vector_store %arg10[%swap3A_38, %swap3A_39], %broadcast_in_dim3A_5 {strides = array<i32>} : memref<128x32xf32, #tpu.memory_space<vmem>>, vector<16xf32>,
        %swap3A_41 = arith.index_cast %scan3A_37 : i32 to index
        %swap3A_42 = arith.constant 16 : index
        %swap3A_43 = tpu.vector_load %arg10[%swap3A_41, %swap3A_42] {strides = array<i32>} : memref<128x32xf32, #tpu.memory_space<vmem>>, vector<16xf32>,
        tpu.vector_store %arg10[%swap3A_41, %swap3A_42], %broadcast_in_dim3A_5 {strides = array<i32>} : memref<128x32xf32, #tpu.memory_space<vmem>>, vector<16xf32>,
        %scan3A_44 = arith.constant 2 : i32
        %scan3A_45 = arith.addi %scan3A_30, %scan3A_44 : i32
        %swap3A_46 = arith.index_cast %scan3A_45 : i32 to index
        %swap3A_47 = arith.constant 0 : index
        %swap3A_48 = tpu.vector_load %arg10[%swap3A_46, %swap3A_47] {strides = array<i32>} : memref<128x32xf32, #tpu.memory_space<vmem>>, vector<16xf32>,
        tpu.vector_store %arg10[%swap3A_46, %swap3A_47], %broadcast_in_dim3A_5 {strides = array<i32>} : memref<128x32xf32, #tpu.memory_space<vmem>>, vector<16xf32>,
        %swap3A_49 = arith.index_cast %scan3A_45 : i32 to index
        %swap3A_50 = arith.constant 16 : index
        %swap3A_51 = tpu.vector_load %arg10[%swap3A_49, %swap3A_50] {strides = array<i32>} : memref<128x32xf32, #tpu.memory_space<vmem>>, vector<16xf32>,
        tpu.vector_store %arg10[%swap3A_49, %swap3A_50], %broadcast_in_dim3A_5 {strides = array<i32>} : memref<128x32xf32, #tpu.memory_space<vmem>>, vector<16xf32>,
        %scan3A_52 = arith.constant 3 : i32
        %scan3A_53 = arith.addi %scan3A_30, %scan3A_52 : i32
        %swap3A_54 = arith.index_cast %scan3A_53 : i32 to index
        %swap3A_55 = arith.constant 0 : index
        %swap3A_56 = tpu.vector_load %arg10[%swap3A_54, %swap3A_55] {strides = array<i32>} : memref<128x32xf32, #tpu.memory_space<vmem>>, vector<16xf32>,
        tpu.vector_store %arg10[%swap3A_54, %swap3A_55], %broadcast_in_dim3A_5 {strides = array<i32>} : memref<128x32xf32, #tpu.memory_space<vmem>>, vector<16xf32>,
        %swap3A_57 = arith.index_cast %scan3A_53 : i32 to index
        %swap3A_58 = arith.constant 16 : index
        %swap3A_59 = tpu.vector_load %arg10[%swap3A_57, %swap3A_58] {strides = array<i32>} : memref<128x32xf32, #tpu.memory_space<vmem>>, vector<16xf32>,
        tpu.vector_store %arg10[%swap3A_57, %swap3A_58], %broadcast_in_dim3A_5 {strides = array<i32>} : memref<128x32xf32, #tpu.memory_space<vmem>>, vector<16xf32>,
        %scan3A_60 = arith.constant 4 : i32
        %scan3A_61 = arith.addi %scan3A_30, %scan3A_60 : i32
        %swap3A_62 = arith.index_cast %scan3A_61 : i32 to index
        %swap3A_63 = arith.constant 0 : index
        %swap3A_64 = tpu.vector_load %arg10[%swap3A_62, %swap3A_63] {strides = array<i32>} : memref<128x32xf32, #tpu.memory_space<vmem>>, vector<16xf32>,
        tpu.vector_store %arg10[%swap3A_62, %swap3A_63], %broadcast_in_dim3A_5 {strides = array<i32>} : memref<128x32xf32, #tpu.memory_space<vmem>>, vector<16xf32>,
        %swap3A_65 = arith.index_cast %scan3A_61 : i32 to index
        %swap3A_66 = arith.constant 16 : index
        %swap3A_67 = tpu.vector_load %arg10[%swap3A_65, %swap3A_66] {strides = array<i32>} : memref<128x32xf32, #tpu.memory_space<vmem>>, vector<16xf32>,
        tpu.vector_store %arg10[%swap3A_65, %swap3A_66], %broadcast_in_dim3A_5 {strides = array<i32>} : memref<128x32xf32, #tpu.memory_space<vmem>>, vector<16xf32>,
        %scan3A_68 = arith.constant 5 : i32
        %scan3A_69 = arith.addi %scan3A_30, %scan3A_68 : i32
        %swap3A_70 = arith.index_cast %scan3A_69 : i32 to index
        %swap3A_71 = arith.constant 0 : index
        %swap3A_72 = tpu.vector_load %arg10[%swap3A_70, %swap3A_71] {strides = array<i32>} : memref<128x32xf32, #tpu.memory_space<vmem>>, vector<16xf32>,
        tpu.vector_store %arg10[%swap3A_70, %swap3A_71], %broadcast_in_dim3A_5 {strides = array<i32>} : memref<128x32xf32, #tpu.memory_space<vmem>>, vector<16xf32>,
        %swap3A_73 = arith.index_cast %scan3A_69 : i32 to index
        %swap3A_74 = arith.constant 16 : index
        %swap3A_75 = tpu.vector_load %arg10[%swap3A_73, %swap3A_74] {strides = array<i32>} : memref<128x32xf32, #tpu.memory_space<vmem>>, vector<16xf32>,
        tpu.vector_store %arg10[%swap3A_73, %swap3A_74], %broadcast_in_dim3A_5 {strides = array<i32>} : memref<128x32xf32, #tpu.memory_space<vmem>>, vector<16xf32>,
        %scan3A_76 = arith.constant 6 : i32
        %scan3A_77 = arith.addi %scan3A_30, %scan3A_76 : i32
        %swap3A_78 = arith.index_cast %scan3A_77 : i32 to index
        %swap3A_79 = arith.constant 0 : index
        %swap3A_80 = tpu.vector_load %arg10[%swap3A_78, %swap3A_79] {strides = array<i32>} : memref<128x32xf32, #tpu.memory_space<vmem>>, vector<16xf32>,
        tpu.vector_store %arg10[%swap3A_78, %swap3A_79], %broadcast_in_dim3A_5 {strides = array<i32>} : memref<128x32xf32, #tpu.memory_space<vmem>>, vector<16xf32>,
        %swap3A_81 = arith.index_cast %scan3A_77 : i32 to index
        %swap3A_82 = arith.constant 16 : index
        %swap3A_83 = tpu.vector_load %arg10[%swap3A_81, %swap3A_82] {strides = array<i32>} : memref<128x32xf32, #tpu.memory_space<vmem>>, vector<16xf32>,
        tpu.vector_store %arg10[%swap3A_81, %swap3A_82], %broadcast_in_dim3A_5 {strides = array<i32>} : memref<128x32xf32, #tpu.memory_space<vmem>>, vector<16xf32>,
        %scan3A_84 = arith.constant 7 : i32
        %scan3A_85 = arith.addi %scan3A_30, %scan3A_84 : i32
        %swap3A_86 = arith.index_cast %scan3A_85 : i32 to index
        %swap3A_87 = arith.constant 0 : index
        %swap3A_88 = tpu.vector_load %arg10[%swap3A_86, %swap3A_87] {strides = array<i32>} : memref<128x32xf32, #tpu.memory_space<vmem>>, vector<16xf32>,
        tpu.vector_store %arg10[%swap3A_86, %swap3A_87], %broadcast_in_dim3A_5 {strides = array<i32>} : memref<128x32xf32, #tpu.memory_space<vmem>>, vector<16xf32>,
        %swap3A_89 = arith.index_cast %scan3A_85 : i32 to index
        %swap3A_90 = arith.constant 16 : index
        %swap3A_91 = tpu.vector_load %arg10[%swap3A_89, %swap3A_90] {strides = array<i32>} : memref<128x32xf32, #tpu.memory_space<vmem>>, vector<16xf32>,
        tpu.vector_store %arg10[%swap3A_89, %swap3A_90], %broadcast_in_dim3A_5 {strides = array<i32>} : memref<128x32xf32, #tpu.memory_space<vmem>>, vector<16xf32>,
      }
      %scan3A_22 = arith.constant 128 : i32
      %scan3A_23 = arith.constant 0 : i32
      %scan3A_24 = arith.constant 128 : i32
      %scan3A_25 = arith.addi %scan3A_23, %scan3A_24 : i32
      %scan3A_26 = arith.constant 4 : i32
      scf.for %scan3A_30 = %scan3A_23 to %scan3A_25 step %scan3A_26  : i32 {
        %get3A = arith.index_cast %scan3A_30 : i32 to index
        %get3A_31 = arith.constant 0 : index
        %get3A_32 = tpu.vector_load %arg9[%get3A, %get3A_31] {strides = array<i32>} : memref<128x32xi32, #tpu.memory_space<vmem>>, vector<16xi32>,
        %get3A_33 = arith.index_cast %scan3A_30 : i32 to index
        %get3A_34 = arith.constant 16 : index
        %get3A_35 = tpu.vector_load %arg9[%get3A_33, %get3A_34] {strides = array<i32>} : memref<128x32xi32, #tpu.memory_space<vmem>>, vector<16xi32>,
        %broadcast_in_dim3A_36 = vector.broadcast %scan3A_30 : i32 to vector<16xi32>
        tpu.vector_store_idx %arg10[%broadcast_in_dim3A_36, %get3A_32], %broadcast_in_dim3A_3 {add = true} : memref<128x32xf32, #tpu.memory_space<vmem>>[vector<16xi32>, vector<16xi32>], vector<16xf32>,
        tpu.vector_store_idx %arg10[%broadcast_in_dim3A_36, %get3A_35], %broadcast_in_dim3A_3 {add = true} : memref<128x32xf32, #tpu.memory_space<vmem>>[vector<16xi32>, vector<16xi32>], vector<16xf32>,
        %scan3A_37 = arith.constant 1 : i32
        %scan3A_38 = arith.addi %scan3A_30, %scan3A_37 : i32
        %get3A_39 = arith.index_cast %scan3A_38 : i32 to index
        %get3A_40 = arith.constant 0 : index
        %get3A_41 = tpu.vector_load %arg9[%get3A_39, %get3A_40] {strides = array<i32>} : memref<128x32xi32, #tpu.memory_space<vmem>>, vector<16xi32>,
        %get3A_42 = arith.index_cast %scan3A_38 : i32 to index
        %get3A_43 = arith.constant 16 : index
        %get3A_44 = tpu.vector_load %arg9[%get3A_42, %get3A_43] {strides = array<i32>} : memref<128x32xi32, #tpu.memory_space<vmem>>, vector<16xi32>,
        %broadcast_in_dim3A_45 = vector.broadcast %scan3A_38 : i32 to vector<16xi32>
        tpu.vector_store_idx %arg10[%broadcast_in_dim3A_45, %get3A_41], %broadcast_in_dim3A_3 {add = true} : memref<128x32xf32, #tpu.memory_space<vmem>>[vector<16xi32>, vector<16xi32>], vector<16xf32>,
        tpu.vector_store_idx %arg10[%broadcast_in_dim3A_45, %get3A_44], %broadcast_in_dim3A_3 {add = true} : memref<128x32xf32, #tpu.memory_space<vmem>>[vector<16xi32>, vector<16xi32>], vector<16xf32>,
        %scan3A_46 = arith.constant 2 : i32
        %scan3A_47 = arith.addi %scan3A_30, %scan3A_46 : i32
        %get3A_48 = arith.index_cast %scan3A_47 : i32 to index
        %get3A_49 = arith.constant 0 : index
        %get3A_50 = tpu.vector_load %arg9[%get3A_48, %get3A_49] {strides = array<i32>} : memref<128x32xi32, #tpu.memory_space<vmem>>, vector<16xi32>,
        %get3A_51 = arith.index_cast %scan3A_47 : i32 to index
        %get3A_52 = arith.constant 16 : index
        %get3A_53 = tpu.vector_load %arg9[%get3A_51, %get3A_52] {strides = array<i32>} : memref<128x32xi32, #tpu.memory_space<vmem>>, vector<16xi32>,
        %broadcast_in_dim3A_54 = vector.broadcast %scan3A_47 : i32 to vector<16xi32>
        tpu.vector_store_idx %arg10[%broadcast_in_dim3A_54, %get3A_50], %broadcast_in_dim3A_3 {add = true} : memref<128x32xf32, #tpu.memory_space<vmem>>[vector<16xi32>, vector<16xi32>], vector<16xf32>,
        tpu.vector_store_idx %arg10[%broadcast_in_dim3A_54, %get3A_53], %broadcast_in_dim3A_3 {add = true} : memref<128x32xf32, #tpu.memory_space<vmem>>[vector<16xi32>, vector<16xi32>], vector<16xf32>,
        %scan3A_55 = arith.constant 3 : i32
        %scan3A_56 = arith.addi %scan3A_30, %scan3A_55 : i32
        %get3A_57 = arith.index_cast %scan3A_56 : i32 to index
        %get3A_58 = arith.constant 0 : index
        %get3A_59 = tpu.vector_load %arg9[%get3A_57, %get3A_58] {strides = array<i32>} : memref<128x32xi32, #tpu.memory_space<vmem>>, vector<16xi32>,
        %get3A_60 = arith.index_cast %scan3A_56 : i32 to index
        %get3A_61 = arith.constant 16 : index
        %get3A_62 = tpu.vector_load %arg9[%get3A_60, %get3A_61] {strides = array<i32>} : memref<128x32xi32, #tpu.memory_space<vmem>>, vector<16xi32>,
        %broadcast_in_dim3A_63 = vector.broadcast %scan3A_56 : i32 to vector<16xi32>
        tpu.vector_store_idx %arg10[%broadcast_in_dim3A_63, %get3A_59], %broadcast_in_dim3A_3 {add = true} : memref<128x32xf32, #tpu.memory_space<vmem>>[vector<16xi32>, vector<16xi32>], vector<16xf32>,
        tpu.vector_store_idx %arg10[%broadcast_in_dim3A_63, %get3A_62], %broadcast_in_dim3A_3 {add = true} : memref<128x32xf32, #tpu.memory_space<vmem>>[vector<16xi32>, vector<16xi32>], vector<16xf32>,
      }
      %scan3A_27 = arith.constant 128 : i32
      %dma_wait3A = arith.constant 0 : i32
      %dma_wait3A_28 = arith.constant 0 : i32
      %dma_wait3A_29 = tpu.memref_slice %arg4[%dma_wait3A, %dma_wait3A_28] : memref<100001x128xi32, #tpu.memory_space<hbm>> -> memref<100001x128xi32, #tpu.memory_space<hbm>>
      tpu.wait_indirect_dma semaphore(%arg11 : memref<!tpu.dma_semaphore, #tpu.memory_space<semaphore_mem>>) src(%dma_wait3A_29 : memref<100001x128xi32, #tpu.memory_space<hbm>>) dst(%arg8 : memref<128x128xi32, #tpu.memory_space<vmem>>)
      "tpu.region"() ({
        %run_scoped3A = tpu.sem_alloc : memref<!tpu.dma_semaphore, #tpu.memory_space<semaphore_mem>>
        %dma_start3A_30 = arith.constant 0 : i32
        %dma_start3A_31 = tpu.memref_slice %arg5[%add3A_13, %dma_start3A_30] : memref<40960x128xi32, #tpu.memory_space<hbm>> -> memref<128x128xi32, #tpu.memory_space<hbm>>
        %dma_start3A_32 = arith.constant 0 : i32
        %dma_start3A_33 = tpu.memref_slice %arg5[%add3A_13, %dma_start3A_32] : memref<40960x128xi32, #tpu.memory_space<hbm>> -> memref<128x128xi32, #tpu.memory_space<hbm>>
        tpu.enqueue_dma source(%arg8 : memref<128x128xi32, #tpu.memory_space<vmem>>) target(%dma_start3A_33 : memref<128x128xi32, #tpu.memory_space<hbm>>) target_semaphore(%run_scoped3A : memref<!tpu.dma_semaphore, #tpu.memory_space<semaphore_mem>>)
        %dma_wait3A_34 = arith.constant 0 : i32
        %dma_wait3A_35 = tpu.memref_slice %arg5[%add3A_13, %dma_wait3A_34] : memref<40960x128xi32, #tpu.memory_space<hbm>> -> memref<128x128xi32, #tpu.memory_space<hbm>>
        %dma_wait3A_36 = arith.constant 0 : i32
        %dma_wait3A_37 = tpu.memref_slice %arg5[%add3A_13, %dma_wait3A_36] : memref<40960x128xi32, #tpu.memory_space<hbm>> -> memref<128x128xi32, #tpu.memory_space<hbm>>
        tpu.wait_dma2 semaphore(%run_scoped3A : memref<!tpu.dma_semaphore, #tpu.memory_space<semaphore_mem>>) src(%arg8 : memref<128x128xi32, #tpu.memory_space<vmem>>) dst(%dma_wait3A_37 : memref<128x128xi32, #tpu.memory_space<hbm>>)
        tpu.yield
      }) : () -> ()
      "tpu.region"() ({
        %run_scoped3A = tpu.sem_alloc : memref<!tpu.dma_semaphore, #tpu.memory_space<semaphore_mem>>
        %dma_start3A_30 = arith.constant 0 : i32
        %dma_start3A_31 = tpu.memref_slice %arg6[%add3A_13, %dma_start3A_30] : memref<40960x32xf32, #tpu.memory_space<hbm>> -> memref<128x32xf32, #tpu.memory_space<hbm>>
        %dma_start3A_32 = arith.constant 0 : i32
        %dma_start3A_33 = tpu.memref_slice %arg6[%add3A_13, %dma_start3A_32] : memref<40960x32xf32, #tpu.memory_space<hbm>> -> memref<128x32xf32, #tpu.memory_space<hbm>>
        tpu.enqueue_dma source(%arg10 : memref<128x32xf32, #tpu.memory_space<vmem>>) target(%dma_start3A_33 : memref<128x32xf32, #tpu.memory_space<hbm>>) target_semaphore(%run_scoped3A : memref<!tpu.dma_semaphore, #tpu.memory_space<semaphore_mem>>)
        %dma_wait3A_34 = arith.constant 0 : i32
        %dma_wait3A_35 = tpu.memref_slice %arg6[%add3A_13, %dma_wait3A_34] : memref<40960x32xf32, #tpu.memory_space<hbm>> -> memref<128x32xf32, #tpu.memory_space<hbm>>
        %dma_wait3A_36 = arith.constant 0 : i32
        %dma_wait3A_37 = tpu.memref_slice %arg6[%add3A_13, %dma_wait3A_36] : memref<40960x32xf32, #tpu.memory_space<hbm>> -> memref<128x32xf32, #tpu.memory_space<hbm>>
        tpu.wait_dma2 semaphore(%run_scoped3A : memref<!tpu.dma_semaphore, #tpu.memory_space<semaphore_mem>>) src(%arg10 : memref<128x32xf32, #tpu.memory_space<vmem>>) dst(%dma_wait3A_37 : memref<128x32xf32, #tpu.memory_space<hbm>>)
        tpu.yield
      }) : () -> ()
    }
    %scan3A_9 = arith.constant 10 : i32
    return
  }
}

#map = affine_map<(d0, d1) -> (0)>
#map1 = affine_map<(d0, d1) -> (0, 0)>
module attributes {stable_mosaic.version = 14 : i64} {
  func.func @k(%arg0: i32, %arg1: i32, %arg2: memref<204800xi32, #tpu.memory_space<hbm>>, %arg3: memref<204800x32xi32, #tpu.memory_space<hbm>>, %arg4: memref<100001x128xi32, #tpu.memory_space<hbm>>, %arg5: memref<40960x128xi32, #tpu.memory_space<hbm>>, %arg6: memref<40960x32xf32, #tpu.memory_space<hbm>>, %arg7: memref<128xi32, #tpu.memory_space<vmem>>, %arg8: memref<128x128xi32, #tpu.memory_space<vmem>>, %arg9: memref<128x32xi32, #tpu.memory_space<vmem>>, %arg10: memref<128x32xf32, #tpu.memory_space<vmem>>, %arg11: memref<!tpu.dma_semaphore, #tpu.memory_space<semaphore_mem>>) attributes {dimension_semantics = [#tpu.dimension_semantics<core_parallel>, #tpu.dimension_semantics<subcore_parallel>], iteration_bounds = array<i64: 2, 16>, scalar_prefetch = 0 : i64, scratch_operands = 5 : i64, tpu.core_type = #tpu.core_type<sc_vector_subcore>, window_params = [{transform_indices = #map}, {transform_indices = #map1}, {transform_indices = #map1}, {transform_indices = #map1}, {transform_indices = #map1}]} {
    %mul3A = arith.constant 2 : i32
    %mul3A_0 = arith.muli %arg1, %mul3A : i32
    %add3A = arith.addi %mul3A_0, %arg0 : i32
    %mul3A_1 = arith.constant 1280 : i32
    %mul3A_2 = arith.muli %add3A, %mul3A_1 : i32
    %broadcast_in_dim3A = arith.constant 1.000000e+00 : f32
    %broadcast_in_dim3A_3 = vector.broadcast %broadcast_in_dim3A : f32 to vector<16xf32>
    %broadcast_in_dim3A_4 = arith.constant 0.000000e+00 : f32
    %broadcast_in_dim3A_5 = vector.broadcast %broadcast_in_dim3A_4 : f32 to vector<16xf32>
    %scan3A = arith.constant 0 : i32
    %scan3A_6 = arith.constant 10 : i32
    %scan3A_7 = arith.addi %scan3A, %scan3A_6 : i32
    %scan3A_8 = arith.constant 1 : i32
    scf.for %scan3A_10 = %scan3A to %scan3A_7 step %scan3A_8  : i32 {
      %mul3A_11 = arith.constant 128 : i32
      %mul3A_12 = arith.muli %scan3A_10, %mul3A_11 : i32
      %add3A_13 = arith.addi %mul3A_2, %mul3A_12 : i32
      %add3A_14 = arith.constant 0 : i32
      %add3A_15 = arith.addi %add3A_14, %add3A_13 : i32
      "tpu.region"() ({
        %run_scoped3A = tpu.sem_alloc : memref<!tpu.dma_semaphore, #tpu.memory_space<semaphore_mem>>
        %dma_start3A_30 = tpu.memref_slice %arg2[%add3A_15] : memref<204800xi32, #tpu.memory_space<hbm>> -> memref<128xi32, #tpu.memory_space<hbm>>
        %dma_start3A_31 = tpu.memref_slice %arg2[%add3A_15] : memref<204800xi32, #tpu.memory_space<hbm>> -> memref<128xi32, #tpu.memory_space<hbm>>
        tpu.enqueue_dma source(%dma_start3A_31 : memref<128xi32, #tpu.memory_space<hbm>>) target(%arg7 : memref<128xi32, #tpu.memory_space<vmem>>) target_semaphore(%run_scoped3A : memref<!tpu.dma_semaphore, #tpu.memory_space<semaphore_mem>>)
        %dma_wait3A_32 = tpu.memref_slice %arg2[%add3A_15] : memref<204800xi32, #tpu.memory_space<hbm>> -> memref<128xi32, #tpu.memory_space<hbm>>
        %dma_wait3A_33 = tpu.memref_slice %arg2[%add3A_15] : memref<204800xi32, #tpu.memory_space<hbm>> -> memref<128xi32, #tpu.memory_space<hbm>>
        tpu.wait_dma2 semaphore(%run_scoped3A : memref<!tpu.dma_semaphore, #tpu.memory_space<semaphore_mem>>) src(%dma_wait3A_33 : memref<128xi32, #tpu.memory_space<hbm>>) dst(%arg7 : memref<128xi32, #tpu.memory_space<vmem>>)
        tpu.yield
      }) : () -> ()
      %dma_start3A = arith.constant 0 : i32
      %dma_start3A_16 = arith.constant 0 : i32
      %dma_start3A_17 = tpu.memref_slice %arg4[%dma_start3A, %dma_start3A_16] : memref<100001x128xi32, #tpu.memory_space<hbm>> -> memref<100001x128xi32, #tpu.memory_space<hbm>>
      tpu.enqueue_indirect_dma source(%dma_start3A_17 : memref<100001x128xi32, #tpu.memory_space<hbm>>) target(%arg8 : memref<128x128xi32, #tpu.memory_space<vmem>>) offsets(%arg7 : memref<128xi32, #tpu.memory_space<vmem>>) semaphore(%arg11 : memref<!tpu.dma_semaphore, #tpu.memory_space<semaphore_mem>>)
      "tpu.region"() ({
        %run_scoped3A = tpu.sem_alloc : memref<!tpu.dma_semaphore, #tpu.memory_space<semaphore_mem>>
        %dma_start3A_30 = arith.constant 0 : i32
        %dma_start3A_31 = tpu.memref_slice %arg3[%add3A_15, %dma_start3A_30] : memref<204800x32xi32, #tpu.memory_space<hbm>> -> memref<128x32xi32, #tpu.memory_space<hbm>>
        %dma_start3A_32 = arith.constant 0 : i32
        %dma_start3A_33 = tpu.memref_slice %arg3[%add3A_15, %dma_start3A_32] : memref<204800x32xi32, #tpu.memory_space<hbm>> -> memref<128x32xi32, #tpu.memory_space<hbm>>
        tpu.enqueue_dma source(%dma_start3A_33 : memref<128x32xi32, #tpu.memory_space<hbm>>) target(%arg9 : memref<128x32xi32, #tpu.memory_space<vmem>>) target_semaphore(%run_scoped3A : memref<!tpu.dma_semaphore, #tpu.memory_space<semaphore_mem>>)
        %dma_wait3A_34 = arith.constant 0 : i32
        %dma_wait3A_35 = tpu.memref_slice %arg3[%add3A_15, %dma_wait3A_34] : memref<204800x32xi32, #tpu.memory_space<hbm>> -> memref<128x32xi32, #tpu.memory_space<hbm>>
        %dma_wait3A_36 = arith.constant 0 : i32
        %dma_wait3A_37 = tpu.memref_slice %arg3[%add3A_15, %dma_wait3A_36] : memref<204800x32xi32, #tpu.memory_space<hbm>> -> memref<128x32xi32, #tpu.memory_space<hbm>>
        tpu.wait_dma2 semaphore(%run_scoped3A : memref<!tpu.dma_semaphore, #tpu.memory_space<semaphore_mem>>) src(%dma_wait3A_37 : memref<128x32xi32, #tpu.memory_space<hbm>>) dst(%arg9 : memref<128x32xi32, #tpu.memory_space<vmem>>)
        tpu.yield
      }) : () -> ()
      %scan3A_18 = arith.constant 0 : i32
      %scan3A_19 = arith.constant 128 : i32
      %scan3A_20 = arith.addi %scan3A_18, %scan3A_19 : i32
      %scan3A_21 = arith.constant 8 : i32
      scf.for %scan3A_30 = %scan3A_18 to %scan3A_20 step %scan3A_21  : i32 {
        %swap3A = arith.index_cast %scan3A_30 : i32 to index
        %swap3A_31 = arith.constant 0 : index
        %swap3A_32 = tpu.vector_load %arg10[%swap3A, %swap3A_31] {strides = array<i32>} : memref<128x32xf32, #tpu.memory_space<vmem>>, vector<16xf32>,
        tpu.vector_store %arg10[%swap3A, %swap3A_31], %broadcast_in_dim3A_5 {strides = array<i32>} : memref<128x32xf32, #tpu.memory_space<vmem>>, vector<16xf32>,
        %swap3A_33 = arith.index_cast %scan3A_30 : i32 to index
        %swap3A_34 = arith.constant 16 : index
        %swap3A_35 = tpu.vector_load %arg10[%swap3A_33, %swap3A_34] {strides = array<i32>} : memref<128x32xf32, #tpu.memory_space<vmem>>, vector<16xf32>,
        tpu.vector_store %arg10[%swap3A_33, %swap3A_34], %broadcast_in_dim3A_5 {strides = array<i32>} : memref<128x32xf32, #tpu.memory_space<vmem>>, vector<16xf32>,
        %scan3A_36 = arith.constant 1 : i32
        %scan3A_37 = arith.addi %scan3A_30, %scan3A_36 : i32
        %swap3A_38 = arith.index_cast %scan3A_37 : i32 to index
        %swap3A_39 = arith.constant 0 : index
        %swap3A_40 = tpu.vector_load %arg10[%swap3A_38, %swap3A_39] {strides = array<i32>} : memref<128x32xf32, #tpu.memory_space<vmem>>, vector<16xf32>,
        tpu.vector_store %arg10[%swap3A_38, %swap3A_39], %broadcast_in_dim3A_5 {strides = array<i32>} : memref<128x32xf32, #tpu.memory_space<vmem>>, vector<16xf32>,
        %swap3A_41 = arith.index_cast %scan3A_37 : i32 to index
        %swap3A_42 = arith.constant 16 : index
        %swap3A_43 = tpu.vector_load %arg10[%swap3A_41, %swap3A_42] {strides = array<i32>} : memref<128x32xf32, #tpu.memory_space<vmem>>, vector<16xf32>,
        tpu.vector_store %arg10[%swap3A_41, %swap3A_42], %broadcast_in_dim3A_5 {strides = array<i32>} : memref<128x32xf32, #tpu.memory_space<vmem>>, vector<16xf32>,
        %scan3A_44 = arith.constant 2 : i32
        %scan3A_45 = arith.addi %scan3A_30, %scan3A_44 : i32
        %swap3A_46 = arith.index_cast %scan3A_45 : i32 to index
        %swap3A_47 = arith.constant 0 : index
        %swap3A_48 = tpu.vector_load %arg10[%swap3A_46, %swap3A_47] {strides = array<i32>} : memref<128x32xf32, #tpu.memory_space<vmem>>, vector<16xf32>,
        tpu.vector_store %arg10[%swap3A_46, %swap3A_47], %broadcast_in_dim3A_5 {strides = array<i32>} : memref<128x32xf32, #tpu.memory_space<vmem>>, vector<16xf32>,
        %swap3A_49 = arith.index_cast %scan3A_45 : i32 to index
        %swap3A_50 = arith.constant 16 : index
        %swap3A_51 = tpu.vector_load %arg10[%swap3A_49, %swap3A_50] {strides = array<i32>} : memref<128x32xf32, #tpu.memory_space<vmem>>, vector<16xf32>,
        tpu.vector_store %arg10[%swap3A_49, %swap3A_50], %broadcast_in_dim3A_5 {strides = array<i32>} : memref<128x32xf32, #tpu.memory_space<vmem>>, vector<16xf32>,
        %scan3A_52 = arith.constant 3 : i32
        %scan3A_53 = arith.addi %scan3A_30, %scan3A_52 : i32
        %swap3A_54 = arith.index_cast %scan3A_53 : i32 to index
        %swap3A_55 = arith.constant 0 : index
        %swap3A_56 = tpu.vector_load %arg10[%swap3A_54, %swap3A_55] {strides = array<i32>} : memref<128x32xf32, #tpu.memory_space<vmem>>, vector<16xf32>,
        tpu.vector_store %arg10[%swap3A_54, %swap3A_55], %broadcast_in_dim3A_5 {strides = array<i32>} : memref<128x32xf32, #tpu.memory_space<vmem>>, vector<16xf32>,
        %swap3A_57 = arith.index_cast %scan3A_53 : i32 to index
        %swap3A_58 = arith.constant 16 : index
        %swap3A_59 = tpu.vector_load %arg10[%swap3A_57, %swap3A_58] {strides = array<i32>} : memref<128x32xf32, #tpu.memory_space<vmem>>, vector<16xf32>,
        tpu.vector_store %arg10[%swap3A_57, %swap3A_58], %broadcast_in_dim3A_5 {strides = array<i32>} : memref<128x32xf32, #tpu.memory_space<vmem>>, vector<16xf32>,
        %scan3A_60 = arith.constant 4 : i32
        %scan3A_61 = arith.addi %scan3A_30, %scan3A_60 : i32
        %swap3A_62 = arith.index_cast %scan3A_61 : i32 to index
        %swap3A_63 = arith.constant 0 : index
        %swap3A_64 = tpu.vector_load %arg10[%swap3A_62, %swap3A_63] {strides = array<i32>} : memref<128x32xf32, #tpu.memory_space<vmem>>, vector<16xf32>,
        tpu.vector_store %arg10[%swap3A_62, %swap3A_63], %broadcast_in_dim3A_5 {strides = array<i32>} : memref<128x32xf32, #tpu.memory_space<vmem>>, vector<16xf32>,
        %swap3A_65 = arith.index_cast %scan3A_61 : i32 to index
        %swap3A_66 = arith.constant 16 : index
        %swap3A_67 = tpu.vector_load %arg10[%swap3A_65, %swap3A_66] {strides = array<i32>} : memref<128x32xf32, #tpu.memory_space<vmem>>, vector<16xf32>,
        tpu.vector_store %arg10[%swap3A_65, %swap3A_66], %broadcast_in_dim3A_5 {strides = array<i32>} : memref<128x32xf32, #tpu.memory_space<vmem>>, vector<16xf32>,
        %scan3A_68 = arith.constant 5 : i32
        %scan3A_69 = arith.addi %scan3A_30, %scan3A_68 : i32
        %swap3A_70 = arith.index_cast %scan3A_69 : i32 to index
        %swap3A_71 = arith.constant 0 : index
        %swap3A_72 = tpu.vector_load %arg10[%swap3A_70, %swap3A_71] {strides = array<i32>} : memref<128x32xf32, #tpu.memory_space<vmem>>, vector<16xf32>,
        tpu.vector_store %arg10[%swap3A_70, %swap3A_71], %broadcast_in_dim3A_5 {strides = array<i32>} : memref<128x32xf32, #tpu.memory_space<vmem>>, vector<16xf32>,
        %swap3A_73 = arith.index_cast %scan3A_69 : i32 to index
        %swap3A_74 = arith.constant 16 : index
        %swap3A_75 = tpu.vector_load %arg10[%swap3A_73, %swap3A_74] {strides = array<i32>} : memref<128x32xf32, #tpu.memory_space<vmem>>, vector<16xf32>,
        tpu.vector_store %arg10[%swap3A_73, %swap3A_74], %broadcast_in_dim3A_5 {strides = array<i32>} : memref<128x32xf32, #tpu.memory_space<vmem>>, vector<16xf32>,
        %scan3A_76 = arith.constant 6 : i32
        %scan3A_77 = arith.addi %scan3A_30, %scan3A_76 : i32
        %swap3A_78 = arith.index_cast %scan3A_77 : i32 to index
        %swap3A_79 = arith.constant 0 : index
        %swap3A_80 = tpu.vector_load %arg10[%swap3A_78, %swap3A_79] {strides = array<i32>} : memref<128x32xf32, #tpu.memory_space<vmem>>, vector<16xf32>,
        tpu.vector_store %arg10[%swap3A_78, %swap3A_79], %broadcast_in_dim3A_5 {strides = array<i32>} : memref<128x32xf32, #tpu.memory_space<vmem>>, vector<16xf32>,
        %swap3A_81 = arith.index_cast %scan3A_77 : i32 to index
        %swap3A_82 = arith.constant 16 : index
        %swap3A_83 = tpu.vector_load %arg10[%swap3A_81, %swap3A_82] {strides = array<i32>} : memref<128x32xf32, #tpu.memory_space<vmem>>, vector<16xf32>,
        tpu.vector_store %arg10[%swap3A_81, %swap3A_82], %broadcast_in_dim3A_5 {strides = array<i32>} : memref<128x32xf32, #tpu.memory_space<vmem>>, vector<16xf32>,
        %scan3A_84 = arith.constant 7 : i32
        %scan3A_85 = arith.addi %scan3A_30, %scan3A_84 : i32
        %swap3A_86 = arith.index_cast %scan3A_85 : i32 to index
        %swap3A_87 = arith.constant 0 : index
        %swap3A_88 = tpu.vector_load %arg10[%swap3A_86, %swap3A_87] {strides = array<i32>} : memref<128x32xf32, #tpu.memory_space<vmem>>, vector<16xf32>,
        tpu.vector_store %arg10[%swap3A_86, %swap3A_87], %broadcast_in_dim3A_5 {strides = array<i32>} : memref<128x32xf32, #tpu.memory_space<vmem>>, vector<16xf32>,
        %swap3A_89 = arith.index_cast %scan3A_85 : i32 to index
        %swap3A_90 = arith.constant 16 : index
        %swap3A_91 = tpu.vector_load %arg10[%swap3A_89, %swap3A_90] {strides = array<i32>} : memref<128x32xf32, #tpu.memory_space<vmem>>, vector<16xf32>,
        tpu.vector_store %arg10[%swap3A_89, %swap3A_90], %broadcast_in_dim3A_5 {strides = array<i32>} : memref<128x32xf32, #tpu.memory_space<vmem>>, vector<16xf32>,
      }
      %scan3A_22 = arith.constant 128 : i32
      %scan3A_23 = arith.constant 0 : i32
      %scan3A_24 = arith.constant 128 : i32
      %scan3A_25 = arith.addi %scan3A_23, %scan3A_24 : i32
      %scan3A_26 = arith.constant 4 : i32
      scf.for %scan3A_30 = %scan3A_23 to %scan3A_25 step %scan3A_26  : i32 {
        %get3A = arith.index_cast %scan3A_30 : i32 to index
        %get3A_31 = arith.constant 0 : index
        %get3A_32 = tpu.vector_load %arg9[%get3A, %get3A_31] {strides = array<i32>} : memref<128x32xi32, #tpu.memory_space<vmem>>, vector<16xi32>,
        %get3A_33 = arith.index_cast %scan3A_30 : i32 to index
        %get3A_34 = arith.constant 16 : index
        %get3A_35 = tpu.vector_load %arg9[%get3A_33, %get3A_34] {strides = array<i32>} : memref<128x32xi32, #tpu.memory_space<vmem>>, vector<16xi32>,
        %broadcast_in_dim3A_36 = vector.broadcast %scan3A_30 : i32 to vector<16xi32>
        tpu.vector_store_idx %arg10[%broadcast_in_dim3A_36, %get3A_32], %broadcast_in_dim3A_3 {add = true} : memref<128x32xf32, #tpu.memory_space<vmem>>[vector<16xi32>, vector<16xi32>], vector<16xf32>,
        tpu.vector_store_idx %arg10[%broadcast_in_dim3A_36, %get3A_35], %broadcast_in_dim3A_3 {add = true} : memref<128x32xf32, #tpu.memory_space<vmem>>[vector<16xi32>, vector<16xi32>], vector<16xf32>,
        %scan3A_37 = arith.constant 1 : i32
        %scan3A_38 = arith.addi %scan3A_30, %scan3A_37 : i32
        %get3A_39 = arith.index_cast %scan3A_38 : i32 to index
        %get3A_40 = arith.constant 0 : index
        %get3A_41 = tpu.vector_load %arg9[%get3A_39, %get3A_40] {strides = array<i32>} : memref<128x32xi32, #tpu.memory_space<vmem>>, vector<16xi32>,
        %get3A_42 = arith.index_cast %scan3A_38 : i32 to index
        %get3A_43 = arith.constant 16 : index
        %get3A_44 = tpu.vector_load %arg9[%get3A_42, %get3A_43] {strides = array<i32>} : memref<128x32xi32, #tpu.memory_space<vmem>>, vector<16xi32>,
        %broadcast_in_dim3A_45 = vector.broadcast %scan3A_38 : i32 to vector<16xi32>
        tpu.vector_store_idx %arg10[%broadcast_in_dim3A_45, %get3A_41], %broadcast_in_dim3A_3 {add = true} : memref<128x32xf32, #tpu.memory_space<vmem>>[vector<16xi32>, vector<16xi32>], vector<16xf32>,
        tpu.vector_store_idx %arg10[%broadcast_in_dim3A_45, %get3A_44], %broadcast_in_dim3A_3 {add = true} : memref<128x32xf32, #tpu.memory_space<vmem>>[vector<16xi32>, vector<16xi32>], vector<16xf32>,
        %scan3A_46 = arith.constant 2 : i32
        %scan3A_47 = arith.addi %scan3A_30, %scan3A_46 : i32
        %get3A_48 = arith.index_cast %scan3A_47 : i32 to index
        %get3A_49 = arith.constant 0 : index
        %get3A_50 = tpu.vector_load %arg9[%get3A_48, %get3A_49] {strides = array<i32>} : memref<128x32xi32, #tpu.memory_space<vmem>>, vector<16xi32>,
        %get3A_51 = arith.index_cast %scan3A_47 : i32 to index
        %get3A_52 = arith.constant 16 : index
        %get3A_53 = tpu.vector_load %arg9[%get3A_51, %get3A_52] {strides = array<i32>} : memref<128x32xi32, #tpu.memory_space<vmem>>, vector<16xi32>,
        %broadcast_in_dim3A_54 = vector.broadcast %scan3A_47 : i32 to vector<16xi32>
        tpu.vector_store_idx %arg10[%broadcast_in_dim3A_54, %get3A_50], %broadcast_in_dim3A_3 {add = true} : memref<128x32xf32, #tpu.memory_space<vmem>>[vector<16xi32>, vector<16xi32>], vector<16xf32>,
        tpu.vector_store_idx %arg10[%broadcast_in_dim3A_54, %get3A_53], %broadcast_in_dim3A_3 {add = true} : memref<128x32xf32, #tpu.memory_space<vmem>>[vector<16xi32>, vector<16xi32>], vector<16xf32>,
        %scan3A_55 = arith.constant 3 : i32
        %scan3A_56 = arith.addi %scan3A_30, %scan3A_55 : i32
        %get3A_57 = arith.index_cast %scan3A_56 : i32 to index
        %get3A_58 = arith.constant 0 : index
        %get3A_59 = tpu.vector_load %arg9[%get3A_57, %get3A_58] {strides = array<i32>} : memref<128x32xi32, #tpu.memory_space<vmem>>, vector<16xi32>,
        %get3A_60 = arith.index_cast %scan3A_56 : i32 to index
        %get3A_61 = arith.constant 16 : index
        %get3A_62 = tpu.vector_load %arg9[%get3A_60, %get3A_61] {strides = array<i32>} : memref<128x32xi32, #tpu.memory_space<vmem>>, vector<16xi32>,
        %broadcast_in_dim3A_63 = vector.broadcast %scan3A_56 : i32 to vector<16xi32>
        tpu.vector_store_idx %arg10[%broadcast_in_dim3A_63, %get3A_59], %broadcast_in_dim3A_3 {add = true} : memref<128x32xf32, #tpu.memory_space<vmem>>[vector<16xi32>, vector<16xi32>], vector<16xf32>,
        tpu.vector_store_idx %arg10[%broadcast_in_dim3A_63, %get3A_62], %broadcast_in_dim3A_3 {add = true} : memref<128x32xf32, #tpu.memory_space<vmem>>[vector<16xi32>, vector<16xi32>], vector<16xf32>,
      }
      %scan3A_27 = arith.constant 128 : i32
      %dma_wait3A = arith.constant 0 : i32
      %dma_wait3A_28 = arith.constant 0 : i32
      %dma_wait3A_29 = tpu.memref_slice %arg4[%dma_wait3A, %dma_wait3A_28] : memref<100001x128xi32, #tpu.memory_space<hbm>> -> memref<100001x128xi32, #tpu.memory_space<hbm>>
      tpu.wait_indirect_dma semaphore(%arg11 : memref<!tpu.dma_semaphore, #tpu.memory_space<semaphore_mem>>) src(%dma_wait3A_29 : memref<100001x128xi32, #tpu.memory_space<hbm>>) dst(%arg8 : memref<128x128xi32, #tpu.memory_space<vmem>>)
      "tpu.region"() ({
        %run_scoped3A = tpu.sem_alloc : memref<!tpu.dma_semaphore, #tpu.memory_space<semaphore_mem>>
        %dma_start3A_30 = arith.constant 0 : i32
        %dma_start3A_31 = tpu.memref_slice %arg5[%add3A_13, %dma_start3A_30] : memref<40960x128xi32, #tpu.memory_space<hbm>> -> memref<128x128xi32, #tpu.memory_space<hbm>>
        %dma_start3A_32 = arith.constant 0 : i32
        %dma_start3A_33 = tpu.memref_slice %arg5[%add3A_13, %dma_start3A_32] : memref<40960x128xi32, #tpu.memory_space<hbm>> -> memref<128x128xi32, #tpu.memory_space<hbm>>
        tpu.enqueue_dma source(%arg8 : memref<128x128xi32, #tpu.memory_space<vmem>>) target(%dma_start3A_33 : memref<128x128xi32, #tpu.memory_space<hbm>>) target_semaphore(%run_scoped3A : memref<!tpu.dma_semaphore, #tpu.memory_space<semaphore_mem>>)
        %dma_wait3A_34 = arith.constant 0 : i32
        %dma_wait3A_35 = tpu.memref_slice %arg5[%add3A_13, %dma_wait3A_34] : memref<40960x128xi32, #tpu.memory_space<hbm>> -> memref<128x128xi32, #tpu.memory_space<hbm>>
        %dma_wait3A_36 = arith.constant 0 : i32
        %dma_wait3A_37 = tpu.memref_slice %arg5[%add3A_13, %dma_wait3A_36] : memref<40960x128xi32, #tpu.memory_space<hbm>> -> memref<128x128xi32, #tpu.memory_space<hbm>>
        tpu.wait_dma2 semaphore(%run_scoped3A : memref<!tpu.dma_semaphore, #tpu.memory_space<semaphore_mem>>) src(%arg8 : memref<128x128xi32, #tpu.memory_space<vmem>>) dst(%dma_wait3A_37 : memref<128x128xi32, #tpu.memory_space<hbm>>)
        tpu.yield
      }) : () -> ()
      "tpu.region"() ({
        %run_scoped3A = tpu.sem_alloc : memref<!tpu.dma_semaphore, #tpu.memory_space<semaphore_mem>>
        %dma_start3A_30 = arith.constant 0 : i32
        %dma_start3A_31 = tpu.memref_slice %arg6[%add3A_13, %dma_start3A_30] : memref<40960x32xf32, #tpu.memory_space<hbm>> -> memref<128x32xf32, #tpu.memory_space<hbm>>
        %dma_start3A_32 = arith.constant 0 : i32
        %dma_start3A_33 = tpu.memref_slice %arg6[%add3A_13, %dma_start3A_32] : memref<40960x32xf32, #tpu.memory_space<hbm>> -> memref<128x32xf32, #tpu.memory_space<hbm>>
        tpu.enqueue_dma source(%arg10 : memref<128x32xf32, #tpu.memory_space<vmem>>) target(%dma_start3A_33 : memref<128x32xf32, #tpu.memory_space<hbm>>) target_semaphore(%run_scoped3A : memref<!tpu.dma_semaphore, #tpu.memory_space<semaphore_mem>>)
        %dma_wait3A_34 = arith.constant 0 : i32
        %dma_wait3A_35 = tpu.memref_slice %arg6[%add3A_13, %dma_wait3A_34] : memref<40960x32xf32, #tpu.memory_space<hbm>> -> memref<128x32xf32, #tpu.memory_space<hbm>>
        %dma_wait3A_36 = arith.constant 0 : i32
        %dma_wait3A_37 = tpu.memref_slice %arg6[%add3A_13, %dma_wait3A_36] : memref<40960x32xf32, #tpu.memory_space<hbm>> -> memref<128x32xf32, #tpu.memory_space<hbm>>
        tpu.wait_dma2 semaphore(%run_scoped3A : memref<!tpu.dma_semaphore, #tpu.memory_space<semaphore_mem>>) src(%arg10 : memref<128x32xf32, #tpu.memory_space<vmem>>) dst(%dma_wait3A_37 : memref<128x32xf32, #tpu.memory_space<hbm>>)
        tpu.yield
      }) : () -> ()
    }
    %scan3A_9 = arith.constant 10 : i32
    return
  }
}

#map = affine_map<(d0, d1) -> (0)>
#map1 = affine_map<(d0, d1) -> (0, 0)>
module attributes {stable_mosaic.version = 14 : i64} {
  func.func @k(%arg0: i32, %arg1: i32, %arg2: memref<204800xi32, #tpu.memory_space<hbm>>, %arg3: memref<204800x32xi32, #tpu.memory_space<hbm>>, %arg4: memref<100001x128xi32, #tpu.memory_space<hbm>>, %arg5: memref<40960x128xi32, #tpu.memory_space<hbm>>, %arg6: memref<40960x32xf32, #tpu.memory_space<hbm>>, %arg7: memref<128xi32, #tpu.memory_space<vmem>>, %arg8: memref<128x128xi32, #tpu.memory_space<vmem>>, %arg9: memref<128x32xi32, #tpu.memory_space<vmem>>, %arg10: memref<128x32xf32, #tpu.memory_space<vmem>>, %arg11: memref<!tpu.dma_semaphore, #tpu.memory_space<semaphore_mem>>) attributes {dimension_semantics = [#tpu.dimension_semantics<core_parallel>, #tpu.dimension_semantics<subcore_parallel>], iteration_bounds = array<i64: 2, 16>, scalar_prefetch = 0 : i64, scratch_operands = 5 : i64, tpu.core_type = #tpu.core_type<sc_vector_subcore>, window_params = [{transform_indices = #map}, {transform_indices = #map1}, {transform_indices = #map1}, {transform_indices = #map1}, {transform_indices = #map1}]} {
    %mul3A = arith.constant 2 : i32
    %mul3A_0 = arith.muli %arg1, %mul3A : i32
    %add3A = arith.addi %mul3A_0, %arg0 : i32
    %mul3A_1 = arith.constant 1280 : i32
    %mul3A_2 = arith.muli %add3A, %mul3A_1 : i32
    %broadcast_in_dim3A = arith.constant 1.000000e+00 : f32
    %broadcast_in_dim3A_3 = vector.broadcast %broadcast_in_dim3A : f32 to vector<16xf32>
    %broadcast_in_dim3A_4 = arith.constant 0.000000e+00 : f32
    %broadcast_in_dim3A_5 = vector.broadcast %broadcast_in_dim3A_4 : f32 to vector<16xf32>
    %scan3A = arith.constant 0 : i32
    %scan3A_6 = arith.constant 10 : i32
    %scan3A_7 = arith.addi %scan3A, %scan3A_6 : i32
    %scan3A_8 = arith.constant 1 : i32
    scf.for %scan3A_10 = %scan3A to %scan3A_7 step %scan3A_8  : i32 {
      %mul3A_11 = arith.constant 128 : i32
      %mul3A_12 = arith.muli %scan3A_10, %mul3A_11 : i32
      %add3A_13 = arith.addi %mul3A_2, %mul3A_12 : i32
      %add3A_14 = arith.constant 122880 : i32
      %add3A_15 = arith.addi %add3A_14, %add3A_13 : i32
      "tpu.region"() ({
        %run_scoped3A = tpu.sem_alloc : memref<!tpu.dma_semaphore, #tpu.memory_space<semaphore_mem>>
        %dma_start3A_30 = tpu.memref_slice %arg2[%add3A_15] : memref<204800xi32, #tpu.memory_space<hbm>> -> memref<128xi32, #tpu.memory_space<hbm>>
        %dma_start3A_31 = tpu.memref_slice %arg2[%add3A_15] : memref<204800xi32, #tpu.memory_space<hbm>> -> memref<128xi32, #tpu.memory_space<hbm>>
        tpu.enqueue_dma source(%dma_start3A_31 : memref<128xi32, #tpu.memory_space<hbm>>) target(%arg7 : memref<128xi32, #tpu.memory_space<vmem>>) target_semaphore(%run_scoped3A : memref<!tpu.dma_semaphore, #tpu.memory_space<semaphore_mem>>)
        %dma_wait3A_32 = tpu.memref_slice %arg2[%add3A_15] : memref<204800xi32, #tpu.memory_space<hbm>> -> memref<128xi32, #tpu.memory_space<hbm>>
        %dma_wait3A_33 = tpu.memref_slice %arg2[%add3A_15] : memref<204800xi32, #tpu.memory_space<hbm>> -> memref<128xi32, #tpu.memory_space<hbm>>
        tpu.wait_dma2 semaphore(%run_scoped3A : memref<!tpu.dma_semaphore, #tpu.memory_space<semaphore_mem>>) src(%dma_wait3A_33 : memref<128xi32, #tpu.memory_space<hbm>>) dst(%arg7 : memref<128xi32, #tpu.memory_space<vmem>>)
        tpu.yield
      }) : () -> ()
      %dma_start3A = arith.constant 0 : i32
      %dma_start3A_16 = arith.constant 0 : i32
      %dma_start3A_17 = tpu.memref_slice %arg4[%dma_start3A, %dma_start3A_16] : memref<100001x128xi32, #tpu.memory_space<hbm>> -> memref<100001x128xi32, #tpu.memory_space<hbm>>
      tpu.enqueue_indirect_dma source(%dma_start3A_17 : memref<100001x128xi32, #tpu.memory_space<hbm>>) target(%arg8 : memref<128x128xi32, #tpu.memory_space<vmem>>) offsets(%arg7 : memref<128xi32, #tpu.memory_space<vmem>>) semaphore(%arg11 : memref<!tpu.dma_semaphore, #tpu.memory_space<semaphore_mem>>)
      "tpu.region"() ({
        %run_scoped3A = tpu.sem_alloc : memref<!tpu.dma_semaphore, #tpu.memory_space<semaphore_mem>>
        %dma_start3A_30 = arith.constant 0 : i32
        %dma_start3A_31 = tpu.memref_slice %arg3[%add3A_15, %dma_start3A_30] : memref<204800x32xi32, #tpu.memory_space<hbm>> -> memref<128x32xi32, #tpu.memory_space<hbm>>
        %dma_start3A_32 = arith.constant 0 : i32
        %dma_start3A_33 = tpu.memref_slice %arg3[%add3A_15, %dma_start3A_32] : memref<204800x32xi32, #tpu.memory_space<hbm>> -> memref<128x32xi32, #tpu.memory_space<hbm>>
        tpu.enqueue_dma source(%dma_start3A_33 : memref<128x32xi32, #tpu.memory_space<hbm>>) target(%arg9 : memref<128x32xi32, #tpu.memory_space<vmem>>) target_semaphore(%run_scoped3A : memref<!tpu.dma_semaphore, #tpu.memory_space<semaphore_mem>>)
        %dma_wait3A_34 = arith.constant 0 : i32
        %dma_wait3A_35 = tpu.memref_slice %arg3[%add3A_15, %dma_wait3A_34] : memref<204800x32xi32, #tpu.memory_space<hbm>> -> memref<128x32xi32, #tpu.memory_space<hbm>>
        %dma_wait3A_36 = arith.constant 0 : i32
        %dma_wait3A_37 = tpu.memref_slice %arg3[%add3A_15, %dma_wait3A_36] : memref<204800x32xi32, #tpu.memory_space<hbm>> -> memref<128x32xi32, #tpu.memory_space<hbm>>
        tpu.wait_dma2 semaphore(%run_scoped3A : memref<!tpu.dma_semaphore, #tpu.memory_space<semaphore_mem>>) src(%dma_wait3A_37 : memref<128x32xi32, #tpu.memory_space<hbm>>) dst(%arg9 : memref<128x32xi32, #tpu.memory_space<vmem>>)
        tpu.yield
      }) : () -> ()
      %scan3A_18 = arith.constant 0 : i32
      %scan3A_19 = arith.constant 128 : i32
      %scan3A_20 = arith.addi %scan3A_18, %scan3A_19 : i32
      %scan3A_21 = arith.constant 8 : i32
      scf.for %scan3A_30 = %scan3A_18 to %scan3A_20 step %scan3A_21  : i32 {
        %swap3A = arith.index_cast %scan3A_30 : i32 to index
        %swap3A_31 = arith.constant 0 : index
        %swap3A_32 = tpu.vector_load %arg10[%swap3A, %swap3A_31] {strides = array<i32>} : memref<128x32xf32, #tpu.memory_space<vmem>>, vector<16xf32>,
        tpu.vector_store %arg10[%swap3A, %swap3A_31], %broadcast_in_dim3A_5 {strides = array<i32>} : memref<128x32xf32, #tpu.memory_space<vmem>>, vector<16xf32>,
        %swap3A_33 = arith.index_cast %scan3A_30 : i32 to index
        %swap3A_34 = arith.constant 16 : index
        %swap3A_35 = tpu.vector_load %arg10[%swap3A_33, %swap3A_34] {strides = array<i32>} : memref<128x32xf32, #tpu.memory_space<vmem>>, vector<16xf32>,
        tpu.vector_store %arg10[%swap3A_33, %swap3A_34], %broadcast_in_dim3A_5 {strides = array<i32>} : memref<128x32xf32, #tpu.memory_space<vmem>>, vector<16xf32>,
        %scan3A_36 = arith.constant 1 : i32
        %scan3A_37 = arith.addi %scan3A_30, %scan3A_36 : i32
        %swap3A_38 = arith.index_cast %scan3A_37 : i32 to index
        %swap3A_39 = arith.constant 0 : index
        %swap3A_40 = tpu.vector_load %arg10[%swap3A_38, %swap3A_39] {strides = array<i32>} : memref<128x32xf32, #tpu.memory_space<vmem>>, vector<16xf32>,
        tpu.vector_store %arg10[%swap3A_38, %swap3A_39], %broadcast_in_dim3A_5 {strides = array<i32>} : memref<128x32xf32, #tpu.memory_space<vmem>>, vector<16xf32>,
        %swap3A_41 = arith.index_cast %scan3A_37 : i32 to index
        %swap3A_42 = arith.constant 16 : index
        %swap3A_43 = tpu.vector_load %arg10[%swap3A_41, %swap3A_42] {strides = array<i32>} : memref<128x32xf32, #tpu.memory_space<vmem>>, vector<16xf32>,
        tpu.vector_store %arg10[%swap3A_41, %swap3A_42], %broadcast_in_dim3A_5 {strides = array<i32>} : memref<128x32xf32, #tpu.memory_space<vmem>>, vector<16xf32>,
        %scan3A_44 = arith.constant 2 : i32
        %scan3A_45 = arith.addi %scan3A_30, %scan3A_44 : i32
        %swap3A_46 = arith.index_cast %scan3A_45 : i32 to index
        %swap3A_47 = arith.constant 0 : index
        %swap3A_48 = tpu.vector_load %arg10[%swap3A_46, %swap3A_47] {strides = array<i32>} : memref<128x32xf32, #tpu.memory_space<vmem>>, vector<16xf32>,
        tpu.vector_store %arg10[%swap3A_46, %swap3A_47], %broadcast_in_dim3A_5 {strides = array<i32>} : memref<128x32xf32, #tpu.memory_space<vmem>>, vector<16xf32>,
        %swap3A_49 = arith.index_cast %scan3A_45 : i32 to index
        %swap3A_50 = arith.constant 16 : index
        %swap3A_51 = tpu.vector_load %arg10[%swap3A_49, %swap3A_50] {strides = array<i32>} : memref<128x32xf32, #tpu.memory_space<vmem>>, vector<16xf32>,
        tpu.vector_store %arg10[%swap3A_49, %swap3A_50], %broadcast_in_dim3A_5 {strides = array<i32>} : memref<128x32xf32, #tpu.memory_space<vmem>>, vector<16xf32>,
        %scan3A_52 = arith.constant 3 : i32
        %scan3A_53 = arith.addi %scan3A_30, %scan3A_52 : i32
        %swap3A_54 = arith.index_cast %scan3A_53 : i32 to index
        %swap3A_55 = arith.constant 0 : index
        %swap3A_56 = tpu.vector_load %arg10[%swap3A_54, %swap3A_55] {strides = array<i32>} : memref<128x32xf32, #tpu.memory_space<vmem>>, vector<16xf32>,
        tpu.vector_store %arg10[%swap3A_54, %swap3A_55], %broadcast_in_dim3A_5 {strides = array<i32>} : memref<128x32xf32, #tpu.memory_space<vmem>>, vector<16xf32>,
        %swap3A_57 = arith.index_cast %scan3A_53 : i32 to index
        %swap3A_58 = arith.constant 16 : index
        %swap3A_59 = tpu.vector_load %arg10[%swap3A_57, %swap3A_58] {strides = array<i32>} : memref<128x32xf32, #tpu.memory_space<vmem>>, vector<16xf32>,
        tpu.vector_store %arg10[%swap3A_57, %swap3A_58], %broadcast_in_dim3A_5 {strides = array<i32>} : memref<128x32xf32, #tpu.memory_space<vmem>>, vector<16xf32>,
        %scan3A_60 = arith.constant 4 : i32
        %scan3A_61 = arith.addi %scan3A_30, %scan3A_60 : i32
        %swap3A_62 = arith.index_cast %scan3A_61 : i32 to index
        %swap3A_63 = arith.constant 0 : index
        %swap3A_64 = tpu.vector_load %arg10[%swap3A_62, %swap3A_63] {strides = array<i32>} : memref<128x32xf32, #tpu.memory_space<vmem>>, vector<16xf32>,
        tpu.vector_store %arg10[%swap3A_62, %swap3A_63], %broadcast_in_dim3A_5 {strides = array<i32>} : memref<128x32xf32, #tpu.memory_space<vmem>>, vector<16xf32>,
        %swap3A_65 = arith.index_cast %scan3A_61 : i32 to index
        %swap3A_66 = arith.constant 16 : index
        %swap3A_67 = tpu.vector_load %arg10[%swap3A_65, %swap3A_66] {strides = array<i32>} : memref<128x32xf32, #tpu.memory_space<vmem>>, vector<16xf32>,
        tpu.vector_store %arg10[%swap3A_65, %swap3A_66], %broadcast_in_dim3A_5 {strides = array<i32>} : memref<128x32xf32, #tpu.memory_space<vmem>>, vector<16xf32>,
        %scan3A_68 = arith.constant 5 : i32
        %scan3A_69 = arith.addi %scan3A_30, %scan3A_68 : i32
        %swap3A_70 = arith.index_cast %scan3A_69 : i32 to index
        %swap3A_71 = arith.constant 0 : index
        %swap3A_72 = tpu.vector_load %arg10[%swap3A_70, %swap3A_71] {strides = array<i32>} : memref<128x32xf32, #tpu.memory_space<vmem>>, vector<16xf32>,
        tpu.vector_store %arg10[%swap3A_70, %swap3A_71], %broadcast_in_dim3A_5 {strides = array<i32>} : memref<128x32xf32, #tpu.memory_space<vmem>>, vector<16xf32>,
        %swap3A_73 = arith.index_cast %scan3A_69 : i32 to index
        %swap3A_74 = arith.constant 16 : index
        %swap3A_75 = tpu.vector_load %arg10[%swap3A_73, %swap3A_74] {strides = array<i32>} : memref<128x32xf32, #tpu.memory_space<vmem>>, vector<16xf32>,
        tpu.vector_store %arg10[%swap3A_73, %swap3A_74], %broadcast_in_dim3A_5 {strides = array<i32>} : memref<128x32xf32, #tpu.memory_space<vmem>>, vector<16xf32>,
        %scan3A_76 = arith.constant 6 : i32
        %scan3A_77 = arith.addi %scan3A_30, %scan3A_76 : i32
        %swap3A_78 = arith.index_cast %scan3A_77 : i32 to index
        %swap3A_79 = arith.constant 0 : index
        %swap3A_80 = tpu.vector_load %arg10[%swap3A_78, %swap3A_79] {strides = array<i32>} : memref<128x32xf32, #tpu.memory_space<vmem>>, vector<16xf32>,
        tpu.vector_store %arg10[%swap3A_78, %swap3A_79], %broadcast_in_dim3A_5 {strides = array<i32>} : memref<128x32xf32, #tpu.memory_space<vmem>>, vector<16xf32>,
        %swap3A_81 = arith.index_cast %scan3A_77 : i32 to index
        %swap3A_82 = arith.constant 16 : index
        %swap3A_83 = tpu.vector_load %arg10[%swap3A_81, %swap3A_82] {strides = array<i32>} : memref<128x32xf32, #tpu.memory_space<vmem>>, vector<16xf32>,
        tpu.vector_store %arg10[%swap3A_81, %swap3A_82], %broadcast_in_dim3A_5 {strides = array<i32>} : memref<128x32xf32, #tpu.memory_space<vmem>>, vector<16xf32>,
        %scan3A_84 = arith.constant 7 : i32
        %scan3A_85 = arith.addi %scan3A_30, %scan3A_84 : i32
        %swap3A_86 = arith.index_cast %scan3A_85 : i32 to index
        %swap3A_87 = arith.constant 0 : index
        %swap3A_88 = tpu.vector_load %arg10[%swap3A_86, %swap3A_87] {strides = array<i32>} : memref<128x32xf32, #tpu.memory_space<vmem>>, vector<16xf32>,
        tpu.vector_store %arg10[%swap3A_86, %swap3A_87], %broadcast_in_dim3A_5 {strides = array<i32>} : memref<128x32xf32, #tpu.memory_space<vmem>>, vector<16xf32>,
        %swap3A_89 = arith.index_cast %scan3A_85 : i32 to index
        %swap3A_90 = arith.constant 16 : index
        %swap3A_91 = tpu.vector_load %arg10[%swap3A_89, %swap3A_90] {strides = array<i32>} : memref<128x32xf32, #tpu.memory_space<vmem>>, vector<16xf32>,
        tpu.vector_store %arg10[%swap3A_89, %swap3A_90], %broadcast_in_dim3A_5 {strides = array<i32>} : memref<128x32xf32, #tpu.memory_space<vmem>>, vector<16xf32>,
      }
      %scan3A_22 = arith.constant 128 : i32
      %scan3A_23 = arith.constant 0 : i32
      %scan3A_24 = arith.constant 128 : i32
      %scan3A_25 = arith.addi %scan3A_23, %scan3A_24 : i32
      %scan3A_26 = arith.constant 4 : i32
      scf.for %scan3A_30 = %scan3A_23 to %scan3A_25 step %scan3A_26  : i32 {
        %get3A = arith.index_cast %scan3A_30 : i32 to index
        %get3A_31 = arith.constant 0 : index
        %get3A_32 = tpu.vector_load %arg9[%get3A, %get3A_31] {strides = array<i32>} : memref<128x32xi32, #tpu.memory_space<vmem>>, vector<16xi32>,
        %get3A_33 = arith.index_cast %scan3A_30 : i32 to index
        %get3A_34 = arith.constant 16 : index
        %get3A_35 = tpu.vector_load %arg9[%get3A_33, %get3A_34] {strides = array<i32>} : memref<128x32xi32, #tpu.memory_space<vmem>>, vector<16xi32>,
        %broadcast_in_dim3A_36 = vector.broadcast %scan3A_30 : i32 to vector<16xi32>
        tpu.vector_store_idx %arg10[%broadcast_in_dim3A_36, %get3A_32], %broadcast_in_dim3A_3 {add = true} : memref<128x32xf32, #tpu.memory_space<vmem>>[vector<16xi32>, vector<16xi32>], vector<16xf32>,
        tpu.vector_store_idx %arg10[%broadcast_in_dim3A_36, %get3A_35], %broadcast_in_dim3A_3 {add = true} : memref<128x32xf32, #tpu.memory_space<vmem>>[vector<16xi32>, vector<16xi32>], vector<16xf32>,
        %scan3A_37 = arith.constant 1 : i32
        %scan3A_38 = arith.addi %scan3A_30, %scan3A_37 : i32
        %get3A_39 = arith.index_cast %scan3A_38 : i32 to index
        %get3A_40 = arith.constant 0 : index
        %get3A_41 = tpu.vector_load %arg9[%get3A_39, %get3A_40] {strides = array<i32>} : memref<128x32xi32, #tpu.memory_space<vmem>>, vector<16xi32>,
        %get3A_42 = arith.index_cast %scan3A_38 : i32 to index
        %get3A_43 = arith.constant 16 : index
        %get3A_44 = tpu.vector_load %arg9[%get3A_42, %get3A_43] {strides = array<i32>} : memref<128x32xi32, #tpu.memory_space<vmem>>, vector<16xi32>,
        %broadcast_in_dim3A_45 = vector.broadcast %scan3A_38 : i32 to vector<16xi32>
        tpu.vector_store_idx %arg10[%broadcast_in_dim3A_45, %get3A_41], %broadcast_in_dim3A_3 {add = true} : memref<128x32xf32, #tpu.memory_space<vmem>>[vector<16xi32>, vector<16xi32>], vector<16xf32>,
        tpu.vector_store_idx %arg10[%broadcast_in_dim3A_45, %get3A_44], %broadcast_in_dim3A_3 {add = true} : memref<128x32xf32, #tpu.memory_space<vmem>>[vector<16xi32>, vector<16xi32>], vector<16xf32>,
        %scan3A_46 = arith.constant 2 : i32
        %scan3A_47 = arith.addi %scan3A_30, %scan3A_46 : i32
        %get3A_48 = arith.index_cast %scan3A_47 : i32 to index
        %get3A_49 = arith.constant 0 : index
        %get3A_50 = tpu.vector_load %arg9[%get3A_48, %get3A_49] {strides = array<i32>} : memref<128x32xi32, #tpu.memory_space<vmem>>, vector<16xi32>,
        %get3A_51 = arith.index_cast %scan3A_47 : i32 to index
        %get3A_52 = arith.constant 16 : index
        %get3A_53 = tpu.vector_load %arg9[%get3A_51, %get3A_52] {strides = array<i32>} : memref<128x32xi32, #tpu.memory_space<vmem>>, vector<16xi32>,
        %broadcast_in_dim3A_54 = vector.broadcast %scan3A_47 : i32 to vector<16xi32>
        tpu.vector_store_idx %arg10[%broadcast_in_dim3A_54, %get3A_50], %broadcast_in_dim3A_3 {add = true} : memref<128x32xf32, #tpu.memory_space<vmem>>[vector<16xi32>, vector<16xi32>], vector<16xf32>,
        tpu.vector_store_idx %arg10[%broadcast_in_dim3A_54, %get3A_53], %broadcast_in_dim3A_3 {add = true} : memref<128x32xf32, #tpu.memory_space<vmem>>[vector<16xi32>, vector<16xi32>], vector<16xf32>,
        %scan3A_55 = arith.constant 3 : i32
        %scan3A_56 = arith.addi %scan3A_30, %scan3A_55 : i32
        %get3A_57 = arith.index_cast %scan3A_56 : i32 to index
        %get3A_58 = arith.constant 0 : index
        %get3A_59 = tpu.vector_load %arg9[%get3A_57, %get3A_58] {strides = array<i32>} : memref<128x32xi32, #tpu.memory_space<vmem>>, vector<16xi32>,
        %get3A_60 = arith.index_cast %scan3A_56 : i32 to index
        %get3A_61 = arith.constant 16 : index
        %get3A_62 = tpu.vector_load %arg9[%get3A_60, %get3A_61] {strides = array<i32>} : memref<128x32xi32, #tpu.memory_space<vmem>>, vector<16xi32>,
        %broadcast_in_dim3A_63 = vector.broadcast %scan3A_56 : i32 to vector<16xi32>
        tpu.vector_store_idx %arg10[%broadcast_in_dim3A_63, %get3A_59], %broadcast_in_dim3A_3 {add = true} : memref<128x32xf32, #tpu.memory_space<vmem>>[vector<16xi32>, vector<16xi32>], vector<16xf32>,
        tpu.vector_store_idx %arg10[%broadcast_in_dim3A_63, %get3A_62], %broadcast_in_dim3A_3 {add = true} : memref<128x32xf32, #tpu.memory_space<vmem>>[vector<16xi32>, vector<16xi32>], vector<16xf32>,
      }
      %scan3A_27 = arith.constant 128 : i32
      %dma_wait3A = arith.constant 0 : i32
      %dma_wait3A_28 = arith.constant 0 : i32
      %dma_wait3A_29 = tpu.memref_slice %arg4[%dma_wait3A, %dma_wait3A_28] : memref<100001x128xi32, #tpu.memory_space<hbm>> -> memref<100001x128xi32, #tpu.memory_space<hbm>>
      tpu.wait_indirect_dma semaphore(%arg11 : memref<!tpu.dma_semaphore, #tpu.memory_space<semaphore_mem>>) src(%dma_wait3A_29 : memref<100001x128xi32, #tpu.memory_space<hbm>>) dst(%arg8 : memref<128x128xi32, #tpu.memory_space<vmem>>)
      "tpu.region"() ({
        %run_scoped3A = tpu.sem_alloc : memref<!tpu.dma_semaphore, #tpu.memory_space<semaphore_mem>>
        %dma_start3A_30 = arith.constant 0 : i32
        %dma_start3A_31 = tpu.memref_slice %arg5[%add3A_13, %dma_start3A_30] : memref<40960x128xi32, #tpu.memory_space<hbm>> -> memref<128x128xi32, #tpu.memory_space<hbm>>
        %dma_start3A_32 = arith.constant 0 : i32
        %dma_start3A_33 = tpu.memref_slice %arg5[%add3A_13, %dma_start3A_32] : memref<40960x128xi32, #tpu.memory_space<hbm>> -> memref<128x128xi32, #tpu.memory_space<hbm>>
        tpu.enqueue_dma source(%arg8 : memref<128x128xi32, #tpu.memory_space<vmem>>) target(%dma_start3A_33 : memref<128x128xi32, #tpu.memory_space<hbm>>) target_semaphore(%run_scoped3A : memref<!tpu.dma_semaphore, #tpu.memory_space<semaphore_mem>>)
        %dma_wait3A_34 = arith.constant 0 : i32
        %dma_wait3A_35 = tpu.memref_slice %arg5[%add3A_13, %dma_wait3A_34] : memref<40960x128xi32, #tpu.memory_space<hbm>> -> memref<128x128xi32, #tpu.memory_space<hbm>>
        %dma_wait3A_36 = arith.constant 0 : i32
        %dma_wait3A_37 = tpu.memref_slice %arg5[%add3A_13, %dma_wait3A_36] : memref<40960x128xi32, #tpu.memory_space<hbm>> -> memref<128x128xi32, #tpu.memory_space<hbm>>
        tpu.wait_dma2 semaphore(%run_scoped3A : memref<!tpu.dma_semaphore, #tpu.memory_space<semaphore_mem>>) src(%arg8 : memref<128x128xi32, #tpu.memory_space<vmem>>) dst(%dma_wait3A_37 : memref<128x128xi32, #tpu.memory_space<hbm>>)
        tpu.yield
      }) : () -> ()
      "tpu.region"() ({
        %run_scoped3A = tpu.sem_alloc : memref<!tpu.dma_semaphore, #tpu.memory_space<semaphore_mem>>
        %dma_start3A_30 = arith.constant 0 : i32
        %dma_start3A_31 = tpu.memref_slice %arg6[%add3A_13, %dma_start3A_30] : memref<40960x32xf32, #tpu.memory_space<hbm>> -> memref<128x32xf32, #tpu.memory_space<hbm>>
        %dma_start3A_32 = arith.constant 0 : i32
        %dma_start3A_33 = tpu.memref_slice %arg6[%add3A_13, %dma_start3A_32] : memref<40960x32xf32, #tpu.memory_space<hbm>> -> memref<128x32xf32, #tpu.memory_space<hbm>>
        tpu.enqueue_dma source(%arg10 : memref<128x32xf32, #tpu.memory_space<vmem>>) target(%dma_start3A_33 : memref<128x32xf32, #tpu.memory_space<hbm>>) target_semaphore(%run_scoped3A : memref<!tpu.dma_semaphore, #tpu.memory_space<semaphore_mem>>)
        %dma_wait3A_34 = arith.constant 0 : i32
        %dma_wait3A_35 = tpu.memref_slice %arg6[%add3A_13, %dma_wait3A_34] : memref<40960x32xf32, #tpu.memory_space<hbm>> -> memref<128x32xf32, #tpu.memory_space<hbm>>
        %dma_wait3A_36 = arith.constant 0 : i32
        %dma_wait3A_37 = tpu.memref_slice %arg6[%add3A_13, %dma_wait3A_36] : memref<40960x32xf32, #tpu.memory_space<hbm>> -> memref<128x32xf32, #tpu.memory_space<hbm>>
        tpu.wait_dma2 semaphore(%run_scoped3A : memref<!tpu.dma_semaphore, #tpu.memory_space<semaphore_mem>>) src(%arg10 : memref<128x32xf32, #tpu.memory_space<vmem>>) dst(%dma_wait3A_37 : memref<128x32xf32, #tpu.memory_space<hbm>>)
        tpu.yield
      }) : () -> ()
    }
    %scan3A_9 = arith.constant 10 : i32
    return
  }
}

#map = affine_map<(d0, d1) -> (0)>
#map1 = affine_map<(d0, d1) -> (0, 0)>
module attributes {stable_mosaic.version = 14 : i64} {
  func.func @k(%arg0: i32, %arg1: i32, %arg2: memref<204800xi32, #tpu.memory_space<hbm>>, %arg3: memref<204800x32xi32, #tpu.memory_space<hbm>>, %arg4: memref<100001x128xi32, #tpu.memory_space<hbm>>, %arg5: memref<40960x128xi32, #tpu.memory_space<hbm>>, %arg6: memref<40960x32xf32, #tpu.memory_space<hbm>>, %arg7: memref<128xi32, #tpu.memory_space<vmem>>, %arg8: memref<128x128xi32, #tpu.memory_space<vmem>>, %arg9: memref<128x32xi32, #tpu.memory_space<vmem>>, %arg10: memref<128x32xf32, #tpu.memory_space<vmem>>, %arg11: memref<!tpu.dma_semaphore, #tpu.memory_space<semaphore_mem>>) attributes {dimension_semantics = [#tpu.dimension_semantics<core_parallel>, #tpu.dimension_semantics<subcore_parallel>], iteration_bounds = array<i64: 2, 16>, scalar_prefetch = 0 : i64, scratch_operands = 5 : i64, tpu.core_type = #tpu.core_type<sc_vector_subcore>, window_params = [{transform_indices = #map}, {transform_indices = #map1}, {transform_indices = #map1}, {transform_indices = #map1}, {transform_indices = #map1}]} {
    %mul3A = arith.constant 2 : i32
    %mul3A_0 = arith.muli %arg1, %mul3A : i32
    %add3A = arith.addi %mul3A_0, %arg0 : i32
    %mul3A_1 = arith.constant 1280 : i32
    %mul3A_2 = arith.muli %add3A, %mul3A_1 : i32
    %broadcast_in_dim3A = arith.constant 1.000000e+00 : f32
    %broadcast_in_dim3A_3 = vector.broadcast %broadcast_in_dim3A : f32 to vector<16xf32>
    %broadcast_in_dim3A_4 = arith.constant 0.000000e+00 : f32
    %broadcast_in_dim3A_5 = vector.broadcast %broadcast_in_dim3A_4 : f32 to vector<16xf32>
    %scan3A = arith.constant 0 : i32
    %scan3A_6 = arith.constant 10 : i32
    %scan3A_7 = arith.addi %scan3A, %scan3A_6 : i32
    %scan3A_8 = arith.constant 1 : i32
    scf.for %scan3A_10 = %scan3A to %scan3A_7 step %scan3A_8  : i32 {
      %mul3A_11 = arith.constant 128 : i32
      %mul3A_12 = arith.muli %scan3A_10, %mul3A_11 : i32
      %add3A_13 = arith.addi %mul3A_2, %mul3A_12 : i32
      %add3A_14 = arith.constant 163840 : i32
      %add3A_15 = arith.addi %add3A_14, %add3A_13 : i32
      "tpu.region"() ({
        %run_scoped3A = tpu.sem_alloc : memref<!tpu.dma_semaphore, #tpu.memory_space<semaphore_mem>>
        %dma_start3A_30 = tpu.memref_slice %arg2[%add3A_15] : memref<204800xi32, #tpu.memory_space<hbm>> -> memref<128xi32, #tpu.memory_space<hbm>>
        %dma_start3A_31 = tpu.memref_slice %arg2[%add3A_15] : memref<204800xi32, #tpu.memory_space<hbm>> -> memref<128xi32, #tpu.memory_space<hbm>>
        tpu.enqueue_dma source(%dma_start3A_31 : memref<128xi32, #tpu.memory_space<hbm>>) target(%arg7 : memref<128xi32, #tpu.memory_space<vmem>>) target_semaphore(%run_scoped3A : memref<!tpu.dma_semaphore, #tpu.memory_space<semaphore_mem>>)
        %dma_wait3A_32 = tpu.memref_slice %arg2[%add3A_15] : memref<204800xi32, #tpu.memory_space<hbm>> -> memref<128xi32, #tpu.memory_space<hbm>>
        %dma_wait3A_33 = tpu.memref_slice %arg2[%add3A_15] : memref<204800xi32, #tpu.memory_space<hbm>> -> memref<128xi32, #tpu.memory_space<hbm>>
        tpu.wait_dma2 semaphore(%run_scoped3A : memref<!tpu.dma_semaphore, #tpu.memory_space<semaphore_mem>>) src(%dma_wait3A_33 : memref<128xi32, #tpu.memory_space<hbm>>) dst(%arg7 : memref<128xi32, #tpu.memory_space<vmem>>)
        tpu.yield
      }) : () -> ()
      %dma_start3A = arith.constant 0 : i32
      %dma_start3A_16 = arith.constant 0 : i32
      %dma_start3A_17 = tpu.memref_slice %arg4[%dma_start3A, %dma_start3A_16] : memref<100001x128xi32, #tpu.memory_space<hbm>> -> memref<100001x128xi32, #tpu.memory_space<hbm>>
      tpu.enqueue_indirect_dma source(%dma_start3A_17 : memref<100001x128xi32, #tpu.memory_space<hbm>>) target(%arg8 : memref<128x128xi32, #tpu.memory_space<vmem>>) offsets(%arg7 : memref<128xi32, #tpu.memory_space<vmem>>) semaphore(%arg11 : memref<!tpu.dma_semaphore, #tpu.memory_space<semaphore_mem>>)
      "tpu.region"() ({
        %run_scoped3A = tpu.sem_alloc : memref<!tpu.dma_semaphore, #tpu.memory_space<semaphore_mem>>
        %dma_start3A_30 = arith.constant 0 : i32
        %dma_start3A_31 = tpu.memref_slice %arg3[%add3A_15, %dma_start3A_30] : memref<204800x32xi32, #tpu.memory_space<hbm>> -> memref<128x32xi32, #tpu.memory_space<hbm>>
        %dma_start3A_32 = arith.constant 0 : i32
        %dma_start3A_33 = tpu.memref_slice %arg3[%add3A_15, %dma_start3A_32] : memref<204800x32xi32, #tpu.memory_space<hbm>> -> memref<128x32xi32, #tpu.memory_space<hbm>>
        tpu.enqueue_dma source(%dma_start3A_33 : memref<128x32xi32, #tpu.memory_space<hbm>>) target(%arg9 : memref<128x32xi32, #tpu.memory_space<vmem>>) target_semaphore(%run_scoped3A : memref<!tpu.dma_semaphore, #tpu.memory_space<semaphore_mem>>)
        %dma_wait3A_34 = arith.constant 0 : i32
        %dma_wait3A_35 = tpu.memref_slice %arg3[%add3A_15, %dma_wait3A_34] : memref<204800x32xi32, #tpu.memory_space<hbm>> -> memref<128x32xi32, #tpu.memory_space<hbm>>
        %dma_wait3A_36 = arith.constant 0 : i32
        %dma_wait3A_37 = tpu.memref_slice %arg3[%add3A_15, %dma_wait3A_36] : memref<204800x32xi32, #tpu.memory_space<hbm>> -> memref<128x32xi32, #tpu.memory_space<hbm>>
        tpu.wait_dma2 semaphore(%run_scoped3A : memref<!tpu.dma_semaphore, #tpu.memory_space<semaphore_mem>>) src(%dma_wait3A_37 : memref<128x32xi32, #tpu.memory_space<hbm>>) dst(%arg9 : memref<128x32xi32, #tpu.memory_space<vmem>>)
        tpu.yield
      }) : () -> ()
      %scan3A_18 = arith.constant 0 : i32
      %scan3A_19 = arith.constant 128 : i32
      %scan3A_20 = arith.addi %scan3A_18, %scan3A_19 : i32
      %scan3A_21 = arith.constant 8 : i32
      scf.for %scan3A_30 = %scan3A_18 to %scan3A_20 step %scan3A_21  : i32 {
        %swap3A = arith.index_cast %scan3A_30 : i32 to index
        %swap3A_31 = arith.constant 0 : index
        %swap3A_32 = tpu.vector_load %arg10[%swap3A, %swap3A_31] {strides = array<i32>} : memref<128x32xf32, #tpu.memory_space<vmem>>, vector<16xf32>,
        tpu.vector_store %arg10[%swap3A, %swap3A_31], %broadcast_in_dim3A_5 {strides = array<i32>} : memref<128x32xf32, #tpu.memory_space<vmem>>, vector<16xf32>,
        %swap3A_33 = arith.index_cast %scan3A_30 : i32 to index
        %swap3A_34 = arith.constant 16 : index
        %swap3A_35 = tpu.vector_load %arg10[%swap3A_33, %swap3A_34] {strides = array<i32>} : memref<128x32xf32, #tpu.memory_space<vmem>>, vector<16xf32>,
        tpu.vector_store %arg10[%swap3A_33, %swap3A_34], %broadcast_in_dim3A_5 {strides = array<i32>} : memref<128x32xf32, #tpu.memory_space<vmem>>, vector<16xf32>,
        %scan3A_36 = arith.constant 1 : i32
        %scan3A_37 = arith.addi %scan3A_30, %scan3A_36 : i32
        %swap3A_38 = arith.index_cast %scan3A_37 : i32 to index
        %swap3A_39 = arith.constant 0 : index
        %swap3A_40 = tpu.vector_load %arg10[%swap3A_38, %swap3A_39] {strides = array<i32>} : memref<128x32xf32, #tpu.memory_space<vmem>>, vector<16xf32>,
        tpu.vector_store %arg10[%swap3A_38, %swap3A_39], %broadcast_in_dim3A_5 {strides = array<i32>} : memref<128x32xf32, #tpu.memory_space<vmem>>, vector<16xf32>,
        %swap3A_41 = arith.index_cast %scan3A_37 : i32 to index
        %swap3A_42 = arith.constant 16 : index
        %swap3A_43 = tpu.vector_load %arg10[%swap3A_41, %swap3A_42] {strides = array<i32>} : memref<128x32xf32, #tpu.memory_space<vmem>>, vector<16xf32>,
        tpu.vector_store %arg10[%swap3A_41, %swap3A_42], %broadcast_in_dim3A_5 {strides = array<i32>} : memref<128x32xf32, #tpu.memory_space<vmem>>, vector<16xf32>,
        %scan3A_44 = arith.constant 2 : i32
        %scan3A_45 = arith.addi %scan3A_30, %scan3A_44 : i32
        %swap3A_46 = arith.index_cast %scan3A_45 : i32 to index
        %swap3A_47 = arith.constant 0 : index
        %swap3A_48 = tpu.vector_load %arg10[%swap3A_46, %swap3A_47] {strides = array<i32>} : memref<128x32xf32, #tpu.memory_space<vmem>>, vector<16xf32>,
        tpu.vector_store %arg10[%swap3A_46, %swap3A_47], %broadcast_in_dim3A_5 {strides = array<i32>} : memref<128x32xf32, #tpu.memory_space<vmem>>, vector<16xf32>,
        %swap3A_49 = arith.index_cast %scan3A_45 : i32 to index
        %swap3A_50 = arith.constant 16 : index
        %swap3A_51 = tpu.vector_load %arg10[%swap3A_49, %swap3A_50] {strides = array<i32>} : memref<128x32xf32, #tpu.memory_space<vmem>>, vector<16xf32>,
        tpu.vector_store %arg10[%swap3A_49, %swap3A_50], %broadcast_in_dim3A_5 {strides = array<i32>} : memref<128x32xf32, #tpu.memory_space<vmem>>, vector<16xf32>,
        %scan3A_52 = arith.constant 3 : i32
        %scan3A_53 = arith.addi %scan3A_30, %scan3A_52 : i32
        %swap3A_54 = arith.index_cast %scan3A_53 : i32 to index
        %swap3A_55 = arith.constant 0 : index
        %swap3A_56 = tpu.vector_load %arg10[%swap3A_54, %swap3A_55] {strides = array<i32>} : memref<128x32xf32, #tpu.memory_space<vmem>>, vector<16xf32>,
        tpu.vector_store %arg10[%swap3A_54, %swap3A_55], %broadcast_in_dim3A_5 {strides = array<i32>} : memref<128x32xf32, #tpu.memory_space<vmem>>, vector<16xf32>,
        %swap3A_57 = arith.index_cast %scan3A_53 : i32 to index
        %swap3A_58 = arith.constant 16 : index
        %swap3A_59 = tpu.vector_load %arg10[%swap3A_57, %swap3A_58] {strides = array<i32>} : memref<128x32xf32, #tpu.memory_space<vmem>>, vector<16xf32>,
        tpu.vector_store %arg10[%swap3A_57, %swap3A_58], %broadcast_in_dim3A_5 {strides = array<i32>} : memref<128x32xf32, #tpu.memory_space<vmem>>, vector<16xf32>,
        %scan3A_60 = arith.constant 4 : i32
        %scan3A_61 = arith.addi %scan3A_30, %scan3A_60 : i32
        %swap3A_62 = arith.index_cast %scan3A_61 : i32 to index
        %swap3A_63 = arith.constant 0 : index
        %swap3A_64 = tpu.vector_load %arg10[%swap3A_62, %swap3A_63] {strides = array<i32>} : memref<128x32xf32, #tpu.memory_space<vmem>>, vector<16xf32>,
        tpu.vector_store %arg10[%swap3A_62, %swap3A_63], %broadcast_in_dim3A_5 {strides = array<i32>} : memref<128x32xf32, #tpu.memory_space<vmem>>, vector<16xf32>,
        %swap3A_65 = arith.index_cast %scan3A_61 : i32 to index
        %swap3A_66 = arith.constant 16 : index
        %swap3A_67 = tpu.vector_load %arg10[%swap3A_65, %swap3A_66] {strides = array<i32>} : memref<128x32xf32, #tpu.memory_space<vmem>>, vector<16xf32>,
        tpu.vector_store %arg10[%swap3A_65, %swap3A_66], %broadcast_in_dim3A_5 {strides = array<i32>} : memref<128x32xf32, #tpu.memory_space<vmem>>, vector<16xf32>,
        %scan3A_68 = arith.constant 5 : i32
        %scan3A_69 = arith.addi %scan3A_30, %scan3A_68 : i32
        %swap3A_70 = arith.index_cast %scan3A_69 : i32 to index
        %swap3A_71 = arith.constant 0 : index
        %swap3A_72 = tpu.vector_load %arg10[%swap3A_70, %swap3A_71] {strides = array<i32>} : memref<128x32xf32, #tpu.memory_space<vmem>>, vector<16xf32>,
        tpu.vector_store %arg10[%swap3A_70, %swap3A_71], %broadcast_in_dim3A_5 {strides = array<i32>} : memref<128x32xf32, #tpu.memory_space<vmem>>, vector<16xf32>,
        %swap3A_73 = arith.index_cast %scan3A_69 : i32 to index
        %swap3A_74 = arith.constant 16 : index
        %swap3A_75 = tpu.vector_load %arg10[%swap3A_73, %swap3A_74] {strides = array<i32>} : memref<128x32xf32, #tpu.memory_space<vmem>>, vector<16xf32>,
        tpu.vector_store %arg10[%swap3A_73, %swap3A_74], %broadcast_in_dim3A_5 {strides = array<i32>} : memref<128x32xf32, #tpu.memory_space<vmem>>, vector<16xf32>,
        %scan3A_76 = arith.constant 6 : i32
        %scan3A_77 = arith.addi %scan3A_30, %scan3A_76 : i32
        %swap3A_78 = arith.index_cast %scan3A_77 : i32 to index
        %swap3A_79 = arith.constant 0 : index
        %swap3A_80 = tpu.vector_load %arg10[%swap3A_78, %swap3A_79] {strides = array<i32>} : memref<128x32xf32, #tpu.memory_space<vmem>>, vector<16xf32>,
        tpu.vector_store %arg10[%swap3A_78, %swap3A_79], %broadcast_in_dim3A_5 {strides = array<i32>} : memref<128x32xf32, #tpu.memory_space<vmem>>, vector<16xf32>,
        %swap3A_81 = arith.index_cast %scan3A_77 : i32 to index
        %swap3A_82 = arith.constant 16 : index
        %swap3A_83 = tpu.vector_load %arg10[%swap3A_81, %swap3A_82] {strides = array<i32>} : memref<128x32xf32, #tpu.memory_space<vmem>>, vector<16xf32>,
        tpu.vector_store %arg10[%swap3A_81, %swap3A_82], %broadcast_in_dim3A_5 {strides = array<i32>} : memref<128x32xf32, #tpu.memory_space<vmem>>, vector<16xf32>,
        %scan3A_84 = arith.constant 7 : i32
        %scan3A_85 = arith.addi %scan3A_30, %scan3A_84 : i32
        %swap3A_86 = arith.index_cast %scan3A_85 : i32 to index
        %swap3A_87 = arith.constant 0 : index
        %swap3A_88 = tpu.vector_load %arg10[%swap3A_86, %swap3A_87] {strides = array<i32>} : memref<128x32xf32, #tpu.memory_space<vmem>>, vector<16xf32>,
        tpu.vector_store %arg10[%swap3A_86, %swap3A_87], %broadcast_in_dim3A_5 {strides = array<i32>} : memref<128x32xf32, #tpu.memory_space<vmem>>, vector<16xf32>,
        %swap3A_89 = arith.index_cast %scan3A_85 : i32 to index
        %swap3A_90 = arith.constant 16 : index
        %swap3A_91 = tpu.vector_load %arg10[%swap3A_89, %swap3A_90] {strides = array<i32>} : memref<128x32xf32, #tpu.memory_space<vmem>>, vector<16xf32>,
        tpu.vector_store %arg10[%swap3A_89, %swap3A_90], %broadcast_in_dim3A_5 {strides = array<i32>} : memref<128x32xf32, #tpu.memory_space<vmem>>, vector<16xf32>,
      }
      %scan3A_22 = arith.constant 128 : i32
      %scan3A_23 = arith.constant 0 : i32
      %scan3A_24 = arith.constant 128 : i32
      %scan3A_25 = arith.addi %scan3A_23, %scan3A_24 : i32
      %scan3A_26 = arith.constant 4 : i32
      scf.for %scan3A_30 = %scan3A_23 to %scan3A_25 step %scan3A_26  : i32 {
        %get3A = arith.index_cast %scan3A_30 : i32 to index
        %get3A_31 = arith.constant 0 : index
        %get3A_32 = tpu.vector_load %arg9[%get3A, %get3A_31] {strides = array<i32>} : memref<128x32xi32, #tpu.memory_space<vmem>>, vector<16xi32>,
        %get3A_33 = arith.index_cast %scan3A_30 : i32 to index
        %get3A_34 = arith.constant 16 : index
        %get3A_35 = tpu.vector_load %arg9[%get3A_33, %get3A_34] {strides = array<i32>} : memref<128x32xi32, #tpu.memory_space<vmem>>, vector<16xi32>,
        %broadcast_in_dim3A_36 = vector.broadcast %scan3A_30 : i32 to vector<16xi32>
        tpu.vector_store_idx %arg10[%broadcast_in_dim3A_36, %get3A_32], %broadcast_in_dim3A_3 {add = true} : memref<128x32xf32, #tpu.memory_space<vmem>>[vector<16xi32>, vector<16xi32>], vector<16xf32>,
        tpu.vector_store_idx %arg10[%broadcast_in_dim3A_36, %get3A_35], %broadcast_in_dim3A_3 {add = true} : memref<128x32xf32, #tpu.memory_space<vmem>>[vector<16xi32>, vector<16xi32>], vector<16xf32>,
        %scan3A_37 = arith.constant 1 : i32
        %scan3A_38 = arith.addi %scan3A_30, %scan3A_37 : i32
        %get3A_39 = arith.index_cast %scan3A_38 : i32 to index
        %get3A_40 = arith.constant 0 : index
        %get3A_41 = tpu.vector_load %arg9[%get3A_39, %get3A_40] {strides = array<i32>} : memref<128x32xi32, #tpu.memory_space<vmem>>, vector<16xi32>,
        %get3A_42 = arith.index_cast %scan3A_38 : i32 to index
        %get3A_43 = arith.constant 16 : index
        %get3A_44 = tpu.vector_load %arg9[%get3A_42, %get3A_43] {strides = array<i32>} : memref<128x32xi32, #tpu.memory_space<vmem>>, vector<16xi32>,
        %broadcast_in_dim3A_45 = vector.broadcast %scan3A_38 : i32 to vector<16xi32>
        tpu.vector_store_idx %arg10[%broadcast_in_dim3A_45, %get3A_41], %broadcast_in_dim3A_3 {add = true} : memref<128x32xf32, #tpu.memory_space<vmem>>[vector<16xi32>, vector<16xi32>], vector<16xf32>,
        tpu.vector_store_idx %arg10[%broadcast_in_dim3A_45, %get3A_44], %broadcast_in_dim3A_3 {add = true} : memref<128x32xf32, #tpu.memory_space<vmem>>[vector<16xi32>, vector<16xi32>], vector<16xf32>,
        %scan3A_46 = arith.constant 2 : i32
        %scan3A_47 = arith.addi %scan3A_30, %scan3A_46 : i32
        %get3A_48 = arith.index_cast %scan3A_47 : i32 to index
        %get3A_49 = arith.constant 0 : index
        %get3A_50 = tpu.vector_load %arg9[%get3A_48, %get3A_49] {strides = array<i32>} : memref<128x32xi32, #tpu.memory_space<vmem>>, vector<16xi32>,
        %get3A_51 = arith.index_cast %scan3A_47 : i32 to index
        %get3A_52 = arith.constant 16 : index
        %get3A_53 = tpu.vector_load %arg9[%get3A_51, %get3A_52] {strides = array<i32>} : memref<128x32xi32, #tpu.memory_space<vmem>>, vector<16xi32>,
        %broadcast_in_dim3A_54 = vector.broadcast %scan3A_47 : i32 to vector<16xi32>
        tpu.vector_store_idx %arg10[%broadcast_in_dim3A_54, %get3A_50], %broadcast_in_dim3A_3 {add = true} : memref<128x32xf32, #tpu.memory_space<vmem>>[vector<16xi32>, vector<16xi32>], vector<16xf32>,
        tpu.vector_store_idx %arg10[%broadcast_in_dim3A_54, %get3A_53], %broadcast_in_dim3A_3 {add = true} : memref<128x32xf32, #tpu.memory_space<vmem>>[vector<16xi32>, vector<16xi32>], vector<16xf32>,
        %scan3A_55 = arith.constant 3 : i32
        %scan3A_56 = arith.addi %scan3A_30, %scan3A_55 : i32
        %get3A_57 = arith.index_cast %scan3A_56 : i32 to index
        %get3A_58 = arith.constant 0 : index
        %get3A_59 = tpu.vector_load %arg9[%get3A_57, %get3A_58] {strides = array<i32>} : memref<128x32xi32, #tpu.memory_space<vmem>>, vector<16xi32>,
        %get3A_60 = arith.index_cast %scan3A_56 : i32 to index
        %get3A_61 = arith.constant 16 : index
        %get3A_62 = tpu.vector_load %arg9[%get3A_60, %get3A_61] {strides = array<i32>} : memref<128x32xi32, #tpu.memory_space<vmem>>, vector<16xi32>,
        %broadcast_in_dim3A_63 = vector.broadcast %scan3A_56 : i32 to vector<16xi32>
        tpu.vector_store_idx %arg10[%broadcast_in_dim3A_63, %get3A_59], %broadcast_in_dim3A_3 {add = true} : memref<128x32xf32, #tpu.memory_space<vmem>>[vector<16xi32>, vector<16xi32>], vector<16xf32>,
        tpu.vector_store_idx %arg10[%broadcast_in_dim3A_63, %get3A_62], %broadcast_in_dim3A_3 {add = true} : memref<128x32xf32, #tpu.memory_space<vmem>>[vector<16xi32>, vector<16xi32>], vector<16xf32>,
      }
      %scan3A_27 = arith.constant 128 : i32
      %dma_wait3A = arith.constant 0 : i32
      %dma_wait3A_28 = arith.constant 0 : i32
      %dma_wait3A_29 = tpu.memref_slice %arg4[%dma_wait3A, %dma_wait3A_28] : memref<100001x128xi32, #tpu.memory_space<hbm>> -> memref<100001x128xi32, #tpu.memory_space<hbm>>
      tpu.wait_indirect_dma semaphore(%arg11 : memref<!tpu.dma_semaphore, #tpu.memory_space<semaphore_mem>>) src(%dma_wait3A_29 : memref<100001x128xi32, #tpu.memory_space<hbm>>) dst(%arg8 : memref<128x128xi32, #tpu.memory_space<vmem>>)
      "tpu.region"() ({
        %run_scoped3A = tpu.sem_alloc : memref<!tpu.dma_semaphore, #tpu.memory_space<semaphore_mem>>
        %dma_start3A_30 = arith.constant 0 : i32
        %dma_start3A_31 = tpu.memref_slice %arg5[%add3A_13, %dma_start3A_30] : memref<40960x128xi32, #tpu.memory_space<hbm>> -> memref<128x128xi32, #tpu.memory_space<hbm>>
        %dma_start3A_32 = arith.constant 0 : i32
        %dma_start3A_33 = tpu.memref_slice %arg5[%add3A_13, %dma_start3A_32] : memref<40960x128xi32, #tpu.memory_space<hbm>> -> memref<128x128xi32, #tpu.memory_space<hbm>>
        tpu.enqueue_dma source(%arg8 : memref<128x128xi32, #tpu.memory_space<vmem>>) target(%dma_start3A_33 : memref<128x128xi32, #tpu.memory_space<hbm>>) target_semaphore(%run_scoped3A : memref<!tpu.dma_semaphore, #tpu.memory_space<semaphore_mem>>)
        %dma_wait3A_34 = arith.constant 0 : i32
        %dma_wait3A_35 = tpu.memref_slice %arg5[%add3A_13, %dma_wait3A_34] : memref<40960x128xi32, #tpu.memory_space<hbm>> -> memref<128x128xi32, #tpu.memory_space<hbm>>
        %dma_wait3A_36 = arith.constant 0 : i32
        %dma_wait3A_37 = tpu.memref_slice %arg5[%add3A_13, %dma_wait3A_36] : memref<40960x128xi32, #tpu.memory_space<hbm>> -> memref<128x128xi32, #tpu.memory_space<hbm>>
        tpu.wait_dma2 semaphore(%run_scoped3A : memref<!tpu.dma_semaphore, #tpu.memory_space<semaphore_mem>>) src(%arg8 : memref<128x128xi32, #tpu.memory_space<vmem>>) dst(%dma_wait3A_37 : memref<128x128xi32, #tpu.memory_space<hbm>>)
        tpu.yield
      }) : () -> ()
      "tpu.region"() ({
        %run_scoped3A = tpu.sem_alloc : memref<!tpu.dma_semaphore, #tpu.memory_space<semaphore_mem>>
        %dma_start3A_30 = arith.constant 0 : i32
        %dma_start3A_31 = tpu.memref_slice %arg6[%add3A_13, %dma_start3A_30] : memref<40960x32xf32, #tpu.memory_space<hbm>> -> memref<128x32xf32, #tpu.memory_space<hbm>>
        %dma_start3A_32 = arith.constant 0 : i32
        %dma_start3A_33 = tpu.memref_slice %arg6[%add3A_13, %dma_start3A_32] : memref<40960x32xf32, #tpu.memory_space<hbm>> -> memref<128x32xf32, #tpu.memory_space<hbm>>
        tpu.enqueue_dma source(%arg10 : memref<128x32xf32, #tpu.memory_space<vmem>>) target(%dma_start3A_33 : memref<128x32xf32, #tpu.memory_space<hbm>>) target_semaphore(%run_scoped3A : memref<!tpu.dma_semaphore, #tpu.memory_space<semaphore_mem>>)
        %dma_wait3A_34 = arith.constant 0 : i32
        %dma_wait3A_35 = tpu.memref_slice %arg6[%add3A_13, %dma_wait3A_34] : memref<40960x32xf32, #tpu.memory_space<hbm>> -> memref<128x32xf32, #tpu.memory_space<hbm>>
        %dma_wait3A_36 = arith.constant 0 : i32
        %dma_wait3A_37 = tpu.memref_slice %arg6[%add3A_13, %dma_wait3A_36] : memref<40960x32xf32, #tpu.memory_space<hbm>> -> memref<128x32xf32, #tpu.memory_space<hbm>>
        tpu.wait_dma2 semaphore(%run_scoped3A : memref<!tpu.dma_semaphore, #tpu.memory_space<semaphore_mem>>) src(%arg10 : memref<128x32xf32, #tpu.memory_space<vmem>>) dst(%dma_wait3A_37 : memref<128x32xf32, #tpu.memory_space<hbm>>)
        tpu.yield
      }) : () -> ()
    }
    %scan3A_9 = arith.constant 10 : i32
    return
  }
}

module attributes {stable_mosaic.version = 14 : i64} {
  func.func @body(%arg0: i32, %arg1: memref<4096x128xi32, #tpu.memory_space<vmem>>, %arg2: memref<4096x32xf32, #tpu.memory_space<vmem>>, %arg3: memref<4096x8xf32, #tpu.memory_space<vmem>>, %arg4: memref<32x128xf32, #tpu.memory_space<vmem>>, %arg5: memref<8x128xf32, #tpu.memory_space<vmem>>, %arg6: memref<512x512xf32, #tpu.memory_space<vmem>>, %arg7: memref<1x128xf32, #tpu.memory_space<vmem>>, %arg8: memref<1x512xf32, #tpu.memory_space<vmem>>, %arg9: memref<4096x512xf32, #tpu.memory_space<vmem>>) attributes {dimension_semantics = [#tpu.dimension_semantics<arbitrary>], iteration_bounds = array<i64: 10>, scalar_prefetch = 0 : i64, scratch_operands = 0 : i64, tpu.core_type = #tpu.core_type<tc>, window_params = [{transform_indices = @transform_0, window_bounds = array<i64: 4096, 128>}, {transform_indices = @transform_1, window_bounds = array<i64: 4096, 32>}, {transform_indices = @transform_2, window_bounds = array<i64: 4096, 8>}, {pipeline_mode = #tpu.pipeline_mode<synchronous>, transform_indices = @transform_3, window_bounds = array<i64: 32, 128>}, {pipeline_mode = #tpu.pipeline_mode<synchronous>, transform_indices = @transform_4, window_bounds = array<i64: 8, 128>}, {pipeline_mode = #tpu.pipeline_mode<synchronous>, transform_indices = @transform_5, window_bounds = array<i64: 512, 512>}, {pipeline_mode = #tpu.pipeline_mode<synchronous>, transform_indices = @transform_6, window_bounds = array<i64: 1, 128>}, {pipeline_mode = #tpu.pipeline_mode<synchronous>, transform_indices = @transform_7, window_bounds = array<i64: 1, 512>}, {transform_indices = @transform_8, window_bounds = array<i64: 4096, 512>}]} {
    %get3A = arith.constant 0 : index
    %get3A_0 = arith.constant 0 : index
    %get3A_1 = vector.load %arg6[%get3A, %get3A_0] : memref<512x512xf32, #tpu.memory_space<vmem>>, vector<512x512xf32>
    %get3A_2 = arith.constant 0 : index
    %get3A_3 = arith.constant 0 : index
    %get3A_4 = vector.load %arg4[%get3A_2, %get3A_3] : memref<32x128xf32, #tpu.memory_space<vmem>>, vector<32x128xf32>
    %slice3A = vector.extract_strided_slice %get3A_1 {offsets = [256, 0], sizes = [128, 512], strides = [1, 1]} : vector<512x512xf32> to vector<128x512xf32>
    %dot_general3A = arith.constant dense<0.000000e+00> : vector<32x512xf32>
    %dot_general3A_5 = tpu.matmul %get3A_4, %slice3A, %dot_general3A {dimension_numbers = #tpu.dot_dimension_numbers<[1], [0], [0], [1], [0, 0, 1, 1], [], []>, transpose_lhs_hint = false} : vector<32x128xf32>, vector<128x512xf32>, vector<32x512xf32> -> vector<32x512xf32>
    %get3A_6 = arith.constant 0 : index
    %get3A_7 = arith.constant 0 : index
    %get3A_8 = vector.load %arg5[%get3A_6, %get3A_7] : memref<8x128xf32, #tpu.memory_space<vmem>>, vector<8x128xf32>
    %slice3A_9 = vector.extract_strided_slice %get3A_1 {offsets = [384, 0], sizes = [128, 512], strides = [1, 1]} : vector<512x512xf32> to vector<128x512xf32>
    %dot_general3A_10 = arith.constant dense<0.000000e+00> : vector<8x512xf32>
    %dot_general3A_11 = tpu.matmul %get3A_8, %slice3A_9, %dot_general3A_10 {dimension_numbers = #tpu.dot_dimension_numbers<[1], [0], [0], [1], [0, 0, 1, 1], [], []>, transpose_lhs_hint = false} : vector<8x128xf32>, vector<128x512xf32>, vector<8x512xf32> -> vector<8x512xf32>
    %get3A_12 = arith.constant 0 : index
    %get3A_13 = arith.constant 0 : index
    %get3A_14 = vector.load %arg7[%get3A_12, %get3A_13] : memref<1x128xf32, #tpu.memory_space<vmem>>, vector<1x128xf32>
    %slice3A_15 = vector.extract_strided_slice %get3A_1 {offsets = [384, 0], sizes = [128, 512], strides = [1, 1]} : vector<512x512xf32> to vector<128x512xf32>
    %dot_general3A_16 = arith.constant dense<0.000000e+00> : vector<1x512xf32>
    %dot_general3A_17 = tpu.matmul %get3A_14, %slice3A_15, %dot_general3A_16 {dimension_numbers = #tpu.dot_dimension_numbers<[1], [0], [0], [1], [0, 0, 1, 1], [], []>, transpose_lhs_hint = false} : vector<1x128xf32>, vector<128x512xf32>, vector<1x512xf32> -> vector<1x512xf32>
    %get3A_18 = arith.constant 0 : index
    %get3A_19 = arith.constant 0 : index
    %get3A_20 = vector.load %arg8[%get3A_18, %get3A_19] : memref<1x512xf32, #tpu.memory_space<vmem>>, vector<1x512xf32>
    %add3A = arith.addf %dot_general3A_17, %get3A_20 : vector<1x512xf32>
    %get3A_21 = arith.constant 0 : index
    %get3A_22 = arith.constant 0 : index
    %get3A_23 = vector.load %arg1[%get3A_21, %get3A_22] : memref<4096x128xi32, #tpu.memory_space<vmem>>, vector<4096x128xi32>
    %bitcast_convert_type3A = tpu.bitcast %get3A_23 : vector<4096x128xi32> -> vector<4096x128xi32>
    %and3A = arith.constant 65535 : i32
    %and3A_24 = vector.broadcast %and3A : i32 to vector<4096x128xi32>
    %and3A_25 = arith.andi %bitcast_convert_type3A, %and3A_24 : vector<4096x128xi32>
    %convert_element_type3A = arith.trunci %and3A_25 : vector<4096x128xi32> to vector<4096x128xi16>
    %bitcast_convert_type3A_26 = tpu.bitcast %convert_element_type3A : vector<4096x128xi16> -> vector<4096x128xbf16>
    %shift_right_logical3A = arith.constant 16 : i32
    %shift_right_logical3A_27 = vector.broadcast %shift_right_logical3A : i32 to vector<4096x128xi32>
    %shift_right_logical3A_28 = arith.shrui %bitcast_convert_type3A, %shift_right_logical3A_27 : vector<4096x128xi32>
    %convert_element_type3A_29 = arith.trunci %shift_right_logical3A_28 : vector<4096x128xi32> to vector<4096x128xi16>
    %bitcast_convert_type3A_30 = tpu.bitcast %convert_element_type3A_29 : vector<4096x128xi16> -> vector<4096x128xbf16>
    %slice3A_31 = vector.extract_strided_slice %get3A_1 {offsets = [0, 0], sizes = [128, 512], strides = [1, 1]} : vector<512x512xf32> to vector<128x512xf32>
    %convert_element_type3A_32 = arith.truncf %slice3A_31 : vector<128x512xf32> to vector<128x512xbf16>
    %dot_general3A_33 = arith.constant dense<0.000000e+00> : vector<4096x512xf32>
    %dot_general3A_34 = tpu.matmul %bitcast_convert_type3A_26, %convert_element_type3A_32, %dot_general3A_33 {dimension_numbers = #tpu.dot_dimension_numbers<[1], [0], [0], [1], [0, 0, 1, 1], [], []>, transpose_lhs_hint = false} : vector<4096x128xbf16>, vector<128x512xbf16>, vector<4096x512xf32> -> vector<4096x512xf32>
    %slice3A_35 = vector.extract_strided_slice %get3A_1 {offsets = [128, 0], sizes = [128, 512], strides = [1, 1]} : vector<512x512xf32> to vector<128x512xf32>
    %convert_element_type3A_36 = arith.truncf %slice3A_35 : vector<128x512xf32> to vector<128x512xbf16>
    %dot_general3A_37 = arith.constant dense<0.000000e+00> : vector<4096x512xf32>
    %dot_general3A_38 = tpu.matmul %bitcast_convert_type3A_30, %convert_element_type3A_36, %dot_general3A_37 {dimension_numbers = #tpu.dot_dimension_numbers<[1], [0], [0], [1], [0, 0, 1, 1], [], []>, transpose_lhs_hint = false} : vector<4096x128xbf16>, vector<128x512xbf16>, vector<4096x512xf32> -> vector<4096x512xf32>
    %add3A_39 = arith.addf %dot_general3A_34, %dot_general3A_38 : vector<4096x512xf32>
    %get3A_40 = arith.constant 0 : index
    %get3A_41 = arith.constant 0 : index
    %get3A_42 = vector.load %arg2[%get3A_40, %get3A_41] : memref<4096x32xf32, #tpu.memory_space<vmem>>, vector<4096x32xf32>
    %dot_general3A_43 = arith.constant dense<0.000000e+00> : vector<4096x512xf32>
    %dot_general3A_44 = tpu.matmul %get3A_42, %dot_general3A_5, %dot_general3A_43 {dimension_numbers = #tpu.dot_dimension_numbers<[1], [0], [0], [1], [0, 0, 1, 1], [], []>, transpose_lhs_hint = false} : vector<4096x32xf32>, vector<32x512xf32>, vector<4096x512xf32> -> vector<4096x512xf32>
    %mul3A = arith.constant 3.125000e-02 : f32
    %mul3A_45 = vector.broadcast %mul3A : f32 to vector<4096x512xf32>
    %mul3A_46 = arith.mulf %dot_general3A_44, %mul3A_45 : vector<4096x512xf32>
    %add3A_47 = arith.addf %add3A_39, %mul3A_46 : vector<4096x512xf32>
    %get3A_48 = arith.constant 0 : index
    %get3A_49 = arith.constant 0 : index
    %get3A_50 = vector.load %arg3[%get3A_48, %get3A_49] : memref<4096x8xf32, #tpu.memory_space<vmem>>, vector<4096x8xf32>
    %dot_general3A_51 = arith.constant dense<0.000000e+00> : vector<4096x512xf32>
    %dot_general3A_52 = tpu.matmul %get3A_50, %dot_general3A_11, %dot_general3A_51 {dimension_numbers = #tpu.dot_dimension_numbers<[1], [0], [0], [1], [0, 0, 1, 1], [], []>, transpose_lhs_hint = false} : vector<4096x8xf32>, vector<8x512xf32>, vector<4096x512xf32> -> vector<4096x512xf32>
    %add3A_53 = arith.addf %add3A_47, %dot_general3A_52 : vector<4096x512xf32>
    %add3A_54 = vector.broadcast %add3A : vector<1x512xf32> to vector<4096x512xf32>
    %add3A_55 = arith.addf %add3A_53, %add3A_54 : vector<4096x512xf32>
    %swap3A = arith.constant 0 : index
    %swap3A_56 = arith.constant 0 : index
    %swap3A_57 = vector.load %arg9[%swap3A, %swap3A_56] : memref<4096x512xf32, #tpu.memory_space<vmem>>, vector<4096x512xf32>
    tpu.vector_store %arg9[%swap3A, %swap3A_56], %add3A_55 {strides = array<i32>} : memref<4096x512xf32, #tpu.memory_space<vmem>>, vector<4096x512xf32>,
    return
  }
  func.func @transform_0(%arg0: i32) -> (i32, i32) {
    %c0_i32 = arith.constant 0 : i32
    %c0_i32_0 = arith.constant 0 : i32
    return %arg0, %c0_i32 : i32, i32
  }
  func.func @transform_1(%arg0: i32) -> (i32, i32) {
    %c0_i32 = arith.constant 0 : i32
    %c0_i32_0 = arith.constant 0 : i32
    return %arg0, %c0_i32 : i32, i32
  }
  func.func @transform_2(%arg0: i32) -> (i32, i32) {
    %add3A = arith.constant 0 : i32
    %add3A_0 = arith.addi %arg0, %add3A : i32
    %c0_i32 = arith.constant 0 : i32
    %c0_i32_1 = arith.constant 0 : i32
    return %add3A_0, %c0_i32 : i32, i32
  }
  func.func @transform_3(%arg0: i32) -> (i32, i32) {
    %c0_i32 = arith.constant 0 : i32
    %c0_i32_0 = arith.constant 0 : i32
    %c0_i32_1 = arith.constant 0 : i32
    return %c0_i32, %c0_i32_0 : i32, i32
  }
  func.func @transform_4(%arg0: i32) -> (i32, i32) {
    %c0_i32 = arith.constant 0 : i32
    %c0_i32_0 = arith.constant 0 : i32
    %c0_i32_1 = arith.constant 0 : i32
    return %c0_i32, %c0_i32_0 : i32, i32
  }
  func.func @transform_5(%arg0: i32) -> (i32, i32) {
    %c0_i32 = arith.constant 0 : i32
    %c0_i32_0 = arith.constant 0 : i32
    %c0_i32_1 = arith.constant 0 : i32
    return %c0_i32, %c0_i32_0 : i32, i32
  }
  func.func @transform_6(%arg0: i32) -> (i32, i32) {
    %c0_i32 = arith.constant 0 : i32
    %c0_i32_0 = arith.constant 0 : i32
    %c0_i32_1 = arith.constant 0 : i32
    return %c0_i32, %c0_i32_0 : i32, i32
  }
  func.func @transform_7(%arg0: i32) -> (i32, i32) {
    %c0_i32 = arith.constant 0 : i32
    %c0_i32_0 = arith.constant 0 : i32
    %c0_i32_1 = arith.constant 0 : i32
    return %c0_i32, %c0_i32_0 : i32, i32
  }
  func.func @transform_8(%arg0: i32) -> (i32, i32) {
    %add3A = arith.constant 0 : i32
    %add3A_0 = arith.addi %arg0, %add3A : i32
    %c0_i32 = arith.constant 0 : i32
    %c0_i32_1 = arith.constant 0 : i32
    return %add3A_0, %c0_i32 : i32, i32
  }
}

module attributes {stable_mosaic.version = 14 : i64} {
  func.func @body(%arg0: i32, %arg1: memref<8x128xf32, #tpu.memory_space<vmem>>, %arg2: memref<4096x128xi32, #tpu.memory_space<vmem>>, %arg3: memref<4096x32xf32, #tpu.memory_space<vmem>>, %arg4: memref<4096x8xf32, #tpu.memory_space<vmem>>, %arg5: memref<32x128xf32, #tpu.memory_space<vmem>>, %arg6: memref<8x128xf32, #tpu.memory_space<vmem>>, %arg7: memref<512x512xf32, #tpu.memory_space<vmem>>, %arg8: memref<1x128xf32, #tpu.memory_space<vmem>>, %arg9: memref<1x512xf32, #tpu.memory_space<vmem>>, %arg10: memref<4096x512xf32, #tpu.memory_space<vmem>>) attributes {dimension_semantics = [#tpu.dimension_semantics<arbitrary>], iteration_bounds = array<i64: 10>, scalar_prefetch = 0 : i64, scratch_operands = 0 : i64, tpu.core_type = #tpu.core_type<tc>, window_params = [{transform_indices = @transform_0, window_bounds = array<i64: 8, 128>}, {transform_indices = @transform_1, window_bounds = array<i64: 4096, 128>}, {transform_indices = @transform_2, window_bounds = array<i64: 4096, 32>}, {transform_indices = @transform_3, window_bounds = array<i64: 4096, 8>}, {pipeline_mode = #tpu.pipeline_mode<synchronous>, transform_indices = @transform_4, window_bounds = array<i64: 32, 128>}, {pipeline_mode = #tpu.pipeline_mode<synchronous>, transform_indices = @transform_5, window_bounds = array<i64: 8, 128>}, {pipeline_mode = #tpu.pipeline_mode<synchronous>, transform_indices = @transform_6, window_bounds = array<i64: 512, 512>}, {pipeline_mode = #tpu.pipeline_mode<synchronous>, transform_indices = @transform_7, window_bounds = array<i64: 1, 128>}, {pipeline_mode = #tpu.pipeline_mode<synchronous>, transform_indices = @transform_8, window_bounds = array<i64: 1, 512>}, {transform_indices = @transform_9, window_bounds = array<i64: 4096, 512>}]} {
    %get3A = arith.constant 0 : index
    %get3A_0 = arith.constant 0 : index
    %get3A_1 = vector.load %arg7[%get3A, %get3A_0] : memref<512x512xf32, #tpu.memory_space<vmem>>, vector<512x512xf32>
    %get3A_2 = arith.constant 0 : index
    %get3A_3 = arith.constant 0 : index
    %get3A_4 = vector.load %arg5[%get3A_2, %get3A_3] : memref<32x128xf32, #tpu.memory_space<vmem>>, vector<32x128xf32>
    %slice3A = vector.extract_strided_slice %get3A_1 {offsets = [256, 0], sizes = [128, 512], strides = [1, 1]} : vector<512x512xf32> to vector<128x512xf32>
    %dot_general3A = arith.constant dense<0.000000e+00> : vector<32x512xf32>
    %dot_general3A_5 = tpu.matmul %get3A_4, %slice3A, %dot_general3A {dimension_numbers = #tpu.dot_dimension_numbers<[1], [0], [0], [1], [0, 0, 1, 1], [], []>, transpose_lhs_hint = false} : vector<32x128xf32>, vector<128x512xf32>, vector<32x512xf32> -> vector<32x512xf32>
    %get3A_6 = arith.constant 0 : index
    %get3A_7 = arith.constant 0 : index
    %get3A_8 = vector.load %arg6[%get3A_6, %get3A_7] : memref<8x128xf32, #tpu.memory_space<vmem>>, vector<8x128xf32>
    %slice3A_9 = vector.extract_strided_slice %get3A_1 {offsets = [384, 0], sizes = [128, 512], strides = [1, 1]} : vector<512x512xf32> to vector<128x512xf32>
    %dot_general3A_10 = arith.constant dense<0.000000e+00> : vector<8x512xf32>
    %dot_general3A_11 = tpu.matmul %get3A_8, %slice3A_9, %dot_general3A_10 {dimension_numbers = #tpu.dot_dimension_numbers<[1], [0], [0], [1], [0, 0, 1, 1], [], []>, transpose_lhs_hint = false} : vector<8x128xf32>, vector<128x512xf32>, vector<8x512xf32> -> vector<8x512xf32>
    %get3A_12 = arith.constant 0 : index
    %get3A_13 = arith.constant 0 : index
    %get3A_14 = vector.load %arg8[%get3A_12, %get3A_13] : memref<1x128xf32, #tpu.memory_space<vmem>>, vector<1x128xf32>
    %slice3A_15 = vector.extract_strided_slice %get3A_1 {offsets = [384, 0], sizes = [128, 512], strides = [1, 1]} : vector<512x512xf32> to vector<128x512xf32>
    %dot_general3A_16 = arith.constant dense<0.000000e+00> : vector<1x512xf32>
    %dot_general3A_17 = tpu.matmul %get3A_14, %slice3A_15, %dot_general3A_16 {dimension_numbers = #tpu.dot_dimension_numbers<[1], [0], [0], [1], [0, 0, 1, 1], [], []>, transpose_lhs_hint = false} : vector<1x128xf32>, vector<128x512xf32>, vector<1x512xf32> -> vector<1x512xf32>
    %get3A_18 = arith.constant 0 : index
    %get3A_19 = arith.constant 0 : index
    %get3A_20 = vector.load %arg9[%get3A_18, %get3A_19] : memref<1x512xf32, #tpu.memory_space<vmem>>, vector<1x512xf32>
    %add3A = arith.addf %dot_general3A_17, %get3A_20 : vector<1x512xf32>
    %get3A_21 = arith.constant 0 : index
    %get3A_22 = arith.constant 0 : index
    %get3A_23 = vector.load %arg2[%get3A_21, %get3A_22] : memref<4096x128xi32, #tpu.memory_space<vmem>>, vector<4096x128xi32>
    %bitcast_convert_type3A = tpu.bitcast %get3A_23 : vector<4096x128xi32> -> vector<4096x128xi32>
    %and3A = arith.constant 65535 : i32
    %and3A_24 = vector.broadcast %and3A : i32 to vector<4096x128xi32>
    %and3A_25 = arith.andi %bitcast_convert_type3A, %and3A_24 : vector<4096x128xi32>
    %convert_element_type3A = arith.trunci %and3A_25 : vector<4096x128xi32> to vector<4096x128xi16>
    %bitcast_convert_type3A_26 = tpu.bitcast %convert_element_type3A : vector<4096x128xi16> -> vector<4096x128xbf16>
    %shift_right_logical3A = arith.constant 16 : i32
    %shift_right_logical3A_27 = vector.broadcast %shift_right_logical3A : i32 to vector<4096x128xi32>
    %shift_right_logical3A_28 = arith.shrui %bitcast_convert_type3A, %shift_right_logical3A_27 : vector<4096x128xi32>
    %convert_element_type3A_29 = arith.trunci %shift_right_logical3A_28 : vector<4096x128xi32> to vector<4096x128xi16>
    %bitcast_convert_type3A_30 = tpu.bitcast %convert_element_type3A_29 : vector<4096x128xi16> -> vector<4096x128xbf16>
    %slice3A_31 = vector.extract_strided_slice %get3A_1 {offsets = [0, 0], sizes = [128, 512], strides = [1, 1]} : vector<512x512xf32> to vector<128x512xf32>
    %convert_element_type3A_32 = arith.truncf %slice3A_31 : vector<128x512xf32> to vector<128x512xbf16>
    %dot_general3A_33 = arith.constant dense<0.000000e+00> : vector<4096x512xf32>
    %dot_general3A_34 = tpu.matmul %bitcast_convert_type3A_26, %convert_element_type3A_32, %dot_general3A_33 {dimension_numbers = #tpu.dot_dimension_numbers<[1], [0], [0], [1], [0, 0, 1, 1], [], []>, transpose_lhs_hint = false} : vector<4096x128xbf16>, vector<128x512xbf16>, vector<4096x512xf32> -> vector<4096x512xf32>
    %slice3A_35 = vector.extract_strided_slice %get3A_1 {offsets = [128, 0], sizes = [128, 512], strides = [1, 1]} : vector<512x512xf32> to vector<128x512xf32>
    %convert_element_type3A_36 = arith.truncf %slice3A_35 : vector<128x512xf32> to vector<128x512xbf16>
    %dot_general3A_37 = arith.constant dense<0.000000e+00> : vector<4096x512xf32>
    %dot_general3A_38 = tpu.matmul %bitcast_convert_type3A_30, %convert_element_type3A_36, %dot_general3A_37 {dimension_numbers = #tpu.dot_dimension_numbers<[1], [0], [0], [1], [0, 0, 1, 1], [], []>, transpose_lhs_hint = false} : vector<4096x128xbf16>, vector<128x512xbf16>, vector<4096x512xf32> -> vector<4096x512xf32>
    %add3A_39 = arith.addf %dot_general3A_34, %dot_general3A_38 : vector<4096x512xf32>
    %get3A_40 = arith.constant 0 : index
    %get3A_41 = arith.constant 0 : index
    %get3A_42 = vector.load %arg3[%get3A_40, %get3A_41] : memref<4096x32xf32, #tpu.memory_space<vmem>>, vector<4096x32xf32>
    %dot_general3A_43 = arith.constant dense<0.000000e+00> : vector<4096x512xf32>
    %dot_general3A_44 = tpu.matmul %get3A_42, %dot_general3A_5, %dot_general3A_43 {dimension_numbers = #tpu.dot_dimension_numbers<[1], [0], [0], [1], [0, 0, 1, 1], [], []>, transpose_lhs_hint = false} : vector<4096x32xf32>, vector<32x512xf32>, vector<4096x512xf32> -> vector<4096x512xf32>
    %mul3A = arith.constant 3.125000e-02 : f32
    %mul3A_45 = vector.broadcast %mul3A : f32 to vector<4096x512xf32>
    %mul3A_46 = arith.mulf %dot_general3A_44, %mul3A_45 : vector<4096x512xf32>
    %add3A_47 = arith.addf %add3A_39, %mul3A_46 : vector<4096x512xf32>
    %get3A_48 = arith.constant 0 : index
    %get3A_49 = arith.constant 0 : index
    %get3A_50 = vector.load %arg4[%get3A_48, %get3A_49] : memref<4096x8xf32, #tpu.memory_space<vmem>>, vector<4096x8xf32>
    %dot_general3A_51 = arith.constant dense<0.000000e+00> : vector<4096x512xf32>
    %dot_general3A_52 = tpu.matmul %get3A_50, %dot_general3A_11, %dot_general3A_51 {dimension_numbers = #tpu.dot_dimension_numbers<[1], [0], [0], [1], [0, 0, 1, 1], [], []>, transpose_lhs_hint = false} : vector<4096x8xf32>, vector<8x512xf32>, vector<4096x512xf32> -> vector<4096x512xf32>
    %add3A_53 = arith.addf %add3A_47, %dot_general3A_52 : vector<4096x512xf32>
    %add3A_54 = vector.broadcast %add3A : vector<1x512xf32> to vector<4096x512xf32>
    %add3A_55 = arith.addf %add3A_53, %add3A_54 : vector<4096x512xf32>
    %swap3A = arith.constant 0 : index
    %swap3A_56 = arith.constant 0 : index
    %swap3A_57 = vector.load %arg10[%swap3A, %swap3A_56] : memref<4096x512xf32, #tpu.memory_space<vmem>>, vector<4096x512xf32>
    tpu.vector_store %arg10[%swap3A, %swap3A_56], %add3A_55 {strides = array<i32>} : memref<4096x512xf32, #tpu.memory_space<vmem>>, vector<4096x512xf32>,
    return
  }
  func.func @transform_0(%arg0: i32) -> (i32, i32) {
    %c0_i32 = arith.constant 0 : i32
    %c0_i32_0 = arith.constant 0 : i32
    %c0_i32_1 = arith.constant 0 : i32
    return %c0_i32, %c0_i32_0 : i32, i32
  }
  func.func @transform_1(%arg0: i32) -> (i32, i32) {
    %c0_i32 = arith.constant 0 : i32
    %c0_i32_0 = arith.constant 0 : i32
    return %arg0, %c0_i32 : i32, i32
  }
  func.func @transform_2(%arg0: i32) -> (i32, i32) {
    %c0_i32 = arith.constant 0 : i32
    %c0_i32_0 = arith.constant 0 : i32
    return %arg0, %c0_i32 : i32, i32
  }
  func.func @transform_3(%arg0: i32) -> (i32, i32) {
    %add3A = arith.constant 10 : i32
    %add3A_0 = arith.addi %arg0, %add3A : i32
    %c0_i32 = arith.constant 0 : i32
    %c0_i32_1 = arith.constant 0 : i32
    return %add3A_0, %c0_i32 : i32, i32
  }
  func.func @transform_4(%arg0: i32) -> (i32, i32) {
    %c0_i32 = arith.constant 0 : i32
    %c0_i32_0 = arith.constant 0 : i32
    %c0_i32_1 = arith.constant 0 : i32
    return %c0_i32, %c0_i32_0 : i32, i32
  }
  func.func @transform_5(%arg0: i32) -> (i32, i32) {
    %c0_i32 = arith.constant 0 : i32
    %c0_i32_0 = arith.constant 0 : i32
    %c0_i32_1 = arith.constant 0 : i32
    return %c0_i32, %c0_i32_0 : i32, i32
  }
  func.func @transform_6(%arg0: i32) -> (i32, i32) {
    %c0_i32 = arith.constant 0 : i32
    %c0_i32_0 = arith.constant 0 : i32
    %c0_i32_1 = arith.constant 0 : i32
    return %c0_i32, %c0_i32_0 : i32, i32
  }
  func.func @transform_7(%arg0: i32) -> (i32, i32) {
    %c0_i32 = arith.constant 0 : i32
    %c0_i32_0 = arith.constant 0 : i32
    %c0_i32_1 = arith.constant 0 : i32
    return %c0_i32, %c0_i32_0 : i32, i32
  }
  func.func @transform_8(%arg0: i32) -> (i32, i32) {
    %c0_i32 = arith.constant 0 : i32
    %c0_i32_0 = arith.constant 0 : i32
    %c0_i32_1 = arith.constant 0 : i32
    return %c0_i32, %c0_i32_0 : i32, i32
  }
  func.func @transform_9(%arg0: i32) -> (i32, i32) {
    %add3A = arith.constant 10 : i32
    %add3A_0 = arith.addi %arg0, %add3A : i32
    %c0_i32 = arith.constant 0 : i32
    %c0_i32_1 = arith.constant 0 : i32
    return %add3A_0, %c0_i32 : i32, i32
  }
}

module attributes {stable_mosaic.version = 14 : i64} {
  func.func @body(%arg0: i32, %arg1: memref<8x128xf32, #tpu.memory_space<vmem>>, %arg2: memref<4096x128xi32, #tpu.memory_space<vmem>>, %arg3: memref<4096x32xf32, #tpu.memory_space<vmem>>, %arg4: memref<4096x8xf32, #tpu.memory_space<vmem>>, %arg5: memref<32x128xf32, #tpu.memory_space<vmem>>, %arg6: memref<8x128xf32, #tpu.memory_space<vmem>>, %arg7: memref<512x512xf32, #tpu.memory_space<vmem>>, %arg8: memref<1x128xf32, #tpu.memory_space<vmem>>, %arg9: memref<1x512xf32, #tpu.memory_space<vmem>>, %arg10: memref<4096x512xf32, #tpu.memory_space<vmem>>) attributes {dimension_semantics = [#tpu.dimension_semantics<arbitrary>], iteration_bounds = array<i64: 10>, scalar_prefetch = 0 : i64, scratch_operands = 0 : i64, tpu.core_type = #tpu.core_type<tc>, window_params = [{transform_indices = @transform_0, window_bounds = array<i64: 8, 128>}, {transform_indices = @transform_1, window_bounds = array<i64: 4096, 128>}, {transform_indices = @transform_2, window_bounds = array<i64: 4096, 32>}, {transform_indices = @transform_3, window_bounds = array<i64: 4096, 8>}, {pipeline_mode = #tpu.pipeline_mode<synchronous>, transform_indices = @transform_4, window_bounds = array<i64: 32, 128>}, {pipeline_mode = #tpu.pipeline_mode<synchronous>, transform_indices = @transform_5, window_bounds = array<i64: 8, 128>}, {pipeline_mode = #tpu.pipeline_mode<synchronous>, transform_indices = @transform_6, window_bounds = array<i64: 512, 512>}, {pipeline_mode = #tpu.pipeline_mode<synchronous>, transform_indices = @transform_7, window_bounds = array<i64: 1, 128>}, {pipeline_mode = #tpu.pipeline_mode<synchronous>, transform_indices = @transform_8, window_bounds = array<i64: 1, 512>}, {transform_indices = @transform_9, window_bounds = array<i64: 4096, 512>}]} {
    %get3A = arith.constant 0 : index
    %get3A_0 = arith.constant 0 : index
    %get3A_1 = vector.load %arg7[%get3A, %get3A_0] : memref<512x512xf32, #tpu.memory_space<vmem>>, vector<512x512xf32>
    %get3A_2 = arith.constant 0 : index
    %get3A_3 = arith.constant 0 : index
    %get3A_4 = vector.load %arg5[%get3A_2, %get3A_3] : memref<32x128xf32, #tpu.memory_space<vmem>>, vector<32x128xf32>
    %slice3A = vector.extract_strided_slice %get3A_1 {offsets = [256, 0], sizes = [128, 512], strides = [1, 1]} : vector<512x512xf32> to vector<128x512xf32>
    %dot_general3A = arith.constant dense<0.000000e+00> : vector<32x512xf32>
    %dot_general3A_5 = tpu.matmul %get3A_4, %slice3A, %dot_general3A {dimension_numbers = #tpu.dot_dimension_numbers<[1], [0], [0], [1], [0, 0, 1, 1], [], []>, transpose_lhs_hint = false} : vector<32x128xf32>, vector<128x512xf32>, vector<32x512xf32> -> vector<32x512xf32>
    %get3A_6 = arith.constant 0 : index
    %get3A_7 = arith.constant 0 : index
    %get3A_8 = vector.load %arg6[%get3A_6, %get3A_7] : memref<8x128xf32, #tpu.memory_space<vmem>>, vector<8x128xf32>
    %slice3A_9 = vector.extract_strided_slice %get3A_1 {offsets = [384, 0], sizes = [128, 512], strides = [1, 1]} : vector<512x512xf32> to vector<128x512xf32>
    %dot_general3A_10 = arith.constant dense<0.000000e+00> : vector<8x512xf32>
    %dot_general3A_11 = tpu.matmul %get3A_8, %slice3A_9, %dot_general3A_10 {dimension_numbers = #tpu.dot_dimension_numbers<[1], [0], [0], [1], [0, 0, 1, 1], [], []>, transpose_lhs_hint = false} : vector<8x128xf32>, vector<128x512xf32>, vector<8x512xf32> -> vector<8x512xf32>
    %get3A_12 = arith.constant 0 : index
    %get3A_13 = arith.constant 0 : index
    %get3A_14 = vector.load %arg8[%get3A_12, %get3A_13] : memref<1x128xf32, #tpu.memory_space<vmem>>, vector<1x128xf32>
    %slice3A_15 = vector.extract_strided_slice %get3A_1 {offsets = [384, 0], sizes = [128, 512], strides = [1, 1]} : vector<512x512xf32> to vector<128x512xf32>
    %dot_general3A_16 = arith.constant dense<0.000000e+00> : vector<1x512xf32>
    %dot_general3A_17 = tpu.matmul %get3A_14, %slice3A_15, %dot_general3A_16 {dimension_numbers = #tpu.dot_dimension_numbers<[1], [0], [0], [1], [0, 0, 1, 1], [], []>, transpose_lhs_hint = false} : vector<1x128xf32>, vector<128x512xf32>, vector<1x512xf32> -> vector<1x512xf32>
    %get3A_18 = arith.constant 0 : index
    %get3A_19 = arith.constant 0 : index
    %get3A_20 = vector.load %arg9[%get3A_18, %get3A_19] : memref<1x512xf32, #tpu.memory_space<vmem>>, vector<1x512xf32>
    %add3A = arith.addf %dot_general3A_17, %get3A_20 : vector<1x512xf32>
    %get3A_21 = arith.constant 0 : index
    %get3A_22 = arith.constant 0 : index
    %get3A_23 = vector.load %arg2[%get3A_21, %get3A_22] : memref<4096x128xi32, #tpu.memory_space<vmem>>, vector<4096x128xi32>
    %bitcast_convert_type3A = tpu.bitcast %get3A_23 : vector<4096x128xi32> -> vector<4096x128xi32>
    %and3A = arith.constant 65535 : i32
    %and3A_24 = vector.broadcast %and3A : i32 to vector<4096x128xi32>
    %and3A_25 = arith.andi %bitcast_convert_type3A, %and3A_24 : vector<4096x128xi32>
    %convert_element_type3A = arith.trunci %and3A_25 : vector<4096x128xi32> to vector<4096x128xi16>
    %bitcast_convert_type3A_26 = tpu.bitcast %convert_element_type3A : vector<4096x128xi16> -> vector<4096x128xbf16>
    %shift_right_logical3A = arith.constant 16 : i32
    %shift_right_logical3A_27 = vector.broadcast %shift_right_logical3A : i32 to vector<4096x128xi32>
    %shift_right_logical3A_28 = arith.shrui %bitcast_convert_type3A, %shift_right_logical3A_27 : vector<4096x128xi32>
    %convert_element_type3A_29 = arith.trunci %shift_right_logical3A_28 : vector<4096x128xi32> to vector<4096x128xi16>
    %bitcast_convert_type3A_30 = tpu.bitcast %convert_element_type3A_29 : vector<4096x128xi16> -> vector<4096x128xbf16>
    %slice3A_31 = vector.extract_strided_slice %get3A_1 {offsets = [0, 0], sizes = [128, 512], strides = [1, 1]} : vector<512x512xf32> to vector<128x512xf32>
    %convert_element_type3A_32 = arith.truncf %slice3A_31 : vector<128x512xf32> to vector<128x512xbf16>
    %dot_general3A_33 = arith.constant dense<0.000000e+00> : vector<4096x512xf32>
    %dot_general3A_34 = tpu.matmul %bitcast_convert_type3A_26, %convert_element_type3A_32, %dot_general3A_33 {dimension_numbers = #tpu.dot_dimension_numbers<[1], [0], [0], [1], [0, 0, 1, 1], [], []>, transpose_lhs_hint = false} : vector<4096x128xbf16>, vector<128x512xbf16>, vector<4096x512xf32> -> vector<4096x512xf32>
    %slice3A_35 = vector.extract_strided_slice %get3A_1 {offsets = [128, 0], sizes = [128, 512], strides = [1, 1]} : vector<512x512xf32> to vector<128x512xf32>
    %convert_element_type3A_36 = arith.truncf %slice3A_35 : vector<128x512xf32> to vector<128x512xbf16>
    %dot_general3A_37 = arith.constant dense<0.000000e+00> : vector<4096x512xf32>
    %dot_general3A_38 = tpu.matmul %bitcast_convert_type3A_30, %convert_element_type3A_36, %dot_general3A_37 {dimension_numbers = #tpu.dot_dimension_numbers<[1], [0], [0], [1], [0, 0, 1, 1], [], []>, transpose_lhs_hint = false} : vector<4096x128xbf16>, vector<128x512xbf16>, vector<4096x512xf32> -> vector<4096x512xf32>
    %add3A_39 = arith.addf %dot_general3A_34, %dot_general3A_38 : vector<4096x512xf32>
    %get3A_40 = arith.constant 0 : index
    %get3A_41 = arith.constant 0 : index
    %get3A_42 = vector.load %arg3[%get3A_40, %get3A_41] : memref<4096x32xf32, #tpu.memory_space<vmem>>, vector<4096x32xf32>
    %dot_general3A_43 = arith.constant dense<0.000000e+00> : vector<4096x512xf32>
    %dot_general3A_44 = tpu.matmul %get3A_42, %dot_general3A_5, %dot_general3A_43 {dimension_numbers = #tpu.dot_dimension_numbers<[1], [0], [0], [1], [0, 0, 1, 1], [], []>, transpose_lhs_hint = false} : vector<4096x32xf32>, vector<32x512xf32>, vector<4096x512xf32> -> vector<4096x512xf32>
    %mul3A = arith.constant 3.125000e-02 : f32
    %mul3A_45 = vector.broadcast %mul3A : f32 to vector<4096x512xf32>
    %mul3A_46 = arith.mulf %dot_general3A_44, %mul3A_45 : vector<4096x512xf32>
    %add3A_47 = arith.addf %add3A_39, %mul3A_46 : vector<4096x512xf32>
    %get3A_48 = arith.constant 0 : index
    %get3A_49 = arith.constant 0 : index
    %get3A_50 = vector.load %arg4[%get3A_48, %get3A_49] : memref<4096x8xf32, #tpu.memory_space<vmem>>, vector<4096x8xf32>
    %dot_general3A_51 = arith.constant dense<0.000000e+00> : vector<4096x512xf32>
    %dot_general3A_52 = tpu.matmul %get3A_50, %dot_general3A_11, %dot_general3A_51 {dimension_numbers = #tpu.dot_dimension_numbers<[1], [0], [0], [1], [0, 0, 1, 1], [], []>, transpose_lhs_hint = false} : vector<4096x8xf32>, vector<8x512xf32>, vector<4096x512xf32> -> vector<4096x512xf32>
    %add3A_53 = arith.addf %add3A_47, %dot_general3A_52 : vector<4096x512xf32>
    %add3A_54 = vector.broadcast %add3A : vector<1x512xf32> to vector<4096x512xf32>
    %add3A_55 = arith.addf %add3A_53, %add3A_54 : vector<4096x512xf32>
    %swap3A = arith.constant 0 : index
    %swap3A_56 = arith.constant 0 : index
    %swap3A_57 = vector.load %arg10[%swap3A, %swap3A_56] : memref<4096x512xf32, #tpu.memory_space<vmem>>, vector<4096x512xf32>
    tpu.vector_store %arg10[%swap3A, %swap3A_56], %add3A_55 {strides = array<i32>} : memref<4096x512xf32, #tpu.memory_space<vmem>>, vector<4096x512xf32>,
    return
  }
  func.func @transform_0(%arg0: i32) -> (i32, i32) {
    %c0_i32 = arith.constant 0 : i32
    %c0_i32_0 = arith.constant 0 : i32
    %c0_i32_1 = arith.constant 0 : i32
    return %c0_i32, %c0_i32_0 : i32, i32
  }
  func.func @transform_1(%arg0: i32) -> (i32, i32) {
    %c0_i32 = arith.constant 0 : i32
    %c0_i32_0 = arith.constant 0 : i32
    return %arg0, %c0_i32 : i32, i32
  }
  func.func @transform_2(%arg0: i32) -> (i32, i32) {
    %c0_i32 = arith.constant 0 : i32
    %c0_i32_0 = arith.constant 0 : i32
    return %arg0, %c0_i32 : i32, i32
  }
  func.func @transform_3(%arg0: i32) -> (i32, i32) {
    %add3A = arith.constant 20 : i32
    %add3A_0 = arith.addi %arg0, %add3A : i32
    %c0_i32 = arith.constant 0 : i32
    %c0_i32_1 = arith.constant 0 : i32
    return %add3A_0, %c0_i32 : i32, i32
  }
  func.func @transform_4(%arg0: i32) -> (i32, i32) {
    %c0_i32 = arith.constant 0 : i32
    %c0_i32_0 = arith.constant 0 : i32
    %c0_i32_1 = arith.constant 0 : i32
    return %c0_i32, %c0_i32_0 : i32, i32
  }
  func.func @transform_5(%arg0: i32) -> (i32, i32) {
    %c0_i32 = arith.constant 0 : i32
    %c0_i32_0 = arith.constant 0 : i32
    %c0_i32_1 = arith.constant 0 : i32
    return %c0_i32, %c0_i32_0 : i32, i32
  }
  func.func @transform_6(%arg0: i32) -> (i32, i32) {
    %c0_i32 = arith.constant 0 : i32
    %c0_i32_0 = arith.constant 0 : i32
    %c0_i32_1 = arith.constant 0 : i32
    return %c0_i32, %c0_i32_0 : i32, i32
  }
  func.func @transform_7(%arg0: i32) -> (i32, i32) {
    %c0_i32 = arith.constant 0 : i32
    %c0_i32_0 = arith.constant 0 : i32
    %c0_i32_1 = arith.constant 0 : i32
    return %c0_i32, %c0_i32_0 : i32, i32
  }
  func.func @transform_8(%arg0: i32) -> (i32, i32) {
    %c0_i32 = arith.constant 0 : i32
    %c0_i32_0 = arith.constant 0 : i32
    %c0_i32_1 = arith.constant 0 : i32
    return %c0_i32, %c0_i32_0 : i32, i32
  }
  func.func @transform_9(%arg0: i32) -> (i32, i32) {
    %add3A = arith.constant 20 : i32
    %add3A_0 = arith.addi %arg0, %add3A : i32
    %c0_i32 = arith.constant 0 : i32
    %c0_i32_1 = arith.constant 0 : i32
    return %add3A_0, %c0_i32 : i32, i32
  }
}

module attributes {stable_mosaic.version = 14 : i64} {
  func.func @body(%arg0: i32, %arg1: memref<8x128xf32, #tpu.memory_space<vmem>>, %arg2: memref<4096x128xi32, #tpu.memory_space<vmem>>, %arg3: memref<4096x32xf32, #tpu.memory_space<vmem>>, %arg4: memref<4096x8xf32, #tpu.memory_space<vmem>>, %arg5: memref<32x128xf32, #tpu.memory_space<vmem>>, %arg6: memref<8x128xf32, #tpu.memory_space<vmem>>, %arg7: memref<512x512xf32, #tpu.memory_space<vmem>>, %arg8: memref<1x128xf32, #tpu.memory_space<vmem>>, %arg9: memref<1x512xf32, #tpu.memory_space<vmem>>, %arg10: memref<4096x512xf32, #tpu.memory_space<vmem>>) attributes {dimension_semantics = [#tpu.dimension_semantics<arbitrary>], iteration_bounds = array<i64: 10>, scalar_prefetch = 0 : i64, scratch_operands = 0 : i64, tpu.core_type = #tpu.core_type<tc>, window_params = [{transform_indices = @transform_0, window_bounds = array<i64: 8, 128>}, {transform_indices = @transform_1, window_bounds = array<i64: 4096, 128>}, {transform_indices = @transform_2, window_bounds = array<i64: 4096, 32>}, {transform_indices = @transform_3, window_bounds = array<i64: 4096, 8>}, {pipeline_mode = #tpu.pipeline_mode<synchronous>, transform_indices = @transform_4, window_bounds = array<i64: 32, 128>}, {pipeline_mode = #tpu.pipeline_mode<synchronous>, transform_indices = @transform_5, window_bounds = array<i64: 8, 128>}, {pipeline_mode = #tpu.pipeline_mode<synchronous>, transform_indices = @transform_6, window_bounds = array<i64: 512, 512>}, {pipeline_mode = #tpu.pipeline_mode<synchronous>, transform_indices = @transform_7, window_bounds = array<i64: 1, 128>}, {pipeline_mode = #tpu.pipeline_mode<synchronous>, transform_indices = @transform_8, window_bounds = array<i64: 1, 512>}, {transform_indices = @transform_9, window_bounds = array<i64: 4096, 512>}]} {
    %get3A = arith.constant 0 : index
    %get3A_0 = arith.constant 0 : index
    %get3A_1 = vector.load %arg7[%get3A, %get3A_0] : memref<512x512xf32, #tpu.memory_space<vmem>>, vector<512x512xf32>
    %get3A_2 = arith.constant 0 : index
    %get3A_3 = arith.constant 0 : index
    %get3A_4 = vector.load %arg5[%get3A_2, %get3A_3] : memref<32x128xf32, #tpu.memory_space<vmem>>, vector<32x128xf32>
    %slice3A = vector.extract_strided_slice %get3A_1 {offsets = [256, 0], sizes = [128, 512], strides = [1, 1]} : vector<512x512xf32> to vector<128x512xf32>
    %dot_general3A = arith.constant dense<0.000000e+00> : vector<32x512xf32>
    %dot_general3A_5 = tpu.matmul %get3A_4, %slice3A, %dot_general3A {dimension_numbers = #tpu.dot_dimension_numbers<[1], [0], [0], [1], [0, 0, 1, 1], [], []>, transpose_lhs_hint = false} : vector<32x128xf32>, vector<128x512xf32>, vector<32x512xf32> -> vector<32x512xf32>
    %get3A_6 = arith.constant 0 : index
    %get3A_7 = arith.constant 0 : index
    %get3A_8 = vector.load %arg6[%get3A_6, %get3A_7] : memref<8x128xf32, #tpu.memory_space<vmem>>, vector<8x128xf32>
    %slice3A_9 = vector.extract_strided_slice %get3A_1 {offsets = [384, 0], sizes = [128, 512], strides = [1, 1]} : vector<512x512xf32> to vector<128x512xf32>
    %dot_general3A_10 = arith.constant dense<0.000000e+00> : vector<8x512xf32>
    %dot_general3A_11 = tpu.matmul %get3A_8, %slice3A_9, %dot_general3A_10 {dimension_numbers = #tpu.dot_dimension_numbers<[1], [0], [0], [1], [0, 0, 1, 1], [], []>, transpose_lhs_hint = false} : vector<8x128xf32>, vector<128x512xf32>, vector<8x512xf32> -> vector<8x512xf32>
    %get3A_12 = arith.constant 0 : index
    %get3A_13 = arith.constant 0 : index
    %get3A_14 = vector.load %arg8[%get3A_12, %get3A_13] : memref<1x128xf32, #tpu.memory_space<vmem>>, vector<1x128xf32>
    %slice3A_15 = vector.extract_strided_slice %get3A_1 {offsets = [384, 0], sizes = [128, 512], strides = [1, 1]} : vector<512x512xf32> to vector<128x512xf32>
    %dot_general3A_16 = arith.constant dense<0.000000e+00> : vector<1x512xf32>
    %dot_general3A_17 = tpu.matmul %get3A_14, %slice3A_15, %dot_general3A_16 {dimension_numbers = #tpu.dot_dimension_numbers<[1], [0], [0], [1], [0, 0, 1, 1], [], []>, transpose_lhs_hint = false} : vector<1x128xf32>, vector<128x512xf32>, vector<1x512xf32> -> vector<1x512xf32>
    %get3A_18 = arith.constant 0 : index
    %get3A_19 = arith.constant 0 : index
    %get3A_20 = vector.load %arg9[%get3A_18, %get3A_19] : memref<1x512xf32, #tpu.memory_space<vmem>>, vector<1x512xf32>
    %add3A = arith.addf %dot_general3A_17, %get3A_20 : vector<1x512xf32>
    %get3A_21 = arith.constant 0 : index
    %get3A_22 = arith.constant 0 : index
    %get3A_23 = vector.load %arg2[%get3A_21, %get3A_22] : memref<4096x128xi32, #tpu.memory_space<vmem>>, vector<4096x128xi32>
    %bitcast_convert_type3A = tpu.bitcast %get3A_23 : vector<4096x128xi32> -> vector<4096x128xi32>
    %and3A = arith.constant 65535 : i32
    %and3A_24 = vector.broadcast %and3A : i32 to vector<4096x128xi32>
    %and3A_25 = arith.andi %bitcast_convert_type3A, %and3A_24 : vector<4096x128xi32>
    %convert_element_type3A = arith.trunci %and3A_25 : vector<4096x128xi32> to vector<4096x128xi16>
    %bitcast_convert_type3A_26 = tpu.bitcast %convert_element_type3A : vector<4096x128xi16> -> vector<4096x128xbf16>
    %shift_right_logical3A = arith.constant 16 : i32
    %shift_right_logical3A_27 = vector.broadcast %shift_right_logical3A : i32 to vector<4096x128xi32>
    %shift_right_logical3A_28 = arith.shrui %bitcast_convert_type3A, %shift_right_logical3A_27 : vector<4096x128xi32>
    %convert_element_type3A_29 = arith.trunci %shift_right_logical3A_28 : vector<4096x128xi32> to vector<4096x128xi16>
    %bitcast_convert_type3A_30 = tpu.bitcast %convert_element_type3A_29 : vector<4096x128xi16> -> vector<4096x128xbf16>
    %slice3A_31 = vector.extract_strided_slice %get3A_1 {offsets = [0, 0], sizes = [128, 512], strides = [1, 1]} : vector<512x512xf32> to vector<128x512xf32>
    %convert_element_type3A_32 = arith.truncf %slice3A_31 : vector<128x512xf32> to vector<128x512xbf16>
    %dot_general3A_33 = arith.constant dense<0.000000e+00> : vector<4096x512xf32>
    %dot_general3A_34 = tpu.matmul %bitcast_convert_type3A_26, %convert_element_type3A_32, %dot_general3A_33 {dimension_numbers = #tpu.dot_dimension_numbers<[1], [0], [0], [1], [0, 0, 1, 1], [], []>, transpose_lhs_hint = false} : vector<4096x128xbf16>, vector<128x512xbf16>, vector<4096x512xf32> -> vector<4096x512xf32>
    %slice3A_35 = vector.extract_strided_slice %get3A_1 {offsets = [128, 0], sizes = [128, 512], strides = [1, 1]} : vector<512x512xf32> to vector<128x512xf32>
    %convert_element_type3A_36 = arith.truncf %slice3A_35 : vector<128x512xf32> to vector<128x512xbf16>
    %dot_general3A_37 = arith.constant dense<0.000000e+00> : vector<4096x512xf32>
    %dot_general3A_38 = tpu.matmul %bitcast_convert_type3A_30, %convert_element_type3A_36, %dot_general3A_37 {dimension_numbers = #tpu.dot_dimension_numbers<[1], [0], [0], [1], [0, 0, 1, 1], [], []>, transpose_lhs_hint = false} : vector<4096x128xbf16>, vector<128x512xbf16>, vector<4096x512xf32> -> vector<4096x512xf32>
    %add3A_39 = arith.addf %dot_general3A_34, %dot_general3A_38 : vector<4096x512xf32>
    %get3A_40 = arith.constant 0 : index
    %get3A_41 = arith.constant 0 : index
    %get3A_42 = vector.load %arg3[%get3A_40, %get3A_41] : memref<4096x32xf32, #tpu.memory_space<vmem>>, vector<4096x32xf32>
    %dot_general3A_43 = arith.constant dense<0.000000e+00> : vector<4096x512xf32>
    %dot_general3A_44 = tpu.matmul %get3A_42, %dot_general3A_5, %dot_general3A_43 {dimension_numbers = #tpu.dot_dimension_numbers<[1], [0], [0], [1], [0, 0, 1, 1], [], []>, transpose_lhs_hint = false} : vector<4096x32xf32>, vector<32x512xf32>, vector<4096x512xf32> -> vector<4096x512xf32>
    %mul3A = arith.constant 3.125000e-02 : f32
    %mul3A_45 = vector.broadcast %mul3A : f32 to vector<4096x512xf32>
    %mul3A_46 = arith.mulf %dot_general3A_44, %mul3A_45 : vector<4096x512xf32>
    %add3A_47 = arith.addf %add3A_39, %mul3A_46 : vector<4096x512xf32>
    %get3A_48 = arith.constant 0 : index
    %get3A_49 = arith.constant 0 : index
    %get3A_50 = vector.load %arg4[%get3A_48, %get3A_49] : memref<4096x8xf32, #tpu.memory_space<vmem>>, vector<4096x8xf32>
    %dot_general3A_51 = arith.constant dense<0.000000e+00> : vector<4096x512xf32>
    %dot_general3A_52 = tpu.matmul %get3A_50, %dot_general3A_11, %dot_general3A_51 {dimension_numbers = #tpu.dot_dimension_numbers<[1], [0], [0], [1], [0, 0, 1, 1], [], []>, transpose_lhs_hint = false} : vector<4096x8xf32>, vector<8x512xf32>, vector<4096x512xf32> -> vector<4096x512xf32>
    %add3A_53 = arith.addf %add3A_47, %dot_general3A_52 : vector<4096x512xf32>
    %add3A_54 = vector.broadcast %add3A : vector<1x512xf32> to vector<4096x512xf32>
    %add3A_55 = arith.addf %add3A_53, %add3A_54 : vector<4096x512xf32>
    %swap3A = arith.constant 0 : index
    %swap3A_56 = arith.constant 0 : index
    %swap3A_57 = vector.load %arg10[%swap3A, %swap3A_56] : memref<4096x512xf32, #tpu.memory_space<vmem>>, vector<4096x512xf32>
    tpu.vector_store %arg10[%swap3A, %swap3A_56], %add3A_55 {strides = array<i32>} : memref<4096x512xf32, #tpu.memory_space<vmem>>, vector<4096x512xf32>,
    return
  }
  func.func @transform_0(%arg0: i32) -> (i32, i32) {
    %c0_i32 = arith.constant 0 : i32
    %c0_i32_0 = arith.constant 0 : i32
    %c0_i32_1 = arith.constant 0 : i32
    return %c0_i32, %c0_i32_0 : i32, i32
  }
  func.func @transform_1(%arg0: i32) -> (i32, i32) {
    %c0_i32 = arith.constant 0 : i32
    %c0_i32_0 = arith.constant 0 : i32
    return %arg0, %c0_i32 : i32, i32
  }
  func.func @transform_2(%arg0: i32) -> (i32, i32) {
    %c0_i32 = arith.constant 0 : i32
    %c0_i32_0 = arith.constant 0 : i32
    return %arg0, %c0_i32 : i32, i32
  }
  func.func @transform_3(%arg0: i32) -> (i32, i32) {
    %add3A = arith.constant 30 : i32
    %add3A_0 = arith.addi %arg0, %add3A : i32
    %c0_i32 = arith.constant 0 : i32
    %c0_i32_1 = arith.constant 0 : i32
    return %add3A_0, %c0_i32 : i32, i32
  }
  func.func @transform_4(%arg0: i32) -> (i32, i32) {
    %c0_i32 = arith.constant 0 : i32
    %c0_i32_0 = arith.constant 0 : i32
    %c0_i32_1 = arith.constant 0 : i32
    return %c0_i32, %c0_i32_0 : i32, i32
  }
  func.func @transform_5(%arg0: i32) -> (i32, i32) {
    %c0_i32 = arith.constant 0 : i32
    %c0_i32_0 = arith.constant 0 : i32
    %c0_i32_1 = arith.constant 0 : i32
    return %c0_i32, %c0_i32_0 : i32, i32
  }
  func.func @transform_6(%arg0: i32) -> (i32, i32) {
    %c0_i32 = arith.constant 0 : i32
    %c0_i32_0 = arith.constant 0 : i32
    %c0_i32_1 = arith.constant 0 : i32
    return %c0_i32, %c0_i32_0 : i32, i32
  }
  func.func @transform_7(%arg0: i32) -> (i32, i32) {
    %c0_i32 = arith.constant 0 : i32
    %c0_i32_0 = arith.constant 0 : i32
    %c0_i32_1 = arith.constant 0 : i32
    return %c0_i32, %c0_i32_0 : i32, i32
  }
  func.func @transform_8(%arg0: i32) -> (i32, i32) {
    %c0_i32 = arith.constant 0 : i32
    %c0_i32_0 = arith.constant 0 : i32
    %c0_i32_1 = arith.constant 0 : i32
    return %c0_i32, %c0_i32_0 : i32, i32
  }
  func.func @transform_9(%arg0: i32) -> (i32, i32) {
    %add3A = arith.constant 30 : i32
    %add3A_0 = arith.addi %arg0, %add3A : i32
    %c0_i32 = arith.constant 0 : i32
    %c0_i32_1 = arith.constant 0 : i32
    return %add3A_0, %c0_i32 : i32, i32
  }
}

module attributes {stable_mosaic.version = 14 : i64} {
  func.func @body(%arg0: i32, %arg1: memref<8x128xf32, #tpu.memory_space<vmem>>, %arg2: memref<4096x128xi32, #tpu.memory_space<vmem>>, %arg3: memref<4096x32xf32, #tpu.memory_space<vmem>>, %arg4: memref<4096x8xf32, #tpu.memory_space<vmem>>, %arg5: memref<32x128xf32, #tpu.memory_space<vmem>>, %arg6: memref<8x128xf32, #tpu.memory_space<vmem>>, %arg7: memref<512x512xf32, #tpu.memory_space<vmem>>, %arg8: memref<1x128xf32, #tpu.memory_space<vmem>>, %arg9: memref<1x512xf32, #tpu.memory_space<vmem>>, %arg10: memref<4096x512xf32, #tpu.memory_space<vmem>>) attributes {dimension_semantics = [#tpu.dimension_semantics<arbitrary>], iteration_bounds = array<i64: 10>, scalar_prefetch = 0 : i64, scratch_operands = 0 : i64, tpu.core_type = #tpu.core_type<tc>, window_params = [{transform_indices = @transform_0, window_bounds = array<i64: 8, 128>}, {transform_indices = @transform_1, window_bounds = array<i64: 4096, 128>}, {transform_indices = @transform_2, window_bounds = array<i64: 4096, 32>}, {transform_indices = @transform_3, window_bounds = array<i64: 4096, 8>}, {pipeline_mode = #tpu.pipeline_mode<synchronous>, transform_indices = @transform_4, window_bounds = array<i64: 32, 128>}, {pipeline_mode = #tpu.pipeline_mode<synchronous>, transform_indices = @transform_5, window_bounds = array<i64: 8, 128>}, {pipeline_mode = #tpu.pipeline_mode<synchronous>, transform_indices = @transform_6, window_bounds = array<i64: 512, 512>}, {pipeline_mode = #tpu.pipeline_mode<synchronous>, transform_indices = @transform_7, window_bounds = array<i64: 1, 128>}, {pipeline_mode = #tpu.pipeline_mode<synchronous>, transform_indices = @transform_8, window_bounds = array<i64: 1, 512>}, {transform_indices = @transform_9, window_bounds = array<i64: 4096, 512>}]} {
    %get3A = arith.constant 0 : index
    %get3A_0 = arith.constant 0 : index
    %get3A_1 = vector.load %arg7[%get3A, %get3A_0] : memref<512x512xf32, #tpu.memory_space<vmem>>, vector<512x512xf32>
    %get3A_2 = arith.constant 0 : index
    %get3A_3 = arith.constant 0 : index
    %get3A_4 = vector.load %arg5[%get3A_2, %get3A_3] : memref<32x128xf32, #tpu.memory_space<vmem>>, vector<32x128xf32>
    %slice3A = vector.extract_strided_slice %get3A_1 {offsets = [256, 0], sizes = [128, 512], strides = [1, 1]} : vector<512x512xf32> to vector<128x512xf32>
    %dot_general3A = arith.constant dense<0.000000e+00> : vector<32x512xf32>
    %dot_general3A_5 = tpu.matmul %get3A_4, %slice3A, %dot_general3A {dimension_numbers = #tpu.dot_dimension_numbers<[1], [0], [0], [1], [0, 0, 1, 1], [], []>, transpose_lhs_hint = false} : vector<32x128xf32>, vector<128x512xf32>, vector<32x512xf32> -> vector<32x512xf32>
    %get3A_6 = arith.constant 0 : index
    %get3A_7 = arith.constant 0 : index
    %get3A_8 = vector.load %arg6[%get3A_6, %get3A_7] : memref<8x128xf32, #tpu.memory_space<vmem>>, vector<8x128xf32>
    %slice3A_9 = vector.extract_strided_slice %get3A_1 {offsets = [384, 0], sizes = [128, 512], strides = [1, 1]} : vector<512x512xf32> to vector<128x512xf32>
    %dot_general3A_10 = arith.constant dense<0.000000e+00> : vector<8x512xf32>
    %dot_general3A_11 = tpu.matmul %get3A_8, %slice3A_9, %dot_general3A_10 {dimension_numbers = #tpu.dot_dimension_numbers<[1], [0], [0], [1], [0, 0, 1, 1], [], []>, transpose_lhs_hint = false} : vector<8x128xf32>, vector<128x512xf32>, vector<8x512xf32> -> vector<8x512xf32>
    %get3A_12 = arith.constant 0 : index
    %get3A_13 = arith.constant 0 : index
    %get3A_14 = vector.load %arg8[%get3A_12, %get3A_13] : memref<1x128xf32, #tpu.memory_space<vmem>>, vector<1x128xf32>
    %slice3A_15 = vector.extract_strided_slice %get3A_1 {offsets = [384, 0], sizes = [128, 512], strides = [1, 1]} : vector<512x512xf32> to vector<128x512xf32>
    %dot_general3A_16 = arith.constant dense<0.000000e+00> : vector<1x512xf32>
    %dot_general3A_17 = tpu.matmul %get3A_14, %slice3A_15, %dot_general3A_16 {dimension_numbers = #tpu.dot_dimension_numbers<[1], [0], [0], [1], [0, 0, 1, 1], [], []>, transpose_lhs_hint = false} : vector<1x128xf32>, vector<128x512xf32>, vector<1x512xf32> -> vector<1x512xf32>
    %get3A_18 = arith.constant 0 : index
    %get3A_19 = arith.constant 0 : index
    %get3A_20 = vector.load %arg9[%get3A_18, %get3A_19] : memref<1x512xf32, #tpu.memory_space<vmem>>, vector<1x512xf32>
    %add3A = arith.addf %dot_general3A_17, %get3A_20 : vector<1x512xf32>
    %get3A_21 = arith.constant 0 : index
    %get3A_22 = arith.constant 0 : index
    %get3A_23 = vector.load %arg2[%get3A_21, %get3A_22] : memref<4096x128xi32, #tpu.memory_space<vmem>>, vector<4096x128xi32>
    %bitcast_convert_type3A = tpu.bitcast %get3A_23 : vector<4096x128xi32> -> vector<4096x128xi32>
    %and3A = arith.constant 65535 : i32
    %and3A_24 = vector.broadcast %and3A : i32 to vector<4096x128xi32>
    %and3A_25 = arith.andi %bitcast_convert_type3A, %and3A_24 : vector<4096x128xi32>
    %convert_element_type3A = arith.trunci %and3A_25 : vector<4096x128xi32> to vector<4096x128xi16>
    %bitcast_convert_type3A_26 = tpu.bitcast %convert_element_type3A : vector<4096x128xi16> -> vector<4096x128xbf16>
    %shift_right_logical3A = arith.constant 16 : i32
    %shift_right_logical3A_27 = vector.broadcast %shift_right_logical3A : i32 to vector<4096x128xi32>
    %shift_right_logical3A_28 = arith.shrui %bitcast_convert_type3A, %shift_right_logical3A_27 : vector<4096x128xi32>
    %convert_element_type3A_29 = arith.trunci %shift_right_logical3A_28 : vector<4096x128xi32> to vector<4096x128xi16>
    %bitcast_convert_type3A_30 = tpu.bitcast %convert_element_type3A_29 : vector<4096x128xi16> -> vector<4096x128xbf16>
    %slice3A_31 = vector.extract_strided_slice %get3A_1 {offsets = [0, 0], sizes = [128, 512], strides = [1, 1]} : vector<512x512xf32> to vector<128x512xf32>
    %convert_element_type3A_32 = arith.truncf %slice3A_31 : vector<128x512xf32> to vector<128x512xbf16>
    %dot_general3A_33 = arith.constant dense<0.000000e+00> : vector<4096x512xf32>
    %dot_general3A_34 = tpu.matmul %bitcast_convert_type3A_26, %convert_element_type3A_32, %dot_general3A_33 {dimension_numbers = #tpu.dot_dimension_numbers<[1], [0], [0], [1], [0, 0, 1, 1], [], []>, transpose_lhs_hint = false} : vector<4096x128xbf16>, vector<128x512xbf16>, vector<4096x512xf32> -> vector<4096x512xf32>
    %slice3A_35 = vector.extract_strided_slice %get3A_1 {offsets = [128, 0], sizes = [128, 512], strides = [1, 1]} : vector<512x512xf32> to vector<128x512xf32>
    %convert_element_type3A_36 = arith.truncf %slice3A_35 : vector<128x512xf32> to vector<128x512xbf16>
    %dot_general3A_37 = arith.constant dense<0.000000e+00> : vector<4096x512xf32>
    %dot_general3A_38 = tpu.matmul %bitcast_convert_type3A_30, %convert_element_type3A_36, %dot_general3A_37 {dimension_numbers = #tpu.dot_dimension_numbers<[1], [0], [0], [1], [0, 0, 1, 1], [], []>, transpose_lhs_hint = false} : vector<4096x128xbf16>, vector<128x512xbf16>, vector<4096x512xf32> -> vector<4096x512xf32>
    %add3A_39 = arith.addf %dot_general3A_34, %dot_general3A_38 : vector<4096x512xf32>
    %get3A_40 = arith.constant 0 : index
    %get3A_41 = arith.constant 0 : index
    %get3A_42 = vector.load %arg3[%get3A_40, %get3A_41] : memref<4096x32xf32, #tpu.memory_space<vmem>>, vector<4096x32xf32>
    %dot_general3A_43 = arith.constant dense<0.000000e+00> : vector<4096x512xf32>
    %dot_general3A_44 = tpu.matmul %get3A_42, %dot_general3A_5, %dot_general3A_43 {dimension_numbers = #tpu.dot_dimension_numbers<[1], [0], [0], [1], [0, 0, 1, 1], [], []>, transpose_lhs_hint = false} : vector<4096x32xf32>, vector<32x512xf32>, vector<4096x512xf32> -> vector<4096x512xf32>
    %mul3A = arith.constant 3.125000e-02 : f32
    %mul3A_45 = vector.broadcast %mul3A : f32 to vector<4096x512xf32>
    %mul3A_46 = arith.mulf %dot_general3A_44, %mul3A_45 : vector<4096x512xf32>
    %add3A_47 = arith.addf %add3A_39, %mul3A_46 : vector<4096x512xf32>
    %get3A_48 = arith.constant 0 : index
    %get3A_49 = arith.constant 0 : index
    %get3A_50 = vector.load %arg4[%get3A_48, %get3A_49] : memref<4096x8xf32, #tpu.memory_space<vmem>>, vector<4096x8xf32>
    %dot_general3A_51 = arith.constant dense<0.000000e+00> : vector<4096x512xf32>
    %dot_general3A_52 = tpu.matmul %get3A_50, %dot_general3A_11, %dot_general3A_51 {dimension_numbers = #tpu.dot_dimension_numbers<[1], [0], [0], [1], [0, 0, 1, 1], [], []>, transpose_lhs_hint = false} : vector<4096x8xf32>, vector<8x512xf32>, vector<4096x512xf32> -> vector<4096x512xf32>
    %add3A_53 = arith.addf %add3A_47, %dot_general3A_52 : vector<4096x512xf32>
    %add3A_54 = vector.broadcast %add3A : vector<1x512xf32> to vector<4096x512xf32>
    %add3A_55 = arith.addf %add3A_53, %add3A_54 : vector<4096x512xf32>
    %swap3A = arith.constant 0 : index
    %swap3A_56 = arith.constant 0 : index
    %swap3A_57 = vector.load %arg10[%swap3A, %swap3A_56] : memref<4096x512xf32, #tpu.memory_space<vmem>>, vector<4096x512xf32>
    tpu.vector_store %arg10[%swap3A, %swap3A_56], %add3A_55 {strides = array<i32>} : memref<4096x512xf32, #tpu.memory_space<vmem>>, vector<4096x512xf32>,
    return
  }
  func.func @transform_0(%arg0: i32) -> (i32, i32) {
    %c0_i32 = arith.constant 0 : i32
    %c0_i32_0 = arith.constant 0 : i32
    %c0_i32_1 = arith.constant 0 : i32
    return %c0_i32, %c0_i32_0 : i32, i32
  }
  func.func @transform_1(%arg0: i32) -> (i32, i32) {
    %c0_i32 = arith.constant 0 : i32
    %c0_i32_0 = arith.constant 0 : i32
    return %arg0, %c0_i32 : i32, i32
  }
  func.func @transform_2(%arg0: i32) -> (i32, i32) {
    %c0_i32 = arith.constant 0 : i32
    %c0_i32_0 = arith.constant 0 : i32
    return %arg0, %c0_i32 : i32, i32
  }
  func.func @transform_3(%arg0: i32) -> (i32, i32) {
    %add3A = arith.constant 40 : i32
    %add3A_0 = arith.addi %arg0, %add3A : i32
    %c0_i32 = arith.constant 0 : i32
    %c0_i32_1 = arith.constant 0 : i32
    return %add3A_0, %c0_i32 : i32, i32
  }
  func.func @transform_4(%arg0: i32) -> (i32, i32) {
    %c0_i32 = arith.constant 0 : i32
    %c0_i32_0 = arith.constant 0 : i32
    %c0_i32_1 = arith.constant 0 : i32
    return %c0_i32, %c0_i32_0 : i32, i32
  }
  func.func @transform_5(%arg0: i32) -> (i32, i32) {
    %c0_i32 = arith.constant 0 : i32
    %c0_i32_0 = arith.constant 0 : i32
    %c0_i32_1 = arith.constant 0 : i32
    return %c0_i32, %c0_i32_0 : i32, i32
  }
  func.func @transform_6(%arg0: i32) -> (i32, i32) {
    %c0_i32 = arith.constant 0 : i32
    %c0_i32_0 = arith.constant 0 : i32
    %c0_i32_1 = arith.constant 0 : i32
    return %c0_i32, %c0_i32_0 : i32, i32
  }
  func.func @transform_7(%arg0: i32) -> (i32, i32) {
    %c0_i32 = arith.constant 0 : i32
    %c0_i32_0 = arith.constant 0 : i32
    %c0_i32_1 = arith.constant 0 : i32
    return %c0_i32, %c0_i32_0 : i32, i32
  }
  func.func @transform_8(%arg0: i32) -> (i32, i32) {
    %c0_i32 = arith.constant 0 : i32
    %c0_i32_0 = arith.constant 0 : i32
    %c0_i32_1 = arith.constant 0 : i32
    return %c0_i32, %c0_i32_0 : i32, i32
  }
  func.func @transform_9(%arg0: i32) -> (i32, i32) {
    %add3A = arith.constant 40 : i32
    %add3A_0 = arith.addi %arg0, %add3A : i32
    %c0_i32 = arith.constant 0 : i32
    %c0_i32_1 = arith.constant 0 : i32
    return %add3A_0, %c0_i32 : i32, i32
  }
}

</mosaic_0001>

<sc_bundles>
// kernel: kernel.12.cloned.1.call-start
scs
__scs_entry_jumppad:
0x0: {  	(pc) =	sbr.rel $0x88, $3  }
0x1: {  	(tag) =	ssettag $0x0;
	lr =	simm.s32 $0x1  }
0x2: {  	[smem:$0x3F98] =	sst lr;
	_ =	strace $0xD0000000  }
0x3: {  	_ = 	snop  }
0x4: {  	_ = 	snop  }
0x5: {  	_ = 	snop  }
0x6: {  	_ = 	snop  }
0x7: {  	_ = 	snop  }
__scs_overlays_trampoline_lowered:
0x8: {  	[smem:$0x3FA7] =	sst s0  }
0x9: {  	[smem:$0x3FA8] =	sst s1  }
0xa: {  	[smem:$0x3FA9] =	sst s2  }
0xb: {  	[smem:$0x3FAA] =	sst s3  }
0xc: {  	[smem:$0x3FAB] =	sst s4  }
0xd: {  	[smem:$0x3FAC] =	sst s5  }
0xe: {  	[smem:$0x3FAD] =	sst s6  }
0xf: {  	[smem:$0x3FAE] =	sst s7  }
0x10: {  	[smem:$0x3FAF] =	sst s8  }
0x11: {  	[smem:$0x3FB0] =	sst s9;
	s0 =	simm.s32 @!p0 $0x0  }
0x12: {  	s1 =	sld [smem:$0x3F96];
	s0 =	simm.s32 @p0 $0x1  }
0x13: {  	[smem:$0x3FB1] =	sst s0;
	s0 =	simm.s32 @!p1 $0x0  }
0x14: {  	s2 =	sld [smem:$0x3F95];
	s0 =	simm.s32 @p1 $0x1  }
0x15: {  	[smem:$0x3FB2] =	sst s0;
	s0 =	simm.s32 @!p2 $0x0  }
0x16: {  	s3 =	sld [smem:$0x3FDB];
	s0 =	simm.s32 @p2 $0x1  }
0x17: {  	s4 =	simm.s32 $0x1BF5;
	[smem:$0x3FB4] =	sst s0  }
0x18: {  	s0 =	sld [smem:$0x3F97];
	_ =	swait.ge [sflag:s4], $0x0  }
0x19: {  	s7 =	sld [smem:$0x3F98]  }
0x1a: {  	s8 =	sadd.s32 $0xFFFFE003, lr  }
0x1b: {  	s9 =	sadd.s32 $0xFFFFFEF7, lr;
	s5 =	simm.s32 $0xFFFFFFFF;
	p2 =	slt.u32 s8, $0xFFFFF086  }
0x1c: {  	p1 =	slt.u32 s9, $0xF7A;
	s5 =	simm.s32 @!p2 $0x0  }
0x1d: {  	s5 =	simm.s32 @p1 $0x1;
	p0 =	seq.s32 s7, s2  }
0x1e: {  	s7 =	smul.u32 @!p0 $0xF7A, s2;
	p2 =	seq.s32 @!p0 s5, $0x0  }
0x1f: {  	s9 =	smul.u32 $0xF7A, s1;
	s8 =	simm.s32 @!p0 $0x1BF5;
	p2 =	por !p2, p0  }
0x20: {  	[sflag:s8] =	ssyncset.s32 @!p0 $0xFFFFF086;
	s6 =	sadd.s32 @!p0 s3, s7;
	s7 =	simm.s32 @!p0 $0x108  }
0x21: {  	s3 =	sadd.s32 s3, s9;
	s6 =	sadd.s32 @!p0 $0x88, s6;
	s7 =	simm.s32 @p2 $0x1082  }
0x22: {  	[simem:s7], [sflag:s8] =	dma.local @!p0 [hbm:s6], $0xF7A  }
0x23: {  	s9 =	sor.u32 $0xD0000000, s2;
	s6 =	simm.s32 $0x108;
	_ =	swait.ge @!p0 [sflag:s8], $0x0  }
0x24: {  	s3 =	sadd.s32 $0x88, s3;
	s6 =	simm.s32 @!p1 $0x1082;
	[sflag:s4] =	ssyncset.s32 $0xFFFFF086  }
0x25: {  	[simem:s6], [sflag:s4] =	dma.local [hbm:s3], $0xF7A  }
0x26: {  	[smem:$0x3F98] =	sst s1;
	(tag) =	ssettag s2;
	_ =	strace s9  }
0x27: {  	s1 =	sld [smem:$0x3FA8]  }
0x28: {  	s2 =	sld [smem:$0x3FA9]  }
0x29: {  	s4 =	sld [smem:$0x3FAB]  }
0x2a: {  	p0 =	seq.s32 s5, $0x0;
	s5 =	sld [smem:$0x3FAC]  }
0x2b: {  	s6 =	sld [smem:$0x3FAD]  }
0x2c: {  	s7 =	sld [smem:$0x3FAE]  }
0x2d: {  	s3 =	simm.s32 $0x108;
	s8 =	sld [smem:$0x3FAF]  }
0x2e: {  	s3 =	simm.s32 @!p0 $0x1082;
	s9 =	sld [smem:$0x3FB0]  }
0x2f: {  	lr =	sadd.s32 s0, s3;
	s0 =	sld [smem:$0x3FA7]  }
0x30: {  	s3 =	sld [smem:$0x3FAA]  }
0x31: {  	[smem:$0x3FB3] =	sst s10  }
0x32: {  	s10 =	sld [smem:$0x3FB1];
	_ =	sdelay $0x3  }
0x33: {  	p0 =	seq.s32 s10, $0x1;
	s10 =	sld [smem:$0x3FB3];
	_ =	sdelay $0x3  }
0x34: {  	[smem:$0x3FB3] =	sst s10  }
0x35: {  	s10 =	sld [smem:$0x3FB2];
	_ =	sdelay $0x3  }
0x36: {  	p1 =	seq.s32 s10, $0x1;
	s10 =	sld [smem:$0x3FB3];
	_ =	sdelay $0x3  }
0x37: {  	[smem:$0x3FB3] =	sst s10  }
0x38: {  	s10 =	sld [smem:$0x3FB4]  }
0x39: {  	_ = 	snop;
	(pc) =	sbr.ind lr, $3  }
0x3a: {  	_ = 	snop  }
0x3b: {  	_ = 	snop  }
0x3c: {  	p2 =	seq.s32 s10, $0x1;
	s10 =	sld [smem:$0x3FB3]  }
0x3d: {  	_ =	shalt  }
0x3e: {  	_ =	shalt  }
0x3f: {  	_ =	shalt  }
0x40: {  	_ =	shalt  }
0x41: {  	_ =	shalt  }
0x42: {  	_ =	shalt  }
0x43: {  	_ =	shalt  }
0x44: {  	_ =	shalt  }
0x45: {  	_ =	shalt  }
0x46: {  	_ =	shalt  }
0x47: {  	_ =	shalt  }
0x48: {  	_ =	shalt  }
0x49: {  	_ =	shalt  }
0x4a: {  	_ =	shalt  }
0x4b: {  	_ =	shalt  }
0x4c: {  	_ =	shalt  }
0x4d: {  	_ =	shalt  }
0x4e: {  	_ =	shalt  }
0x4f: {  	_ =	shalt  }
0x50: {  	_ =	shalt  }
0x51: {  	_ =	shalt  }
0x52: {  	_ =	shalt  }
0x53: {  	_ =	shalt  }
0x54: {  	_ =	shalt  }
0x55: {  	_ =	shalt  }
0x56: {  	_ =	shalt  }
0x57: {  	_ =	shalt  }
0x58: {  	_ =	shalt  }
0x59: {  	_ =	shalt  }
0x5a: {  	_ =	shalt  }
0x5b: {  	_ =	shalt  }
0x5c: {  	_ =	shalt  }
0x5d: {  	_ =	shalt  }
0x5e: {  	_ =	shalt  }
0x5f: {  	_ =	shalt  }
0x60: {  	_ =	shalt  }
0x61: {  	_ =	shalt  }
0x62: {  	_ =	shalt  }
0x63: {  	_ =	shalt  }
0x64: {  	_ =	shalt  }
0x65: {  	_ =	shalt  }
0x66: {  	_ =	shalt  }
0x67: {  	_ =	shalt  }
0x68: {  	_ =	shalt  }
0x69: {  	_ =	shalt  }
0x6a: {  	_ =	shalt  }
0x6b: {  	_ =	shalt  }
0x6c: {  	_ =	shalt  }
0x6d: {  	_ =	shalt  }
0x6e: {  	_ =	shalt  }
0x6f: {  	_ =	shalt  }
0x70: {  	_ =	shalt  }
0x71: {  	_ =	shalt  }
0x72: {  	_ =	shalt  }
0x73: {  	_ =	shalt  }
0x74: {  	_ =	shalt  }
0x75: {  	_ =	shalt  }
0x76: {  	_ =	shalt  }
0x77: {  	_ =	shalt  }
0x78: {  	_ =	shalt  }
0x79: {  	_ =	shalt  }
0x7a: {  	_ =	shalt  }
0x7b: {  	_ =	shalt  }
0x7c: {  	_ =	shalt  }
0x7d: {  	_ =	shalt  }
0x7e: {  	_ =	shalt  }
0x7f: {  	_ =	shalt  }
0x80: {  	_ =	shalt  }
0x81: {  	_ =	shalt  }
0x82: {  	_ =	shalt  }
0x83: {  	_ =	shalt  }
0x84: {  	_ =	shalt  }
0x85: {  	_ =	shalt  }
0x86: {  	_ =	shalt  }
0x87: {  	_ =	shalt  }
.Lfunc_end0:
.L_simem_size_0:
called_computation_lowered:
.L_overlay_start_0:
0x88: {  	s2 =	sld [smem:$0x3FD9]  }
0x89: {  	s3 =	sld [smem:$0x3FFE];
	_ =	sdelay $0x1  }
0x8a: {  	s1 =	srdreg.scid  }
0x8b: {  	s0 =	sand.u32 $0x1, s1  }
0x8c: {  	s17 =	sshll.u32 s0, $0xA;
	s2 =	sadd.s32 s3, s2  }
0x8d: {  	s2 =	sadd.s32 s2, s17  }
0x8e: {  	[smem:$0x3FBF] =	sst s2  }
0x8f: {  	_ = 	snop  }
0x90: {  	s2 =	sld [smem:$0x3FD0];
	(tm) =	ssettm $0x1  }
0x91: {  	s18 =	sld [smem:$0x3FFB];
	_ =	sdelay $0x3  }
0x92: {  	_ =	strace s18  }
0x93: {  	s3 =	sld [smem:$0x3FFC];
	_ =	sdelay $0x3  }
0x94: {  	_ =	strace s3  }
0x95: {  	s3 =	sld [smem:$0x3FFD];
	_ =	sdelay $0x3  }
0x96: {  	_ =	strace s3  }
0x97: {  	_ =	strace $0x8FFFFFFF  }
0x98: {  	s19 =	sld [smem:$0x3FDB];
	_ =	sdelay $0x1  }
0x99: {  	s4 =	simm.s32 $_scs_section_size  }
0x9a: {  	s5 =	simm.s32 $_size__tile_overlayer_lowered;
	s6 =	simm.s32 $_tile_overlayer_lowered  }
0x9b: {  	s22 =	simm.s32 $0x1BFF;
	s21 =	sshll.u32 s6, $0x1;
	s3 =	sadd.s32 s4, s19  }
0x9c: {  	s7 =	simm.s32 $0x0;
	s20 =	sshll.u32 s5, $0x1;
	s5 =	sadd.s32 s21, s3  }
0x9d: {  	[timem:s7], [sflag:s22] =	dma.local [hbm:s5], s20  }
0x9e: {  	_ =	swait.ge [sflag:s22], s20  }
0x9f: {  	s4 =	ssub.s32 $0x0, s20;
	[sflag:s22] =	ssyncset.done $0x0  }
0xa0: {  	[sflag:s22] =	ssyncadd.s32 s4;
	_ =	sdelay $0x1  }
0xa1: {  	s23 =	simm.s32 $0x1B8B  }
0xa2: {  	_ =	swait.ge [sflag:s23], $0x1  }
0xa3: {  	[sflag:s23] =	ssyncset.done $0x0  }
0xa4: {  	s25 =	simm.s32 $0x1B8E;
	s24 =	sld [smem:$0x3FFE];
	[sflag:s23] =	ssyncadd.s32 $0xFFFFFFFF  }
0xa5: {  	s26 =	simm.s32 $execute0_lowered;
	[smem:$0x3FD2] =	sst s25  }
0xa6: {  	s5 =	sshll.u32 s26, $0x1;
	_ =	strace $0x80000046;
	[dreg:$0x1] =	wrdreg $0xFFFFFFFF  }
0xa7: {  	s28 =	simm.s32 $_size_execute0_lowered;
	s3 =	sadd.s32 s3, s5;
	[dreg:$0x0] =	wrdreg $0x0  }
0xa8: {  	s5 =	sshll.u32 s28, $0x1;
	[dreg:$0x2] =	wrdreg s3  }
0xa9: {  	[dreg:$0x3] =	wrdreg s5  }
0xaa: {  	[dreg:$0x4] =	wrdreg $0xC0  }
0xab: {  	_ =	task [dreg:s7], $0x5FFFF  }
0xac: {  	[dreg:$0x1] =	wrdreg $0xFFFFFFFF  }
0xad: {  	[dreg:$0x0] =	wrdreg $0x60  }
0xae: {  	[dreg:$0x2] =	wrdreg s24  }
0xaf: {  	[dreg:$0x3] =	wrdreg s2  }
0xb0: {  	[dreg:$0x4] =	wrdreg $0xA  }
0xb1: {  	_ =	task.clear_ibuf [dreg:s7], $0x5FFFF;
	_ =	strace $0x90000046  }
0xb2: {  	s29 =	simm.s32 $0xA;
	_ =	strace $0x80000048  }
0xb3: {  	_ =	swait.ge [sflag:s29], $0x1  }
0xb4: {  	[sflag:s29] =	ssyncadd.s32 $0xFFFFFFFF  }
0xb5: {  	_ =	strace $0x90000048  }
0xb6: {  	_ =	sfence  }
0xb7: {  	s30 =	sld [smem:$0x0];
	_ =	sdelay $0x2  }
0xb8: {  	s31 =	sshll.u32 s1, $0xD;
	s1 =	sshrl.u32 s1, $0x2  }
0xb9: {  	s3 =	sand.u32 $0x4000, s31;
	s1 =	sadd.s32 s1, s30  }
0xba: {  	s0 =	sor.u32 s3, s0;
	s1 =	sshll.u32 s1, $0x11  }
0xbb: {  	s0 =	sor.u32 s1, s0  }
0xbc: {  	s0 =	sadd.s32 $0x8F2B, s0  }
0xbd: {  	[sflag:s0] =	ssyncadd.remote.s32 $0x1  }
0xbe: {  	_ =	sfence.sel $0xFFFF  }
0xbf: {  	[dreg:$0x0] =	wrdreg $0xFFFFFFFF;
	(pc) =	sbr.abs _section_cstart, $3  }
0xc0: {  	[dreg:$0x1] =	wrdreg $0xFFFFFFFF  }
0xc1: {  	_ =	task.clear_ibuf [dreg:s7], $0x2FFFF;
	_ =	strace $0x9FFFFFFF  }
0xc2: {  	(tm) =	ssettm $0x7FFFFFFF  }
0xc3: {  	_ =	shalt  }
tec
execute0_lowered:
.L_overlay_start_1:
0x0: {  	(tag) =	ssettag $0x1  }
0x1: {  	s7 =	rddreg [dreg:$0x0]  }
0x2: {  	s1 =	rddreg [dreg:$0x1]  }
0x3: {  	s0 =	rddreg [dreg:$0x2];
	s2 =	simm.s32 $0x0;
	s3 =	srdreg.scid  }
0x4: {  	s12 =	simm.s32 $0x4080;
	s13 =	simm.s32 $0x8080;
	s14 =	simm.s32 $0x1  }
0x5: {  	s15 =	simm.s32 $0x0;
	[smem:$0x7FF] =	sst s2;
	s8 =	sand.u32 $0x1, s3  }
0x6: {  	s4 =	sadd.s32 $0x4AAC00, s7;
	s3 =	stileid.u32;
	s5 =	sadd.s32 $0x4000, s7  }
0x7: {  	s6 =	sadd.s32 $0x324000, s7;
	s7 =	sadd.s32 $0x4B1000, s7;
	s9 =	ssub.s32 $0x2, s8  }
0x8: {  	_ =	strace $0x80000047;
	s11 =	sshll.u32 s3, $0x1;
	s10 =	sshrl.u32 s9, $0x1  }
0x9: {  	s8 =	sor.u32 s8, s11;
	s11 =	simm.s32 $0x80;
	s9 =	ssub.s32 s9, s10  }
0xa: {  	v0 =	vimm.f32 $0.0e+00;
	v1 =	vimm.f32 $1.000000000e+00;
	s8 =	smul.u32 $0x500, s8;
	s10 =	simm.s32 $0x2;
	s9 =	smax.u32 s9, $0x1  }
.LBB2_1:
0xb: {  	s16 =	simm.s32 $0x0  }
.LBB2_2:
0xc: {  	s17 =	sshll.u32 s16, $0x7  }
0xd: {  	s17 =	sadd.s32 s8, s17  }
0xe: {  	s18 =	sshrl.u32 s17, $0x3  }
0xf: {  	s18 =	sadd.s32 s4, s18  }
0x10: {  	[tilespmem:s2], [sflag:$0x2] =	stream.linear.gather [hbm4b:s18+s2], $0x80, $0x38;
	[tilespmem:$0xC080] =	vst v63  }
0x11: {  	_ =	swait.ge [sflag:s10], $0x80  }
0x12: {  	[sflag:s10] =	ssyncset.done $0x0  }
0x13: {  	s17 =	sshll.u32 s17, $0x4;
	[sflag:s10] =	ssyncadd.s32 $0xFFFFFF80  }
0x14: {  	[tilespmem:s11], [sflag:$0x1] =	stream.indirect.gather [hbm4b:s6+s11], $0x80, s2, s11, $0xb8;
	[tilespmem:$0xC080] =	vst v63  }
0x15: {  	s31 =	sadd.s32 s5, s17  }
0x16: {  	[tilespmem:s12], [sflag:$0x2] =	stream.linear.gather [hbm4b:s31+s2], $0x4000, $0x38;
	[tilespmem:$0xC080] =	vst v63  }
0x17: {  	_ =	swait.ge [sflag:s10], $0x4000  }
0x18: {  	[sflag:s10] =	ssyncset.done $0x0  }
0x19: {  	s19 =	simm.s32 $0x8280;
	[sflag:s10] =	ssyncadd.s32 $0xFFFFC000  }
0x1a: {  	[tilespmem:s19+$0xFFFFFE00] =	vst v0  }
0x1b: {  	[tilespmem:s19+$0x190] =	vst v0  }
0x1c: {  	[tilespmem:s19+$0x180] =	vst v0  }
0x1d: {  	[tilespmem:s19+$0x110] =	vst v0  }
0x1e: {  	[tilespmem:s19+$0x100] =	vst v0  }
0x1f: {  	[tilespmem:s19+$0x90] =	vst v0  }
0x20: {  	[tilespmem:s19+$0x80] =	vst v0  }
0x21: {  	[tilespmem:s19+$0x10] =	vst v0  }
0x22: {  	[tilespmem:s19+$0x0] =	vst v0  }
0x23: {  	[tilespmem:s19+$0xFFFFFF90] =	vst v0  }
0x24: {  	[tilespmem:s19+$0xFFFFFF80] =	vst v0  }
0x25: {  	[tilespmem:s19+$0xFFFFFF10] =	vst v0  }
0x26: {  	[tilespmem:s19+$0xFFFFFF00] =	vst v0  }
0x27: {  	[tilespmem:s19+$0xFFFFFE90] =	vst v0  }
0x28: {  	s20 =	simm.s32 $0x0;
	s18 =	simm.s32 $0x4180;
	[tilespmem:s19+$0xFFFFFE80] =	vst v0  }
.LBB2_3:
0x29: {  	s20 =	sadd.s32 $0x8, s20;
	[tilespmem:s19+$0xFFFFFE10] =	vst v0;
	s19 =	sadd.s32 $0x400, s19  }
0x2a: {  	[tilespmem:s19+$0xFFFFFE00] =	vst v0;
	p0 =	slt.u32 s20, $0x78  }
0x2b: {  	[tilespmem:s19+$0x190] =	vst v0  }
0x2c: {  	[tilespmem:s19+$0x180] =	vst v0  }
0x2d: {  	[tilespmem:s19+$0x110] =	vst v0  }
0x2e: {  	[tilespmem:s19+$0x100] =	vst v0  }
0x2f: {  	[tilespmem:s19+$0x90] =	vst v0  }
0x30: {  	[tilespmem:s19+$0x80] =	vst v0  }
0x31: {  	[tilespmem:s19+$0x10] =	vst v0  }
0x32: {  	[tilespmem:s19+$0x0] =	vst v0  }
0x33: {  	[tilespmem:s19+$0xFFFFFF90] =	vst v0  }
.Ltmp0:
0x34: {  	[tilespmem:s19+$0xFFFFFF80] =	vst v0;
	(pc) =	sbr.rel @p0 .LBB2_3-.Ltmp0, $4  }
0x35: {  	[tilespmem:s19+$0xFFFFFF10] =	vst v0  }
0x36: {  	[tilespmem:s19+$0xFFFFFF00] =	vst v0  }
0x37: {  	[tilespmem:s19+$0xFFFFFE90] =	vst v0  }
0x38: {  	[tilespmem:s19+$0xFFFFFE80] =	vst v0  }
0x39: {  	[tilespmem:s19+$0xFFFFFE10] =	vst v0;
	s19 =	simm.s32 $0x0  }
.LBB2_5:
0x3a: {  	v2 =	vld [tilespmem:s18+$0xFFFFFF00]  }
0x3b: {  	v3 =	vld [tilespmem:s18+$0xFFFFFF10];
	_ =	sdelay $0x3  }
0x3c: {  	s20 =	sshll.u32 s19, $0x7;
	v4 =	vand.u32 $0xFFFFFF80, v2  }
0x3d: {  	v2 =	vand.u32 $0x7F, v2;
	v5 =	vand.u32 $0xFFFFFF80, v3;
	v4 =	vadd.s32 s20, v4  }
0x3e: {  	v3 =	vand.u32 $0x7F, v3;
	v54 =	vadd.s32 s20, v5;
	v2 =	vor.u32 v2, v4  }
0x3f: {  	v3 =	vor.u32 v3, v54;
	_ =	sdelay $0x3  }
0x40: {  	[tilespmem:v2+s13+$0x0] =	vst.idx.add.f32.msk $0xffff, v1  }
0x41: {  	[tilespmem:v3+s13+$0x0] =	vst.idx.add.f32.msk $0xffff, v1  }
0x42: {  	v2 =	vld [tilespmem:s18+$0xFFFFFF80]  }
0x43: {  	v3 =	vld [tilespmem:s18+$0xFFFFFF90];
	_ =	sdelay $0x3  }
0x44: {  	s21 =	sadd.s32 $0x80, s20;
	v55 =	vand.u32 $0xFFFFFF80, v2  }
0x45: {  	v2 =	vand.u32 $0x7F, v2;
	v56 =	vand.u32 $0xFFFFFF80, v3;
	v4 =	vadd.s32 s21, v55  }
0x46: {  	v3 =	vand.u32 $0x7F, v3;
	v57 =	vadd.s32 s21, v56;
	v2 =	vor.u32 v2, v4  }
0x47: {  	v3 =	vor.u32 v3, v57;
	_ =	sdelay $0x3  }
0x48: {  	[tilespmem:v2+s13+$0x0] =	vst.idx.add.f32.msk $0xffff, v1  }
0x49: {  	[tilespmem:v3+s13+$0x0] =	vst.idx.add.f32.msk $0xffff, v1  }
0x4a: {  	v2 =	vld [tilespmem:s18+$0x0]  }
0x4b: {  	v3 =	vld [tilespmem:s18+$0x10];
	_ =	sdelay $0x3  }
0x4c: {  	s31 =	sadd.s32 $0x100, s20;
	v58 =	vand.u32 $0xFFFFFF80, v2  }
0x4d: {  	v2 =	vand.u32 $0x7F, v2;
	v59 =	vand.u32 $0xFFFFFF80, v3;
	v4 =	vadd.s32 s31, v58  }
0x4e: {  	v3 =	vand.u32 $0x7F, v3;
	v60 =	vadd.s32 s31, v59;
	v2 =	vor.u32 v2, v4  }
0x4f: {  	v3 =	vor.u32 v3, v60;
	_ =	sdelay $0x3  }
0x50: {  	[tilespmem:v2+s13+$0x0] =	vst.idx.add.f32.msk $0xffff, v1  }
0x51: {  	[tilespmem:v3+s13+$0x0] =	vst.idx.add.f32.msk $0xffff, v1  }
0x52: {  	v2 =	vld [tilespmem:s18+$0x80]  }
0x53: {  	v3 =	vld [tilespmem:s18+$0x90];
	_ =	sdelay $0x3  }
0x54: {  	s20 =	sadd.s32 $0x180, s20;
	v61 =	vand.u32 $0xFFFFFF80, v2  }
0x55: {  	v2 =	vand.u32 $0x7F, v2;
	v62 =	vand.u32 $0xFFFFFF80, v3;
	v4 =	vadd.s32 s20, v61  }
0x56: {  	v3 =	vand.u32 $0x7F, v3;
	v63 =	vadd.s32 s20, v62;
	v2 =	vor.u32 v2, v4  }
0x57: {  	p0 =	slt.u32 s19, $0x7C;
	v3 =	vor.u32 v3, v63  }
.Ltmp1:
0x58: {  	_ = 	snop;
	(pc) =	sbr.rel @p0 .LBB2_5-.Ltmp1, $3  }
0x59: {  	_ =	sdelay $0x1  }
0x5a: {  	[tilespmem:v2+s13+$0x0] =	vst.idx.add.f32.msk $0xffff, v1  }
0x5b: {  	s19 =	sadd.s32 $0x4, s19;
	s18 =	sadd.s32 $0x200, s18;
	[tilespmem:v3+s13+$0x0] =	vst.idx.add.f32.msk $0xffff, v1  }
0x5c: {  	_ =	swait.ge [sflag:s14], $0x4000  }
0x5d: {  	[sflag:s14] =	ssyncset.done $0x0  }
0x5e: {  	s18 =	sadd.s32 s1, s17;
	[sflag:s14] =	ssyncadd.s32 $0xFFFFC000  }
0x5f: {  	[hbm4b:s18+s2] =	stream.linear.scatter [tilespmem:s11], [sflag:$0x2], $0x4000, $0x38;
	[tilespmem:$0xC080] =	vst v63  }
0x60: {  	s16 =	sadd.s32 $0x1, s16;
	_ =	swait.ge [sflag:s10], $0x4000  }
0x61: {  	p0 =	sne.s32 s16, $0xA;
	[sflag:s10] =	ssyncset.done $0x0  }
.Ltmp2:
0x62: {  	s31 =	sadd.s32 s7, s17;
	[sflag:s10] =	ssyncadd.s32 $0xFFFFC000;
	(pc) =	sbr.rel @p0 .LBB2_2-.Ltmp2, $4  }
0x63: {  	[hbm4b:s31+s2] =	stream.linear.scatter [tilespmem:s13], [sflag:$0x2], $0x4000, $0x38;
	[tilespmem:$0xC080] =	vst v63  }
0x64: {  	_ =	swait.ge [sflag:s10], $0x4000  }
0x65: {  	[sflag:s10] =	ssyncset.done $0x0  }
0x66: {  	[sflag:s10] =	ssyncadd.s32 $0xFFFFC000  }
0x67: {  	s15 =	sadd.s32 $0x1, s15  }
0x68: {  	p0 =	sne.s32 s15, s9  }
.Ltmp3:
0x69: {  	_ = 	snop;
	(pc) =	sbr.rel @p0 .LBB2_1-.Ltmp3, $1  }
0x6a: {  	_ =	sdelay $0x3  }
0x6b: {  	_ =	sfence.sel $0x180000  }
0x6c: {  	[bflag:$0x0] =	sbarrier.arrive $0xFFFF  }
0x6d: {  	p0 =	sne.s32 s3, $0x0;
	_ =	strace $0x90000047  }
0x6e: {  	s0 =	sadd.s32 @!p0 $0x100000, s0;
	[bflag:$0x2] =	sbarrier.arrive $0xFFFF  }
0x6f: {  	[sflag:s0] =	ssyncadd.tile.s32 @!p0 $0x1;
	_ =	shalt  }
.Lfunc_end2:
_tile_overlayer_lowered:
.L_overlay_start_2:
0x70: {  	(tag) =	ssettag $0x2  }
0x71: {  	s0 =	rddreg [dreg:$0x0];
	s2 =	stileid.u32  }
0x72: {  	s1 =	rddreg [dreg:$0x1];
	p0 =	sne.s32 s2, $0x0  }
0x73: {  	s3 =	rddreg [dreg:$0x2];
	[bflag:$0x3] =	sbarrier.arrive $0xFFFF;
	s2 =	simm.s32 @!p0 $0x1C02  }
0x74: {  	[timem:s3], [sflag:s2] =	dma.local @!p0 [hbm:s0], s1  }
0x75: {  	s0 =	simm.s32 @!p0 $0x2  }
0x76: {  	_ =	swait.ge @!p0 [sflag:s0], s1  }
0x77: {  	s1 =	ssub.s32 @!p0 $0x0, s1;
	[sflag:s0] =	ssyncset.done @!p0 $0x0  }
0x78: {  	[sflag:s0] =	ssyncadd.s32 @!p0 s1  }
0x79: {  	[bflag:$0x3] =	sbarrier.arrive $0xFFFF  }
0x7a: {  	_ =	shalt  }

// kernel: kernel.15.cloned.1.call-start
scs
__scs_entry_jumppad:
0x0: {  	(pc) =	sbr.rel $0x88, $3  }
0x1: {  	(tag) =	ssettag $0x0;
	lr =	simm.s32 $0x1  }
0x2: {  	[smem:$0x3F98] =	sst lr;
	_ =	strace $0xD0000000  }
0x3: {  	_ = 	snop  }
0x4: {  	_ = 	snop  }
0x5: {  	_ = 	snop  }
0x6: {  	_ = 	snop  }
0x7: {  	_ = 	snop  }
__scs_overlays_trampoline_lowered:
0x8: {  	[smem:$0x3FA7] =	sst s0  }
0x9: {  	[smem:$0x3FA8] =	sst s1  }
0xa: {  	[smem:$0x3FA9] =	sst s2  }
0xb: {  	[smem:$0x3FAA] =	sst s3  }
0xc: {  	[smem:$0x3FAB] =	sst s4  }
0xd: {  	[smem:$0x3FAC] =	sst s5  }
0xe: {  	[smem:$0x3FAD] =	sst s6  }
0xf: {  	[smem:$0x3FAE] =	sst s7  }
0x10: {  	[smem:$0x3FAF] =	sst s8  }
0x11: {  	[smem:$0x3FB0] =	sst s9;
	s0 =	simm.s32 @!p0 $0x0  }
0x12: {  	s1 =	sld [smem:$0x3F96];
	s0 =	simm.s32 @p0 $0x1  }
0x13: {  	[smem:$0x3FB1] =	sst s0;
	s0 =	simm.s32 @!p1 $0x0  }
0x14: {  	s2 =	sld [smem:$0x3F95];
	s0 =	simm.s32 @p1 $0x1  }
0x15: {  	[smem:$0x3FB2] =	sst s0;
	s0 =	simm.s32 @!p2 $0x0  }
0x16: {  	s3 =	sld [smem:$0x3FDB];
	s0 =	simm.s32 @p2 $0x1  }
0x17: {  	s4 =	simm.s32 $0x1BF5;
	[smem:$0x3FB4] =	sst s0  }
0x18: {  	s0 =	sld [smem:$0x3F97];
	_ =	swait.ge [sflag:s4], $0x0  }
0x19: {  	s7 =	sld [smem:$0x3F98]  }
0x1a: {  	s8 =	sadd.s32 $0xFFFFE003, lr  }
0x1b: {  	s9 =	sadd.s32 $0xFFFFFEF7, lr;
	s5 =	simm.s32 $0xFFFFFFFF;
	p2 =	slt.u32 s8, $0xFFFFF086  }
0x1c: {  	p1 =	slt.u32 s9, $0xF7A;
	s5 =	simm.s32 @!p2 $0x0  }
0x1d: {  	s5 =	simm.s32 @p1 $0x1;
	p0 =	seq.s32 s7, s2  }
0x1e: {  	s7 =	smul.u32 @!p0 $0xF7A, s2;
	p2 =	seq.s32 @!p0 s5, $0x0  }
0x1f: {  	s9 =	smul.u32 $0xF7A, s1;
	s8 =	simm.s32 @!p0 $0x1BF5;
	p2 =	por !p2, p0  }
0x20: {  	[sflag:s8] =	ssyncset.s32 @!p0 $0xFFFFF086;
	s6 =	sadd.s32 @!p0 s3, s7;
	s7 =	simm.s32 @!p0 $0x108  }
0x21: {  	s3 =	sadd.s32 s3, s9;
	s6 =	sadd.s32 @!p0 $0x88, s6;
	s7 =	simm.s32 @p2 $0x1082  }
0x22: {  	[simem:s7], [sflag:s8] =	dma.local @!p0 [hbm:s6], $0xF7A  }
0x23: {  	s9 =	sor.u32 $0xD0000000, s2;
	s6 =	simm.s32 $0x108;
	_ =	swait.ge @!p0 [sflag:s8], $0x0  }
0x24: {  	s3 =	sadd.s32 $0x88, s3;
	s6 =	simm.s32 @!p1 $0x1082;
	[sflag:s4] =	ssyncset.s32 $0xFFFFF086  }
0x25: {  	[simem:s6], [sflag:s4] =	dma.local [hbm:s3], $0xF7A  }
0x26: {  	[smem:$0x3F98] =	sst s1;
	(tag) =	ssettag s2;
	_ =	strace s9  }
0x27: {  	s1 =	sld [smem:$0x3FA8]  }
0x28: {  	s2 =	sld [smem:$0x3FA9]  }
0x29: {  	s4 =	sld [smem:$0x3FAB]  }
0x2a: {  	p0 =	seq.s32 s5, $0x0;
	s5 =	sld [smem:$0x3FAC]  }
0x2b: {  	s6 =	sld [smem:$0x3FAD]  }
0x2c: {  	s7 =	sld [smem:$0x3FAE]  }
0x2d: {  	s3 =	simm.s32 $0x108;
	s8 =	sld [smem:$0x3FAF]  }
0x2e: {  	s3 =	simm.s32 @!p0 $0x1082;
	s9 =	sld [smem:$0x3FB0]  }
0x2f: {  	lr =	sadd.s32 s0, s3;
	s0 =	sld [smem:$0x3FA7]  }
0x30: {  	s3 =	sld [smem:$0x3FAA]  }
0x31: {  	[smem:$0x3FB3] =	sst s10  }
0x32: {  	s10 =	sld [smem:$0x3FB1];
	_ =	sdelay $0x3  }
0x33: {  	p0 =	seq.s32 s10, $0x1;
	s10 =	sld [smem:$0x3FB3];
	_ =	sdelay $0x3  }
0x34: {  	[smem:$0x3FB3] =	sst s10  }
0x35: {  	s10 =	sld [smem:$0x3FB2];
	_ =	sdelay $0x3  }
0x36: {  	p1 =	seq.s32 s10, $0x1;
	s10 =	sld [smem:$0x3FB3];
	_ =	sdelay $0x3  }
0x37: {  	[smem:$0x3FB3] =	sst s10  }
0x38: {  	s10 =	sld [smem:$0x3FB4]  }
0x39: {  	_ = 	snop;
	(pc) =	sbr.ind lr, $3  }
0x3a: {  	_ = 	snop  }
0x3b: {  	_ = 	snop  }
0x3c: {  	p2 =	seq.s32 s10, $0x1;
	s10 =	sld [smem:$0x3FB3]  }
0x3d: {  	_ =	shalt  }
0x3e: {  	_ =	shalt  }
0x3f: {  	_ =	shalt  }
0x40: {  	_ =	shalt  }
0x41: {  	_ =	shalt  }
0x42: {  	_ =	shalt  }
0x43: {  	_ =	shalt  }
0x44: {  	_ =	shalt  }
0x45: {  	_ =	shalt  }
0x46: {  	_ =	shalt  }
0x47: {  	_ =	shalt  }
0x48: {  	_ =	shalt  }
0x49: {  	_ =	shalt  }
0x4a: {  	_ =	shalt  }
0x4b: {  	_ =	shalt  }
0x4c: {  	_ =	shalt  }
0x4d: {  	_ =	shalt  }
0x4e: {  	_ =	shalt  }
0x4f: {  	_ =	shalt  }
0x50: {  	_ =	shalt  }
0x51: {  	_ =	shalt  }
0x52: {  	_ =	shalt  }
0x53: {  	_ =	shalt  }
0x54: {  	_ =	shalt  }
0x55: {  	_ =	shalt  }
0x56: {  	_ =	shalt  }
0x57: {  	_ =	shalt  }
0x58: {  	_ =	shalt  }
0x59: {  	_ =	shalt  }
0x5a: {  	_ =	shalt  }
0x5b: {  	_ =	shalt  }
0x5c: {  	_ =	shalt  }
0x5d: {  	_ =	shalt  }
0x5e: {  	_ =	shalt  }
0x5f: {  	_ =	shalt  }
0x60: {  	_ =	shalt  }
0x61: {  	_ =	shalt  }
0x62: {  	_ =	shalt  }
0x63: {  	_ =	shalt  }
0x64: {  	_ =	shalt  }
0x65: {  	_ =	shalt  }
0x66: {  	_ =	shalt  }
0x67: {  	_ =	shalt  }
0x68: {  	_ =	shalt  }
0x69: {  	_ =	shalt  }
0x6a: {  	_ =	shalt  }
0x6b: {  	_ =	shalt  }
0x6c: {  	_ =	shalt  }
0x6d: {  	_ =	shalt  }
0x6e: {  	_ =	shalt  }
0x6f: {  	_ =	shalt  }
0x70: {  	_ =	shalt  }
0x71: {  	_ =	shalt  }
0x72: {  	_ =	shalt  }
0x73: {  	_ =	shalt  }
0x74: {  	_ =	shalt  }
0x75: {  	_ =	shalt  }
0x76: {  	_ =	shalt  }
0x77: {  	_ =	shalt  }
0x78: {  	_ =	shalt  }
0x79: {  	_ =	shalt  }
0x7a: {  	_ =	shalt  }
0x7b: {  	_ =	shalt  }
0x7c: {  	_ =	shalt  }
0x7d: {  	_ =	shalt  }
0x7e: {  	_ =	shalt  }
0x7f: {  	_ =	shalt  }
0x80: {  	_ =	shalt  }
0x81: {  	_ =	shalt  }
0x82: {  	_ =	shalt  }
0x83: {  	_ =	shalt  }
0x84: {  	_ =	shalt  }
0x85: {  	_ =	shalt  }
0x86: {  	_ =	shalt  }
0x87: {  	_ =	shalt  }
.Lfunc_end0:
.L_simem_size_0:
called_computation.1_lowered:
.L_overlay_start_0:
0x88: {  	s2 =	sld [smem:$0x3FD9]  }
0x89: {  	s3 =	sld [smem:$0x3FFE];
	_ =	sdelay $0x1  }
0x8a: {  	s1 =	srdreg.scid  }
0x8b: {  	s0 =	sand.u32 $0x1, s1  }
0x8c: {  	s17 =	sshll.u32 s0, $0xA;
	s2 =	sadd.s32 s3, s2  }
0x8d: {  	s2 =	sadd.s32 s2, s17  }
0x8e: {  	[smem:$0x3FBF] =	sst s2  }
0x8f: {  	_ = 	snop  }
0x90: {  	(tm) =	ssettm $0x1  }
0x91: {  	s18 =	sld [smem:$0x3FFB];
	_ =	sdelay $0x3  }
0x92: {  	_ =	strace s18  }
0x93: {  	s2 =	sld [smem:$0x3FFC];
	_ =	sdelay $0x3  }
0x94: {  	_ =	strace s2  }
0x95: {  	s2 =	sld [smem:$0x3FFD];
	_ =	sdelay $0x3  }
0x96: {  	_ =	strace s2  }
0x97: {  	_ =	strace $0x8FFFFFFF  }
0x98: {  	s19 =	sld [smem:$0x3FDB];
	_ =	sdelay $0x1  }
0x99: {  	s20 =	simm.s32 $_scs_section_size  }
0x9a: {  	s4 =	simm.s32 $_size__tile_overlayer_lowered;
	s5 =	simm.s32 $_tile_overlayer_lowered  }
0x9b: {  	s6 =	simm.s32 $0x1BFF;
	s21 =	sshll.u32 s5, $0x1;
	s3 =	sadd.s32 s20, s19  }
0x9c: {  	s22 =	simm.s32 $0x0;
	s4 =	sshll.u32 s4, $0x1;
	s5 =	sadd.s32 s21, s3  }
0x9d: {  	[timem:s22], [sflag:s6] =	dma.local [hbm:s5], s4  }
0x9e: {  	_ =	swait.ge [sflag:s6], s4  }
0x9f: {  	s4 =	ssub.s32 $0x0, s4;
	[sflag:s6] =	ssyncset.done $0x0  }
0xa0: {  	[sflag:s6] =	ssyncadd.s32 s4;
	_ =	sdelay $0x1  }
0xa1: {  	s23 =	simm.s32 $0x1B8B  }
0xa2: {  	_ =	swait.ge [sflag:s23], $0x1  }
0xa3: {  	[sflag:s23] =	ssyncset.done $0x0  }
0xa4: {  	[sflag:s23] =	ssyncadd.s32 $0xFFFFFFFF  }
0xa5: {  	s4 =	sld [smem:$0x0]  }
0xa6: {  	s5 =	sand.u32 $0xFFFFFFFE, s1  }
0xa7: {  	p0 =	sne.s32 s1, s5  }
0xa8: {  	s5 =	sshll.u32 @p0 s5, $0xE  }
0xa9: {  	s5 =	sadd.s32 @p0 $0x11B8D, s5;
	s6 =	sshll.u32 @p0 s4, $0x11  }
0xaa: {  	s5 =	sor.u32 @p0 s6, s5  }
0xab: {  	[sflag:s5] =	ssyncadd.remote.s32 @p0 $0x1;
	_ =	sdelay $0x1  }
0xac: {  	s5 =	simm.s32 @p0 $0x1B8D  }
0xad: {  	_ =	swait.eq @p0 [sflag:s5], $0x1  }
0xae: {  	[sflag:s5] =	ssyncadd.s32 @p0 $0xFFFFFFFF  }
0xaf: {  	s6 =	sshll.u32 @!p0 s1, $0xE  }
0xb0: {  	s6 =	sor.u32 @!p0 $0x4000, s6;
	s5 =	simm.s32 @!p0 $0x1B8D  }
0xb1: {  	s4 =	sshll.u32 @!p0 s4, $0x11;
	s6 =	sadd.s32 @!p0 $0x11B8D, s6;
	_ =	swait.eq @!p0 [sflag:s5], $0x1  }
0xb2: {  	s4 =	sor.u32 @!p0 s4, s6;
	[sflag:s5] =	ssyncadd.s32 @!p0 $0xFFFFFFFF  }
0xb3: {  	s25 =	simm.s32 $0x1B8E;
	s24 =	sld [smem:$0x3FFE];
	[sflag:s4] =	ssyncadd.remote.s32 @!p0 $0x1  }
0xb4: {  	s26 =	simm.s32 $execute0_lowered;
	[smem:$0x3FD2] =	sst s25  }
0xb5: {  	s5 =	sshll.u32 s26, $0x1;
	_ =	strace $0x80000049;
	[dreg:$0x1] =	wrdreg $0xFFFFFFFF  }
0xb6: {  	s28 =	simm.s32 $_size_execute0_lowered;
	s3 =	sadd.s32 s3, s5;
	[dreg:$0x0] =	wrdreg $0x0  }
0xb7: {  	s5 =	sshll.u32 s28, $0x1;
	[dreg:$0x2] =	wrdreg s3  }
0xb8: {  	[dreg:$0x3] =	wrdreg s5  }
0xb9: {  	[dreg:$0x4] =	wrdreg $0xC0  }
0xba: {  	_ =	task [dreg:s22], $0x5FFFF  }
0xbb: {  	[dreg:$0x1] =	wrdreg $0xFFFFFFFF  }
0xbc: {  	[dreg:$0x0] =	wrdreg $0x60  }
0xbd: {  	[dreg:$0x2] =	wrdreg s24  }
0xbe: {  	[dreg:$0x3] =	wrdreg $0x9  }
0xbf: {  	_ =	task.clear_ibuf [dreg:s22], $0x4FFFF;
	_ =	strace $0x90000049  }
0xc0: {  	s29 =	simm.s32 $0x9;
	_ =	strace $0x8000004B  }
0xc1: {  	_ =	swait.ge [sflag:s29], $0x1  }
0xc2: {  	[sflag:s29] =	ssyncadd.s32 $0xFFFFFFFF  }
0xc3: {  	_ =	strace $0x9000004B  }
0xc4: {  	_ =	sfence  }
0xc5: {  	s30 =	sld [smem:$0x0];
	_ =	sdelay $0x2  }
0xc6: {  	s31 =	sshll.u32 s1, $0xD;
	s1 =	sshrl.u32 s1, $0x2  }
0xc7: {  	s4 =	sand.u32 $0x4000, s31;
	s1 =	sadd.s32 s1, s30  }
0xc8: {  	s0 =	sor.u32 s4, s0;
	s1 =	sshll.u32 s1, $0x11  }
0xc9: {  	s0 =	sor.u32 s1, s0  }
0xca: {  	s0 =	sadd.s32 $0x8F2B, s0  }
0xcb: {  	[sflag:s0] =	ssyncadd.remote.s32 $0x1  }
0xcc: {  	_ =	sfence.sel $0xFFFF  }
0xcd: {  	[dreg:$0x0] =	wrdreg $0xFFFFFFFF;
	(pc) =	sbr.abs _section_cstart, $3  }
0xce: {  	[dreg:$0x1] =	wrdreg $0xFFFFFFFF  }
0xcf: {  	_ =	task.clear_ibuf [dreg:s22], $0x2FFFF;
	_ =	strace $0x9FFFFFFF  }
0xd0: {  	(tm) =	ssettm $0x7FFFFFFF  }
0xd1: {  	_ =	shalt  }
tec
execute0_lowered:
.L_overlay_start_1:
0x0: {  	(tag) =	ssettag $0x1  }
0x1: {  	s7 =	rddreg [dreg:$0x0]  }
0x2: {  	s0 =	rddreg [dreg:$0x1]  }
0x3: {  	s1 =	simm.s32 $0x0;
	s2 =	srdreg.scid;
	s12 =	simm.s32 $0x4080  }
0x4: {  	s13 =	simm.s32 $0x8080;
	s14 =	simm.s32 $0x1;
	s15 =	simm.s32 $0x0  }
0x5: {  	[smem:$0x7FF] =	sst s1;
	s3 =	sadd.s32 $0x4AAC00, s7;
	s8 =	sand.u32 $0x1, s2  }
0x6: {  	s4 =	sadd.s32 $0x4000, s7;
	s2 =	stileid.u32;
	s5 =	sadd.s32 $0x324000, s7  }
0x7: {  	s6 =	sadd.s32 $0x551000, s7;
	s7 =	sadd.s32 $0x5F1000, s7;
	s9 =	ssub.s32 $0x2, s8  }
0x8: {  	_ =	strace $0x8000004A;
	s11 =	sshll.u32 s2, $0x1;
	s10 =	sshrl.u32 s9, $0x1  }
0x9: {  	s8 =	sor.u32 s8, s11;
	s11 =	simm.s32 $0x80;
	s9 =	ssub.s32 s9, s10  }
0xa: {  	v0 =	vimm.f32 $0.0e+00;
	v1 =	vimm.f32 $1.000000000e+00;
	s8 =	smul.u32 $0x500, s8;
	s10 =	simm.s32 $0x2;
	s9 =	smax.u32 s9, $0x1  }
.LBB2_1:
0xb: {  	s16 =	simm.s32 $0x0  }
.LBB2_2:
0xc: {  	s17 =	sshll.u32 s16, $0x7  }
0xd: {  	s17 =	sadd.s32 s8, s17  }
0xe: {  	s18 =	sadd.s32 $0xA000, s17  }
0xf: {  	s19 =	sshrl.u32 s18, $0x3  }
0x10: {  	s19 =	sadd.s32 s3, s19  }
0x11: {  	[tilespmem:s1], [sflag:$0x2] =	stream.linear.gather [hbm4b:s19+s1], $0x80, $0x38;
	[tilespmem:$0xC080] =	vst v63  }
0x12: {  	_ =	swait.ge [sflag:s10], $0x80  }
0x13: {  	[sflag:s10] =	ssyncset.done $0x0  }
0x14: {  	s18 =	sshll.u32 s18, $0x4;
	[sflag:s10] =	ssyncadd.s32 $0xFFFFFF80  }
0x15: {  	[tilespmem:s11], [sflag:$0x1] =	stream.indirect.gather [hbm4b:s5+s11], $0x80, s1, s11, $0xb8;
	[tilespmem:$0xC080] =	vst v63  }
0x16: {  	s18 =	sadd.s32 s4, s18  }
0x17: {  	[tilespmem:s12], [sflag:$0x2] =	stream.linear.gather [hbm4b:s18+s1], $0x4000, $0x38;
	[tilespmem:$0xC080] =	vst v63  }
0x18: {  	_ =	swait.ge [sflag:s10], $0x4000  }
0x19: {  	[sflag:s10] =	ssyncset.done $0x0  }
0x1a: {  	s19 =	simm.s32 $0x8280;
	[sflag:s10] =	ssyncadd.s32 $0xFFFFC000  }
0x1b: {  	[tilespmem:s19+$0xFFFFFE00] =	vst v0  }
0x1c: {  	[tilespmem:s19+$0x190] =	vst v0  }
0x1d: {  	[tilespmem:s19+$0x180] =	vst v0  }
0x1e: {  	[tilespmem:s19+$0x110] =	vst v0  }
0x1f: {  	[tilespmem:s19+$0x100] =	vst v0  }
0x20: {  	[tilespmem:s19+$0x90] =	vst v0  }
0x21: {  	[tilespmem:s19+$0x80] =	vst v0  }
0x22: {  	[tilespmem:s19+$0x10] =	vst v0  }
0x23: {  	[tilespmem:s19+$0x0] =	vst v0  }
0x24: {  	[tilespmem:s19+$0xFFFFFF90] =	vst v0  }
0x25: {  	[tilespmem:s19+$0xFFFFFF80] =	vst v0  }
0x26: {  	[tilespmem:s19+$0xFFFFFF10] =	vst v0  }
0x27: {  	[tilespmem:s19+$0xFFFFFF00] =	vst v0  }
0x28: {  	[tilespmem:s19+$0xFFFFFE90] =	vst v0  }
0x29: {  	s20 =	simm.s32 $0x0;
	s18 =	simm.s32 $0x4180;
	[tilespmem:s19+$0xFFFFFE80] =	vst v0  }
.LBB2_3:
0x2a: {  	s20 =	sadd.s32 $0x8, s20;
	[tilespmem:s19+$0xFFFFFE10] =	vst v0;
	s19 =	sadd.s32 $0x400, s19  }
0x2b: {  	[tilespmem:s19+$0xFFFFFE00] =	vst v0;
	p0 =	slt.u32 s20, $0x78  }
0x2c: {  	[tilespmem:s19+$0x190] =	vst v0  }
0x2d: {  	[tilespmem:s19+$0x180] =	vst v0  }
0x2e: {  	[tilespmem:s19+$0x110] =	vst v0  }
0x2f: {  	[tilespmem:s19+$0x100] =	vst v0  }
0x30: {  	[tilespmem:s19+$0x90] =	vst v0  }
0x31: {  	[tilespmem:s19+$0x80] =	vst v0  }
0x32: {  	[tilespmem:s19+$0x10] =	vst v0  }
0x33: {  	[tilespmem:s19+$0x0] =	vst v0  }
0x34: {  	[tilespmem:s19+$0xFFFFFF90] =	vst v0  }
.Ltmp0:
0x35: {  	[tilespmem:s19+$0xFFFFFF80] =	vst v0;
	(pc) =	sbr.rel @p0 .LBB2_3-.Ltmp0, $4  }
0x36: {  	[tilespmem:s19+$0xFFFFFF10] =	vst v0  }
0x37: {  	[tilespmem:s19+$0xFFFFFF00] =	vst v0  }
0x38: {  	[tilespmem:s19+$0xFFFFFE90] =	vst v0  }
0x39: {  	[tilespmem:s19+$0xFFFFFE80] =	vst v0  }
0x3a: {  	[tilespmem:s19+$0xFFFFFE10] =	vst v0;
	s19 =	simm.s32 $0x0  }
.LBB2_5:
0x3b: {  	v2 =	vld [tilespmem:s18+$0xFFFFFF00]  }
0x3c: {  	v3 =	vld [tilespmem:s18+$0xFFFFFF10];
	_ =	sdelay $0x3  }
0x3d: {  	s20 =	sshll.u32 s19, $0x7;
	v4 =	vand.u32 $0xFFFFFF80, v2  }
0x3e: {  	v2 =	vand.u32 $0x7F, v2;
	v5 =	vand.u32 $0xFFFFFF80, v3;
	v4 =	vadd.s32 s20, v4  }
0x3f: {  	v3 =	vand.u32 $0x7F, v3;
	v54 =	vadd.s32 s20, v5;
	v2 =	vor.u32 v2, v4  }
0x40: {  	v3 =	vor.u32 v3, v54;
	_ =	sdelay $0x3  }
0x41: {  	[tilespmem:v2+s13+$0x0] =	vst.idx.add.f32.msk $0xffff, v1  }
0x42: {  	[tilespmem:v3+s13+$0x0] =	vst.idx.add.f32.msk $0xffff, v1  }
0x43: {  	v2 =	vld [tilespmem:s18+$0xFFFFFF80]  }
0x44: {  	v3 =	vld [tilespmem:s18+$0xFFFFFF90];
	_ =	sdelay $0x3  }
0x45: {  	s21 =	sadd.s32 $0x80, s20;
	v55 =	vand.u32 $0xFFFFFF80, v2  }
0x46: {  	v2 =	vand.u32 $0x7F, v2;
	v56 =	vand.u32 $0xFFFFFF80, v3;
	v4 =	vadd.s32 s21, v55  }
0x47: {  	v3 =	vand.u32 $0x7F, v3;
	v57 =	vadd.s32 s21, v56;
	v2 =	vor.u32 v2, v4  }
0x48: {  	v3 =	vor.u32 v3, v57;
	_ =	sdelay $0x3  }
0x49: {  	[tilespmem:v2+s13+$0x0] =	vst.idx.add.f32.msk $0xffff, v1  }
0x4a: {  	[tilespmem:v3+s13+$0x0] =	vst.idx.add.f32.msk $0xffff, v1  }
0x4b: {  	v2 =	vld [tilespmem:s18+$0x0]  }
0x4c: {  	v3 =	vld [tilespmem:s18+$0x10];
	_ =	sdelay $0x3  }
0x4d: {  	s31 =	sadd.s32 $0x100, s20;
	v58 =	vand.u32 $0xFFFFFF80, v2  }
0x4e: {  	v2 =	vand.u32 $0x7F, v2;
	v59 =	vand.u32 $0xFFFFFF80, v3;
	v4 =	vadd.s32 s31, v58  }
0x4f: {  	v3 =	vand.u32 $0x7F, v3;
	v60 =	vadd.s32 s31, v59;
	v2 =	vor.u32 v2, v4  }
0x50: {  	v3 =	vor.u32 v3, v60;
	_ =	sdelay $0x3  }
0x51: {  	[tilespmem:v2+s13+$0x0] =	vst.idx.add.f32.msk $0xffff, v1  }
0x52: {  	[tilespmem:v3+s13+$0x0] =	vst.idx.add.f32.msk $0xffff, v1  }
0x53: {  	v2 =	vld [tilespmem:s18+$0x80]  }
0x54: {  	v3 =	vld [tilespmem:s18+$0x90];
	_ =	sdelay $0x3  }
0x55: {  	s20 =	sadd.s32 $0x180, s20;
	v61 =	vand.u32 $0xFFFFFF80, v2  }
0x56: {  	v2 =	vand.u32 $0x7F, v2;
	v62 =	vand.u32 $0xFFFFFF80, v3;
	v4 =	vadd.s32 s20, v61  }
0x57: {  	v3 =	vand.u32 $0x7F, v3;
	v63 =	vadd.s32 s20, v62;
	v2 =	vor.u32 v2, v4  }
0x58: {  	p0 =	slt.u32 s19, $0x7C;
	v3 =	vor.u32 v3, v63  }
.Ltmp1:
0x59: {  	_ = 	snop;
	(pc) =	sbr.rel @p0 .LBB2_5-.Ltmp1, $3  }
0x5a: {  	_ =	sdelay $0x1  }
0x5b: {  	[tilespmem:v2+s13+$0x0] =	vst.idx.add.f32.msk $0xffff, v1  }
0x5c: {  	s19 =	sadd.s32 $0x4, s19;
	s18 =	sadd.s32 $0x200, s18;
	[tilespmem:v3+s13+$0x0] =	vst.idx.add.f32.msk $0xffff, v1  }
0x5d: {  	_ =	swait.ge [sflag:s14], $0x4000  }
0x5e: {  	s17 =	sshll.u32 s17, $0x4;
	[sflag:s14] =	ssyncset.done $0x0  }
0x5f: {  	s18 =	sadd.s32 s6, s17;
	[sflag:s14] =	ssyncadd.s32 $0xFFFFC000  }
0x60: {  	[hbm4b:s18+s1] =	stream.linear.scatter [tilespmem:s11], [sflag:$0x2], $0x4000, $0x38;
	[tilespmem:$0xC080] =	vst v63  }
0x61: {  	s16 =	sadd.s32 $0x1, s16;
	_ =	swait.ge [sflag:s10], $0x4000  }
0x62: {  	p0 =	sne.s32 s16, $0xA;
	[sflag:s10] =	ssyncset.done $0x0  }
.Ltmp2:
0x63: {  	s17 =	sadd.s32 s7, s17;
	[sflag:s10] =	ssyncadd.s32 $0xFFFFC000;
	(pc) =	sbr.rel @p0 .LBB2_2-.Ltmp2, $4  }
0x64: {  	[hbm4b:s17+s1] =	stream.linear.scatter [tilespmem:s13], [sflag:$0x2], $0x4000, $0x38;
	[tilespmem:$0xC080] =	vst v63  }
0x65: {  	_ =	swait.ge [sflag:s10], $0x4000  }
0x66: {  	[sflag:s10] =	ssyncset.done $0x0  }
0x67: {  	[sflag:s10] =	ssyncadd.s32 $0xFFFFC000  }
0x68: {  	s15 =	sadd.s32 $0x1, s15  }
0x69: {  	p0 =	sne.s32 s15, s9  }
.Ltmp3:
0x6a: {  	_ = 	snop;
	(pc) =	sbr.rel @p0 .LBB2_1-.Ltmp3, $1  }
0x6b: {  	_ =	sdelay $0x3  }
0x6c: {  	_ =	sfence.sel $0x180000  }
0x6d: {  	[bflag:$0x0] =	sbarrier.arrive $0xFFFF  }
0x6e: {  	p0 =	sne.s32 s2, $0x0;
	_ =	strace $0x9000004A  }
0x6f: {  	s0 =	sadd.s32 @!p0 $0x100000, s0;
	[bflag:$0x2] =	sbarrier.arrive $0xFFFF  }
0x70: {  	[sflag:s0] =	ssyncadd.tile.s32 @!p0 $0x1;
	_ =	shalt  }
.Lfunc_end2:
_tile_overlayer_lowered:
.L_overlay_start_2:
0x71: {  	(tag) =	ssettag $0x2  }
0x72: {  	s0 =	rddreg [dreg:$0x0];
	s2 =	stileid.u32  }
0x73: {  	s1 =	rddreg [dreg:$0x1];
	p0 =	sne.s32 s2, $0x0  }
0x74: {  	s3 =	rddreg [dreg:$0x2];
	[bflag:$0x3] =	sbarrier.arrive $0xFFFF;
	s2 =	simm.s32 @!p0 $0x1C02  }
0x75: {  	[timem:s3], [sflag:s2] =	dma.local @!p0 [hbm:s0], s1  }
0x76: {  	s0 =	simm.s32 @!p0 $0x2  }
0x77: {  	_ =	swait.ge @!p0 [sflag:s0], s1  }
0x78: {  	s1 =	ssub.s32 @!p0 $0x0, s1;
	[sflag:s0] =	ssyncset.done @!p0 $0x0  }
0x79: {  	[sflag:s0] =	ssyncadd.s32 @!p0 s1  }
0x7a: {  	[bflag:$0x3] =	sbarrier.arrive $0xFFFF  }
0x7b: {  	_ =	shalt  }

// kernel: kernel.18.cloned.1.call-start
scs
__scs_entry_jumppad:
0x0: {  	(pc) =	sbr.rel $0x88, $3  }
0x1: {  	(tag) =	ssettag $0x0;
	lr =	simm.s32 $0x1  }
0x2: {  	[smem:$0x3F98] =	sst lr;
	_ =	strace $0xD0000000  }
0x3: {  	_ = 	snop  }
0x4: {  	_ = 	snop  }
0x5: {  	_ = 	snop  }
0x6: {  	_ = 	snop  }
0x7: {  	_ = 	snop  }
__scs_overlays_trampoline_lowered:
0x8: {  	[smem:$0x3FA7] =	sst s0  }
0x9: {  	[smem:$0x3FA8] =	sst s1  }
0xa: {  	[smem:$0x3FA9] =	sst s2  }
0xb: {  	[smem:$0x3FAA] =	sst s3  }
0xc: {  	[smem:$0x3FAB] =	sst s4  }
0xd: {  	[smem:$0x3FAC] =	sst s5  }
0xe: {  	[smem:$0x3FAD] =	sst s6  }
0xf: {  	[smem:$0x3FAE] =	sst s7  }
0x10: {  	[smem:$0x3FAF] =	sst s8  }
0x11: {  	[smem:$0x3FB0] =	sst s9;
	s0 =	simm.s32 @!p0 $0x0  }
0x12: {  	s1 =	sld [smem:$0x3F96];
	s0 =	simm.s32 @p0 $0x1  }
0x13: {  	[smem:$0x3FB1] =	sst s0;
	s0 =	simm.s32 @!p1 $0x0  }
0x14: {  	s2 =	sld [smem:$0x3F95];
	s0 =	simm.s32 @p1 $0x1  }
0x15: {  	[smem:$0x3FB2] =	sst s0;
	s0 =	simm.s32 @!p2 $0x0  }
0x16: {  	s3 =	sld [smem:$0x3FDB];
	s0 =	simm.s32 @p2 $0x1  }
0x17: {  	s4 =	simm.s32 $0x1BF5;
	[smem:$0x3FB4] =	sst s0  }
0x18: {  	s0 =	sld [smem:$0x3F97];
	_ =	swait.ge [sflag:s4], $0x0  }
0x19: {  	s7 =	sld [smem:$0x3F98]  }
0x1a: {  	s8 =	sadd.s32 $0xFFFFE003, lr  }
0x1b: {  	s9 =	sadd.s32 $0xFFFFFEF7, lr;
	s5 =	simm.s32 $0xFFFFFFFF;
	p2 =	slt.u32 s8, $0xFFFFF086  }
0x1c: {  	p1 =	slt.u32 s9, $0xF7A;
	s5 =	simm.s32 @!p2 $0x0  }
0x1d: {  	s5 =	simm.s32 @p1 $0x1;
	p0 =	seq.s32 s7, s2  }
0x1e: {  	s7 =	smul.u32 @!p0 $0xF7A, s2;
	p2 =	seq.s32 @!p0 s5, $0x0  }
0x1f: {  	s9 =	smul.u32 $0xF7A, s1;
	s8 =	simm.s32 @!p0 $0x1BF5;
	p2 =	por !p2, p0  }
0x20: {  	[sflag:s8] =	ssyncset.s32 @!p0 $0xFFFFF086;
	s6 =	sadd.s32 @!p0 s3, s7;
	s7 =	simm.s32 @!p0 $0x108  }
0x21: {  	s3 =	sadd.s32 s3, s9;
	s6 =	sadd.s32 @!p0 $0x88, s6;
	s7 =	simm.s32 @p2 $0x1082  }
0x22: {  	[simem:s7], [sflag:s8] =	dma.local @!p0 [hbm:s6], $0xF7A  }
0x23: {  	s9 =	sor.u32 $0xD0000000, s2;
	s6 =	simm.s32 $0x108;
	_ =	swait.ge @!p0 [sflag:s8], $0x0  }
0x24: {  	s3 =	sadd.s32 $0x88, s3;
	s6 =	simm.s32 @!p1 $0x1082;
	[sflag:s4] =	ssyncset.s32 $0xFFFFF086  }
0x25: {  	[simem:s6], [sflag:s4] =	dma.local [hbm:s3], $0xF7A  }
0x26: {  	[smem:$0x3F98] =	sst s1;
	(tag) =	ssettag s2;
	_ =	strace s9  }
0x27: {  	s1 =	sld [smem:$0x3FA8]  }
0x28: {  	s2 =	sld [smem:$0x3FA9]  }
0x29: {  	s4 =	sld [smem:$0x3FAB]  }
0x2a: {  	p0 =	seq.s32 s5, $0x0;
	s5 =	sld [smem:$0x3FAC]  }
0x2b: {  	s6 =	sld [smem:$0x3FAD]  }
0x2c: {  	s7 =	sld [smem:$0x3FAE]  }
0x2d: {  	s3 =	simm.s32 $0x108;
	s8 =	sld [smem:$0x3FAF]  }
0x2e: {  	s3 =	simm.s32 @!p0 $0x1082;
	s9 =	sld [smem:$0x3FB0]  }
0x2f: {  	lr =	sadd.s32 s0, s3;
	s0 =	sld [smem:$0x3FA7]  }
0x30: {  	s3 =	sld [smem:$0x3FAA]  }
0x31: {  	[smem:$0x3FB3] =	sst s10  }
0x32: {  	s10 =	sld [smem:$0x3FB1];
	_ =	sdelay $0x3  }
0x33: {  	p0 =	seq.s32 s10, $0x1;
	s10 =	sld [smem:$0x3FB3];
	_ =	sdelay $0x3  }
0x34: {  	[smem:$0x3FB3] =	sst s10  }
0x35: {  	s10 =	sld [smem:$0x3FB2];
	_ =	sdelay $0x3  }
0x36: {  	p1 =	seq.s32 s10, $0x1;
	s10 =	sld [smem:$0x3FB3];
	_ =	sdelay $0x3  }
0x37: {  	[smem:$0x3FB3] =	sst s10  }
0x38: {  	s10 =	sld [smem:$0x3FB4]  }
0x39: {  	_ = 	snop;
	(pc) =	sbr.ind lr, $3  }
0x3a: {  	_ = 	snop  }
0x3b: {  	_ = 	snop  }
0x3c: {  	p2 =	seq.s32 s10, $0x1;
	s10 =	sld [smem:$0x3FB3]  }
0x3d: {  	_ =	shalt  }
0x3e: {  	_ =	shalt  }
0x3f: {  	_ =	shalt  }
0x40: {  	_ =	shalt  }
0x41: {  	_ =	shalt  }
0x42: {  	_ =	shalt  }
0x43: {  	_ =	shalt  }
0x44: {  	_ =	shalt  }
0x45: {  	_ =	shalt  }
0x46: {  	_ =	shalt  }
0x47: {  	_ =	shalt  }
0x48: {  	_ =	shalt  }
0x49: {  	_ =	shalt  }
0x4a: {  	_ =	shalt  }
0x4b: {  	_ =	shalt  }
0x4c: {  	_ =	shalt  }
0x4d: {  	_ =	shalt  }
0x4e: {  	_ =	shalt  }
0x4f: {  	_ =	shalt  }
0x50: {  	_ =	shalt  }
0x51: {  	_ =	shalt  }
0x52: {  	_ =	shalt  }
0x53: {  	_ =	shalt  }
0x54: {  	_ =	shalt  }
0x55: {  	_ =	shalt  }
0x56: {  	_ =	shalt  }
0x57: {  	_ =	shalt  }
0x58: {  	_ =	shalt  }
0x59: {  	_ =	shalt  }
0x5a: {  	_ =	shalt  }
0x5b: {  	_ =	shalt  }
0x5c: {  	_ =	shalt  }
0x5d: {  	_ =	shalt  }
0x5e: {  	_ =	shalt  }
0x5f: {  	_ =	shalt  }
0x60: {  	_ =	shalt  }
0x61: {  	_ =	shalt  }
0x62: {  	_ =	shalt  }
0x63: {  	_ =	shalt  }
0x64: {  	_ =	shalt  }
0x65: {  	_ =	shalt  }
0x66: {  	_ =	shalt  }
0x67: {  	_ =	shalt  }
0x68: {  	_ =	shalt  }
0x69: {  	_ =	shalt  }
0x6a: {  	_ =	shalt  }
0x6b: {  	_ =	shalt  }
0x6c: {  	_ =	shalt  }
0x6d: {  	_ =	shalt  }
0x6e: {  	_ =	shalt  }
0x6f: {  	_ =	shalt  }
0x70: {  	_ =	shalt  }
0x71: {  	_ =	shalt  }
0x72: {  	_ =	shalt  }
0x73: {  	_ =	shalt  }
0x74: {  	_ =	shalt  }
0x75: {  	_ =	shalt  }
0x76: {  	_ =	shalt  }
0x77: {  	_ =	shalt  }
0x78: {  	_ =	shalt  }
0x79: {  	_ =	shalt  }
0x7a: {  	_ =	shalt  }
0x7b: {  	_ =	shalt  }
0x7c: {  	_ =	shalt  }
0x7d: {  	_ =	shalt  }
0x7e: {  	_ =	shalt  }
0x7f: {  	_ =	shalt  }
0x80: {  	_ =	shalt  }
0x81: {  	_ =	shalt  }
0x82: {  	_ =	shalt  }
0x83: {  	_ =	shalt  }
0x84: {  	_ =	shalt  }
0x85: {  	_ =	shalt  }
0x86: {  	_ =	shalt  }
0x87: {  	_ =	shalt  }
.Lfunc_end0:
.L_simem_size_0:
called_computation.2_lowered:
.L_overlay_start_0:
0x88: {  	s2 =	sld [smem:$0x3FD9]  }
0x89: {  	s3 =	sld [smem:$0x3FFE];
	_ =	sdelay $0x1  }
0x8a: {  	s1 =	srdreg.scid  }
0x8b: {  	s0 =	sand.u32 $0x1, s1  }
0x8c: {  	s17 =	sshll.u32 s0, $0xA;
	s2 =	sadd.s32 s3, s2  }
0x8d: {  	s2 =	sadd.s32 s2, s17  }
0x8e: {  	[smem:$0x3FBF] =	sst s2  }
0x8f: {  	_ = 	snop  }
0x90: {  	(tm) =	ssettm $0x1  }
0x91: {  	s18 =	sld [smem:$0x3FFB];
	_ =	sdelay $0x3  }
0x92: {  	_ =	strace s18  }
0x93: {  	s2 =	sld [smem:$0x3FFC];
	_ =	sdelay $0x3  }
0x94: {  	_ =	strace s2  }
0x95: {  	s2 =	sld [smem:$0x3FFD];
	_ =	sdelay $0x3  }
0x96: {  	_ =	strace s2  }
0x97: {  	_ =	strace $0x8FFFFFFF  }
0x98: {  	s19 =	sld [smem:$0x3FDB];
	_ =	sdelay $0x1  }
0x99: {  	s20 =	simm.s32 $_scs_section_size  }
0x9a: {  	s4 =	simm.s32 $_size__tile_overlayer_lowered;
	s5 =	simm.s32 $_tile_overlayer_lowered  }
0x9b: {  	s6 =	simm.s32 $0x1BFF;
	s21 =	sshll.u32 s5, $0x1;
	s3 =	sadd.s32 s20, s19  }
0x9c: {  	s22 =	simm.s32 $0x0;
	s4 =	sshll.u32 s4, $0x1;
	s5 =	sadd.s32 s21, s3  }
0x9d: {  	[timem:s22], [sflag:s6] =	dma.local [hbm:s5], s4  }
0x9e: {  	_ =	swait.ge [sflag:s6], s4  }
0x9f: {  	s4 =	ssub.s32 $0x0, s4;
	[sflag:s6] =	ssyncset.done $0x0  }
0xa0: {  	[sflag:s6] =	ssyncadd.s32 s4;
	_ =	sdelay $0x1  }
0xa1: {  	s23 =	simm.s32 $0x1B8B  }
0xa2: {  	_ =	swait.ge [sflag:s23], $0x1  }
0xa3: {  	[sflag:s23] =	ssyncset.done $0x0  }
0xa4: {  	[sflag:s23] =	ssyncadd.s32 $0xFFFFFFFF  }
0xa5: {  	s4 =	sld [smem:$0x0]  }
0xa6: {  	s5 =	sand.u32 $0xFFFFFFFE, s1  }
0xa7: {  	p0 =	sne.s32 s1, s5  }
0xa8: {  	s5 =	sshll.u32 @p0 s5, $0xE  }
0xa9: {  	s5 =	sadd.s32 @p0 $0x11B8D, s5;
	s6 =	sshll.u32 @p0 s4, $0x11  }
0xaa: {  	s5 =	sor.u32 @p0 s6, s5  }
0xab: {  	[sflag:s5] =	ssyncadd.remote.s32 @p0 $0x1;
	_ =	sdelay $0x1  }
0xac: {  	s5 =	simm.s32 @p0 $0x1B8D  }
0xad: {  	_ =	swait.eq @p0 [sflag:s5], $0x1  }
0xae: {  	[sflag:s5] =	ssyncadd.s32 @p0 $0xFFFFFFFF  }
0xaf: {  	s6 =	sshll.u32 @!p0 s1, $0xE  }
0xb0: {  	s6 =	sor.u32 @!p0 $0x4000, s6;
	s5 =	simm.s32 @!p0 $0x1B8D  }
0xb1: {  	s4 =	sshll.u32 @!p0 s4, $0x11;
	s6 =	sadd.s32 @!p0 $0x11B8D, s6;
	_ =	swait.eq @!p0 [sflag:s5], $0x1  }
0xb2: {  	s4 =	sor.u32 @!p0 s4, s6;
	[sflag:s5] =	ssyncadd.s32 @!p0 $0xFFFFFFFF  }
0xb3: {  	s25 =	simm.s32 $0x1B8E;
	s24 =	sld [smem:$0x3FFE];
	[sflag:s4] =	ssyncadd.remote.s32 @!p0 $0x1  }
0xb4: {  	s26 =	simm.s32 $execute0_lowered;
	[smem:$0x3FD2] =	sst s25  }
0xb5: {  	s5 =	sshll.u32 s26, $0x1;
	_ =	strace $0x8000004C;
	[dreg:$0x1] =	wrdreg $0xFFFFFFFF  }
0xb6: {  	s28 =	simm.s32 $_size_execute0_lowered;
	s3 =	sadd.s32 s3, s5;
	[dreg:$0x0] =	wrdreg $0x0  }
0xb7: {  	s5 =	sshll.u32 s28, $0x1;
	[dreg:$0x2] =	wrdreg s3  }
0xb8: {  	[dreg:$0x3] =	wrdreg s5  }
0xb9: {  	[dreg:$0x4] =	wrdreg $0xC0  }
0xba: {  	_ =	task [dreg:s22], $0x5FFFF  }
0xbb: {  	[dreg:$0x1] =	wrdreg $0xFFFFFFFF  }
0xbc: {  	[dreg:$0x0] =	wrdreg $0x60  }
0xbd: {  	[dreg:$0x2] =	wrdreg s24  }
0xbe: {  	[dreg:$0x3] =	wrdreg $0xA  }
0xbf: {  	_ =	task.clear_ibuf [dreg:s22], $0x4FFFF;
	_ =	strace $0x9000004C  }
0xc0: {  	s29 =	simm.s32 $0xA;
	_ =	strace $0x8000004E  }
0xc1: {  	_ =	swait.ge [sflag:s29], $0x1  }
0xc2: {  	[sflag:s29] =	ssyncadd.s32 $0xFFFFFFFF  }
0xc3: {  	_ =	strace $0x9000004E  }
0xc4: {  	_ =	sfence  }
0xc5: {  	s30 =	sld [smem:$0x0];
	_ =	sdelay $0x2  }
0xc6: {  	s31 =	sshll.u32 s1, $0xD;
	s1 =	sshrl.u32 s1, $0x2  }
0xc7: {  	s4 =	sand.u32 $0x4000, s31;
	s1 =	sadd.s32 s1, s30  }
0xc8: {  	s0 =	sor.u32 s4, s0;
	s1 =	sshll.u32 s1, $0x11  }
0xc9: {  	s0 =	sor.u32 s1, s0  }
0xca: {  	s0 =	sadd.s32 $0x8F2B, s0  }
0xcb: {  	[sflag:s0] =	ssyncadd.remote.s32 $0x1  }
0xcc: {  	_ =	sfence.sel $0xFFFF  }
0xcd: {  	[dreg:$0x0] =	wrdreg $0xFFFFFFFF;
	(pc) =	sbr.abs _section_cstart, $3  }
0xce: {  	[dreg:$0x1] =	wrdreg $0xFFFFFFFF  }
0xcf: {  	_ =	task.clear_ibuf [dreg:s22], $0x2FFFF;
	_ =	strace $0x9FFFFFFF  }
0xd0: {  	(tm) =	ssettm $0x7FFFFFFF  }
0xd1: {  	_ =	shalt  }
tec
execute0_lowered:
.L_overlay_start_1:
0x0: {  	(tag) =	ssettag $0x1  }
0x1: {  	s7 =	rddreg [dreg:$0x0]  }
0x2: {  	s0 =	rddreg [dreg:$0x1]  }
0x3: {  	s1 =	simm.s32 $0x0;
	s2 =	srdreg.scid;
	s12 =	simm.s32 $0x4080  }
0x4: {  	s13 =	simm.s32 $0x8080;
	s14 =	simm.s32 $0x1;
	s15 =	simm.s32 $0x0  }
0x5: {  	[smem:$0x7FF] =	sst s1;
	s3 =	sadd.s32 $0x4AAC00, s7;
	s8 =	sand.u32 $0x1, s2  }
0x6: {  	s4 =	sadd.s32 $0x4000, s7;
	s2 =	stileid.u32;
	s5 =	sadd.s32 $0x324000, s7  }
0x7: {  	s6 =	sadd.s32 $0x4B1000, s7;
	s7 =	sadd.s32 $0x9B1000, s7;
	s9 =	ssub.s32 $0x2, s8  }
0x8: {  	_ =	strace $0x8000004D;
	s11 =	sshll.u32 s2, $0x1;
	s10 =	sshrl.u32 s9, $0x1  }
0x9: {  	s8 =	sor.u32 s8, s11;
	s11 =	simm.s32 $0x80;
	s9 =	ssub.s32 s9, s10  }
0xa: {  	v0 =	vimm.f32 $0.0e+00;
	v1 =	vimm.f32 $1.000000000e+00;
	s8 =	smul.u32 $0x500, s8;
	s10 =	simm.s32 $0x2;
	s9 =	smax.u32 s9, $0x1  }
.LBB2_1:
0xb: {  	s16 =	simm.s32 $0x0  }
.LBB2_2:
0xc: {  	s17 =	sshll.u32 s16, $0x7  }
0xd: {  	s17 =	sadd.s32 s8, s17  }
0xe: {  	s18 =	sadd.s32 $0x14000, s17  }
0xf: {  	s19 =	sshrl.u32 s18, $0x3  }
0x10: {  	s19 =	sadd.s32 s3, s19  }
0x11: {  	[tilespmem:s1], [sflag:$0x2] =	stream.linear.gather [hbm4b:s19+s1], $0x80, $0x38;
	[tilespmem:$0xC080] =	vst v63  }
0x12: {  	_ =	swait.ge [sflag:s10], $0x80  }
0x13: {  	[sflag:s10] =	ssyncset.done $0x0  }
0x14: {  	s18 =	sshll.u32 s18, $0x4;
	[sflag:s10] =	ssyncadd.s32 $0xFFFFFF80  }
0x15: {  	[tilespmem:s11], [sflag:$0x1] =	stream.indirect.gather [hbm4b:s5+s11], $0x80, s1, s11, $0xb8;
	[tilespmem:$0xC080] =	vst v63  }
0x16: {  	s18 =	sadd.s32 s4, s18  }
0x17: {  	[tilespmem:s12], [sflag:$0x2] =	stream.linear.gather [hbm4b:s18+s1], $0x4000, $0x38;
	[tilespmem:$0xC080] =	vst v63  }
0x18: {  	_ =	swait.ge [sflag:s10], $0x4000  }
0x19: {  	[sflag:s10] =	ssyncset.done $0x0  }
0x1a: {  	s19 =	simm.s32 $0x8280;
	[sflag:s10] =	ssyncadd.s32 $0xFFFFC000  }
0x1b: {  	[tilespmem:s19+$0xFFFFFE00] =	vst v0  }
0x1c: {  	[tilespmem:s19+$0x190] =	vst v0  }
0x1d: {  	[tilespmem:s19+$0x180] =	vst v0  }
0x1e: {  	[tilespmem:s19+$0x110] =	vst v0  }
0x1f: {  	[tilespmem:s19+$0x100] =	vst v0  }
0x20: {  	[tilespmem:s19+$0x90] =	vst v0  }
0x21: {  	[tilespmem:s19+$0x80] =	vst v0  }
0x22: {  	[tilespmem:s19+$0x10] =	vst v0  }
0x23: {  	[tilespmem:s19+$0x0] =	vst v0  }
0x24: {  	[tilespmem:s19+$0xFFFFFF90] =	vst v0  }
0x25: {  	[tilespmem:s19+$0xFFFFFF80] =	vst v0  }
0x26: {  	[tilespmem:s19+$0xFFFFFF10] =	vst v0  }
0x27: {  	[tilespmem:s19+$0xFFFFFF00] =	vst v0  }
0x28: {  	[tilespmem:s19+$0xFFFFFE90] =	vst v0  }
0x29: {  	s20 =	simm.s32 $0x0;
	s18 =	simm.s32 $0x4180;
	[tilespmem:s19+$0xFFFFFE80] =	vst v0  }
.LBB2_3:
0x2a: {  	s20 =	sadd.s32 $0x8, s20;
	[tilespmem:s19+$0xFFFFFE10] =	vst v0;
	s19 =	sadd.s32 $0x400, s19  }
0x2b: {  	[tilespmem:s19+$0xFFFFFE00] =	vst v0;
	p0 =	slt.u32 s20, $0x78  }
0x2c: {  	[tilespmem:s19+$0x190] =	vst v0  }
0x2d: {  	[tilespmem:s19+$0x180] =	vst v0  }
0x2e: {  	[tilespmem:s19+$0x110] =	vst v0  }
0x2f: {  	[tilespmem:s19+$0x100] =	vst v0  }
0x30: {  	[tilespmem:s19+$0x90] =	vst v0  }
0x31: {  	[tilespmem:s19+$0x80] =	vst v0  }
0x32: {  	[tilespmem:s19+$0x10] =	vst v0  }
0x33: {  	[tilespmem:s19+$0x0] =	vst v0  }
0x34: {  	[tilespmem:s19+$0xFFFFFF90] =	vst v0  }
.Ltmp0:
0x35: {  	[tilespmem:s19+$0xFFFFFF80] =	vst v0;
	(pc) =	sbr.rel @p0 .LBB2_3-.Ltmp0, $4  }
0x36: {  	[tilespmem:s19+$0xFFFFFF10] =	vst v0  }
0x37: {  	[tilespmem:s19+$0xFFFFFF00] =	vst v0  }
0x38: {  	[tilespmem:s19+$0xFFFFFE90] =	vst v0  }
0x39: {  	[tilespmem:s19+$0xFFFFFE80] =	vst v0  }
0x3a: {  	[tilespmem:s19+$0xFFFFFE10] =	vst v0;
	s19 =	simm.s32 $0x0  }
.LBB2_5:
0x3b: {  	v2 =	vld [tilespmem:s18+$0xFFFFFF00]  }
0x3c: {  	v3 =	vld [tilespmem:s18+$0xFFFFFF10];
	_ =	sdelay $0x3  }
0x3d: {  	s20 =	sshll.u32 s19, $0x7;
	v4 =	vand.u32 $0xFFFFFF80, v2  }
0x3e: {  	v2 =	vand.u32 $0x7F, v2;
	v5 =	vand.u32 $0xFFFFFF80, v3;
	v4 =	vadd.s32 s20, v4  }
0x3f: {  	v3 =	vand.u32 $0x7F, v3;
	v54 =	vadd.s32 s20, v5;
	v2 =	vor.u32 v2, v4  }
0x40: {  	v3 =	vor.u32 v3, v54;
	_ =	sdelay $0x3  }
0x41: {  	[tilespmem:v2+s13+$0x0] =	vst.idx.add.f32.msk $0xffff, v1  }
0x42: {  	[tilespmem:v3+s13+$0x0] =	vst.idx.add.f32.msk $0xffff, v1  }
0x43: {  	v2 =	vld [tilespmem:s18+$0xFFFFFF80]  }
0x44: {  	v3 =	vld [tilespmem:s18+$0xFFFFFF90];
	_ =	sdelay $0x3  }
0x45: {  	s21 =	sadd.s32 $0x80, s20;
	v55 =	vand.u32 $0xFFFFFF80, v2  }
0x46: {  	v2 =	vand.u32 $0x7F, v2;
	v56 =	vand.u32 $0xFFFFFF80, v3;
	v4 =	vadd.s32 s21, v55  }
0x47: {  	v3 =	vand.u32 $0x7F, v3;
	v57 =	vadd.s32 s21, v56;
	v2 =	vor.u32 v2, v4  }
0x48: {  	v3 =	vor.u32 v3, v57;
	_ =	sdelay $0x3  }
0x49: {  	[tilespmem:v2+s13+$0x0] =	vst.idx.add.f32.msk $0xffff, v1  }
0x4a: {  	[tilespmem:v3+s13+$0x0] =	vst.idx.add.f32.msk $0xffff, v1  }
0x4b: {  	v2 =	vld [tilespmem:s18+$0x0]  }
0x4c: {  	v3 =	vld [tilespmem:s18+$0x10];
	_ =	sdelay $0x3  }
0x4d: {  	s31 =	sadd.s32 $0x100, s20;
	v58 =	vand.u32 $0xFFFFFF80, v2  }
0x4e: {  	v2 =	vand.u32 $0x7F, v2;
	v59 =	vand.u32 $0xFFFFFF80, v3;
	v4 =	vadd.s32 s31, v58  }
0x4f: {  	v3 =	vand.u32 $0x7F, v3;
	v60 =	vadd.s32 s31, v59;
	v2 =	vor.u32 v2, v4  }
0x50: {  	v3 =	vor.u32 v3, v60;
	_ =	sdelay $0x3  }
0x51: {  	[tilespmem:v2+s13+$0x0] =	vst.idx.add.f32.msk $0xffff, v1  }
0x52: {  	[tilespmem:v3+s13+$0x0] =	vst.idx.add.f32.msk $0xffff, v1  }
0x53: {  	v2 =	vld [tilespmem:s18+$0x80]  }
0x54: {  	v3 =	vld [tilespmem:s18+$0x90];
	_ =	sdelay $0x3  }
0x55: {  	s20 =	sadd.s32 $0x180, s20;
	v61 =	vand.u32 $0xFFFFFF80, v2  }
0x56: {  	v2 =	vand.u32 $0x7F, v2;
	v62 =	vand.u32 $0xFFFFFF80, v3;
	v4 =	vadd.s32 s20, v61  }
0x57: {  	v3 =	vand.u32 $0x7F, v3;
	v63 =	vadd.s32 s20, v62;
	v2 =	vor.u32 v2, v4  }
0x58: {  	p0 =	slt.u32 s19, $0x7C;
	v3 =	vor.u32 v3, v63  }
.Ltmp1:
0x59: {  	_ = 	snop;
	(pc) =	sbr.rel @p0 .LBB2_5-.Ltmp1, $3  }
0x5a: {  	_ =	sdelay $0x1  }
0x5b: {  	[tilespmem:v2+s13+$0x0] =	vst.idx.add.f32.msk $0xffff, v1  }
0x5c: {  	s19 =	sadd.s32 $0x4, s19;
	s18 =	sadd.s32 $0x200, s18;
	[tilespmem:v3+s13+$0x0] =	vst.idx.add.f32.msk $0xffff, v1  }
0x5d: {  	_ =	swait.ge [sflag:s14], $0x4000  }
0x5e: {  	s17 =	sshll.u32 s17, $0x4;
	[sflag:s14] =	ssyncset.done $0x0  }
0x5f: {  	s18 =	sadd.s32 s6, s17;
	[sflag:s14] =	ssyncadd.s32 $0xFFFFC000  }
0x60: {  	[hbm4b:s18+s1] =	stream.linear.scatter [tilespmem:s11], [sflag:$0x2], $0x4000, $0x38;
	[tilespmem:$0xC080] =	vst v63  }
0x61: {  	s16 =	sadd.s32 $0x1, s16;
	_ =	swait.ge [sflag:s10], $0x4000  }
0x62: {  	p0 =	sne.s32 s16, $0xA;
	[sflag:s10] =	ssyncset.done $0x0  }
.Ltmp2:
0x63: {  	s17 =	sadd.s32 s7, s17;
	[sflag:s10] =	ssyncadd.s32 $0xFFFFC000;
	(pc) =	sbr.rel @p0 .LBB2_2-.Ltmp2, $4  }
0x64: {  	[hbm4b:s17+s1] =	stream.linear.scatter [tilespmem:s13], [sflag:$0x2], $0x4000, $0x38;
	[tilespmem:$0xC080] =	vst v63  }
0x65: {  	_ =	swait.ge [sflag:s10], $0x4000  }
0x66: {  	[sflag:s10] =	ssyncset.done $0x0  }
0x67: {  	[sflag:s10] =	ssyncadd.s32 $0xFFFFC000  }
0x68: {  	s15 =	sadd.s32 $0x1, s15  }
0x69: {  	p0 =	sne.s32 s15, s9  }
.Ltmp3:
0x6a: {  	_ = 	snop;
	(pc) =	sbr.rel @p0 .LBB2_1-.Ltmp3, $1  }
0x6b: {  	_ =	sdelay $0x3  }
0x6c: {  	_ =	sfence.sel $0x180000  }
0x6d: {  	[bflag:$0x0] =	sbarrier.arrive $0xFFFF  }
0x6e: {  	p0 =	sne.s32 s2, $0x0;
	_ =	strace $0x9000004D  }
0x6f: {  	s0 =	sadd.s32 @!p0 $0x100000, s0;
	[bflag:$0x2] =	sbarrier.arrive $0xFFFF  }
0x70: {  	[sflag:s0] =	ssyncadd.tile.s32 @!p0 $0x1;
	_ =	shalt  }
.Lfunc_end2:
_tile_overlayer_lowered:
.L_overlay_start_2:
0x71: {  	(tag) =	ssettag $0x2  }
0x72: {  	s0 =	rddreg [dreg:$0x0];
	s2 =	stileid.u32  }
0x73: {  	s1 =	rddreg [dreg:$0x1];
	p0 =	sne.s32 s2, $0x0  }
0x74: {  	s3 =	rddreg [dreg:$0x2];
	[bflag:$0x3] =	sbarrier.arrive $0xFFFF;
	s2 =	simm.s32 @!p0 $0x1C02  }
0x75: {  	[timem:s3], [sflag:s2] =	dma.local @!p0 [hbm:s0], s1  }
0x76: {  	s0 =	simm.s32 @!p0 $0x2  }
0x77: {  	_ =	swait.ge @!p0 [sflag:s0], s1  }
0x78: {  	s1 =	ssub.s32 @!p0 $0x0, s1;
	[sflag:s0] =	ssyncset.done @!p0 $0x0  }
0x79: {  	[sflag:s0] =	ssyncadd.s32 @!p0 s1  }
0x7a: {  	[bflag:$0x3] =	sbarrier.arrive $0xFFFF  }
0x7b: {  	_ =	shalt  }

// kernel: kernel.21.cloned.1.call-start
scs
__scs_entry_jumppad:
0x0: {  	(pc) =	sbr.rel $0x88, $3  }
0x1: {  	(tag) =	ssettag $0x0;
	lr =	simm.s32 $0x1  }
0x2: {  	[smem:$0x3F98] =	sst lr;
	_ =	strace $0xD0000000  }
0x3: {  	_ = 	snop  }
0x4: {  	_ = 	snop  }
0x5: {  	_ = 	snop  }
0x6: {  	_ = 	snop  }
0x7: {  	_ = 	snop  }
__scs_overlays_trampoline_lowered:
0x8: {  	[smem:$0x3FA7] =	sst s0  }
0x9: {  	[smem:$0x3FA8] =	sst s1  }
0xa: {  	[smem:$0x3FA9] =	sst s2  }
0xb: {  	[smem:$0x3FAA] =	sst s3  }
0xc: {  	[smem:$0x3FAB] =	sst s4  }
0xd: {  	[smem:$0x3FAC] =	sst s5  }
0xe: {  	[smem:$0x3FAD] =	sst s6  }
0xf: {  	[smem:$0x3FAE] =	sst s7  }
0x10: {  	[smem:$0x3FAF] =	sst s8  }
0x11: {  	[smem:$0x3FB0] =	sst s9;
	s0 =	simm.s32 @!p0 $0x0  }
0x12: {  	s1 =	sld [smem:$0x3F96];
	s0 =	simm.s32 @p0 $0x1  }
0x13: {  	[smem:$0x3FB1] =	sst s0;
	s0 =	simm.s32 @!p1 $0x0  }
0x14: {  	s2 =	sld [smem:$0x3F95];
	s0 =	simm.s32 @p1 $0x1  }
0x15: {  	[smem:$0x3FB2] =	sst s0;
	s0 =	simm.s32 @!p2 $0x0  }
0x16: {  	s3 =	sld [smem:$0x3FDB];
	s0 =	simm.s32 @p2 $0x1  }
0x17: {  	s4 =	simm.s32 $0x1BF5;
	[smem:$0x3FB4] =	sst s0  }
0x18: {  	s0 =	sld [smem:$0x3F97];
	_ =	swait.ge [sflag:s4], $0x0  }
0x19: {  	s7 =	sld [smem:$0x3F98]  }
0x1a: {  	s8 =	sadd.s32 $0xFFFFE003, lr  }
0x1b: {  	s9 =	sadd.s32 $0xFFFFFEF7, lr;
	s5 =	simm.s32 $0xFFFFFFFF;
	p2 =	slt.u32 s8, $0xFFFFF086  }
0x1c: {  	p1 =	slt.u32 s9, $0xF7A;
	s5 =	simm.s32 @!p2 $0x0  }
0x1d: {  	s5 =	simm.s32 @p1 $0x1;
	p0 =	seq.s32 s7, s2  }
0x1e: {  	s7 =	smul.u32 @!p0 $0xF7A, s2;
	p2 =	seq.s32 @!p0 s5, $0x0  }
0x1f: {  	s9 =	smul.u32 $0xF7A, s1;
	s8 =	simm.s32 @!p0 $0x1BF5;
	p2 =	por !p2, p0  }
0x20: {  	[sflag:s8] =	ssyncset.s32 @!p0 $0xFFFFF086;
	s6 =	sadd.s32 @!p0 s3, s7;
	s7 =	simm.s32 @!p0 $0x108  }
0x21: {  	s3 =	sadd.s32 s3, s9;
	s6 =	sadd.s32 @!p0 $0x88, s6;
	s7 =	simm.s32 @p2 $0x1082  }
0x22: {  	[simem:s7], [sflag:s8] =	dma.local @!p0 [hbm:s6], $0xF7A  }
0x23: {  	s9 =	sor.u32 $0xD0000000, s2;
	s6 =	simm.s32 $0x108;
	_ =	swait.ge @!p0 [sflag:s8], $0x0  }
0x24: {  	s3 =	sadd.s32 $0x88, s3;
	s6 =	simm.s32 @!p1 $0x1082;
	[sflag:s4] =	ssyncset.s32 $0xFFFFF086  }
0x25: {  	[simem:s6], [sflag:s4] =	dma.local [hbm:s3], $0xF7A  }
0x26: {  	[smem:$0x3F98] =	sst s1;
	(tag) =	ssettag s2;
	_ =	strace s9  }
0x27: {  	s1 =	sld [smem:$0x3FA8]  }
0x28: {  	s2 =	sld [smem:$0x3FA9]  }
0x29: {  	s4 =	sld [smem:$0x3FAB]  }
0x2a: {  	p0 =	seq.s32 s5, $0x0;
	s5 =	sld [smem:$0x3FAC]  }
0x2b: {  	s6 =	sld [smem:$0x3FAD]  }
0x2c: {  	s7 =	sld [smem:$0x3FAE]  }
0x2d: {  	s3 =	simm.s32 $0x108;
	s8 =	sld [smem:$0x3FAF]  }
0x2e: {  	s3 =	simm.s32 @!p0 $0x1082;
	s9 =	sld [smem:$0x3FB0]  }
0x2f: {  	lr =	sadd.s32 s0, s3;
	s0 =	sld [smem:$0x3FA7]  }
0x30: {  	s3 =	sld [smem:$0x3FAA]  }
0x31: {  	[smem:$0x3FB3] =	sst s10  }
0x32: {  	s10 =	sld [smem:$0x3FB1];
	_ =	sdelay $0x3  }
0x33: {  	p0 =	seq.s32 s10, $0x1;
	s10 =	sld [smem:$0x3FB3];
	_ =	sdelay $0x3  }
0x34: {  	[smem:$0x3FB3] =	sst s10  }
0x35: {  	s10 =	sld [smem:$0x3FB2];
	_ =	sdelay $0x3  }
0x36: {  	p1 =	seq.s32 s10, $0x1;
	s10 =	sld [smem:$0x3FB3];
	_ =	sdelay $0x3  }
0x37: {  	[smem:$0x3FB3] =	sst s10  }
0x38: {  	s10 =	sld [smem:$0x3FB4]  }
0x39: {  	_ = 	snop;
	(pc) =	sbr.ind lr, $3  }
0x3a: {  	_ = 	snop  }
0x3b: {  	_ = 	snop  }
0x3c: {  	p2 =	seq.s32 s10, $0x1;
	s10 =	sld [smem:$0x3FB3]  }
0x3d: {  	_ =	shalt  }
0x3e: {  	_ =	shalt  }
0x3f: {  	_ =	shalt  }
0x40: {  	_ =	shalt  }
0x41: {  	_ =	shalt  }
0x42: {  	_ =	shalt  }
0x43: {  	_ =	shalt  }
0x44: {  	_ =	shalt  }
0x45: {  	_ =	shalt  }
0x46: {  	_ =	shalt  }
0x47: {  	_ =	shalt  }
0x48: {  	_ =	shalt  }
0x49: {  	_ =	shalt  }
0x4a: {  	_ =	shalt  }
0x4b: {  	_ =	shalt  }
0x4c: {  	_ =	shalt  }
0x4d: {  	_ =	shalt  }
0x4e: {  	_ =	shalt  }
0x4f: {  	_ =	shalt  }
0x50: {  	_ =	shalt  }
0x51: {  	_ =	shalt  }
0x52: {  	_ =	shalt  }
0x53: {  	_ =	shalt  }
0x54: {  	_ =	shalt  }
0x55: {  	_ =	shalt  }
0x56: {  	_ =	shalt  }
0x57: {  	_ =	shalt  }
0x58: {  	_ =	shalt  }
0x59: {  	_ =	shalt  }
0x5a: {  	_ =	shalt  }
0x5b: {  	_ =	shalt  }
0x5c: {  	_ =	shalt  }
0x5d: {  	_ =	shalt  }
0x5e: {  	_ =	shalt  }
0x5f: {  	_ =	shalt  }
0x60: {  	_ =	shalt  }
0x61: {  	_ =	shalt  }
0x62: {  	_ =	shalt  }
0x63: {  	_ =	shalt  }
0x64: {  	_ =	shalt  }
0x65: {  	_ =	shalt  }
0x66: {  	_ =	shalt  }
0x67: {  	_ =	shalt  }
0x68: {  	_ =	shalt  }
0x69: {  	_ =	shalt  }
0x6a: {  	_ =	shalt  }
0x6b: {  	_ =	shalt  }
0x6c: {  	_ =	shalt  }
0x6d: {  	_ =	shalt  }
0x6e: {  	_ =	shalt  }
0x6f: {  	_ =	shalt  }
0x70: {  	_ =	shalt  }
0x71: {  	_ =	shalt  }
0x72: {  	_ =	shalt  }
0x73: {  	_ =	shalt  }
0x74: {  	_ =	shalt  }
0x75: {  	_ =	shalt  }
0x76: {  	_ =	shalt  }
0x77: {  	_ =	shalt  }
0x78: {  	_ =	shalt  }
0x79: {  	_ =	shalt  }
0x7a: {  	_ =	shalt  }
0x7b: {  	_ =	shalt  }
0x7c: {  	_ =	shalt  }
0x7d: {  	_ =	shalt  }
0x7e: {  	_ =	shalt  }
0x7f: {  	_ =	shalt  }
0x80: {  	_ =	shalt  }
0x81: {  	_ =	shalt  }
0x82: {  	_ =	shalt  }
0x83: {  	_ =	shalt  }
0x84: {  	_ =	shalt  }
0x85: {  	_ =	shalt  }
0x86: {  	_ =	shalt  }
0x87: {  	_ =	shalt  }
.Lfunc_end0:
.L_simem_size_0:
called_computation.3_lowered:
.L_overlay_start_0:
0x88: {  	s2 =	sld [smem:$0x3FD9]  }
0x89: {  	s3 =	sld [smem:$0x3FFE];
	_ =	sdelay $0x1  }
0x8a: {  	s1 =	srdreg.scid  }
0x8b: {  	s0 =	sand.u32 $0x1, s1  }
0x8c: {  	s17 =	sshll.u32 s0, $0xA;
	s2 =	sadd.s32 s3, s2  }
0x8d: {  	s2 =	sadd.s32 s2, s17  }
0x8e: {  	[smem:$0x3FBF] =	sst s2  }
0x8f: {  	_ = 	snop  }
0x90: {  	(tm) =	ssettm $0x1  }
0x91: {  	s18 =	sld [smem:$0x3FFB];
	_ =	sdelay $0x3  }
0x92: {  	_ =	strace s18  }
0x93: {  	s2 =	sld [smem:$0x3FFC];
	_ =	sdelay $0x3  }
0x94: {  	_ =	strace s2  }
0x95: {  	s2 =	sld [smem:$0x3FFD];
	_ =	sdelay $0x3  }
0x96: {  	_ =	strace s2  }
0x97: {  	_ =	strace $0x8FFFFFFF  }
0x98: {  	s19 =	sld [smem:$0x3FDB];
	_ =	sdelay $0x1  }
0x99: {  	s20 =	simm.s32 $_scs_section_size  }
0x9a: {  	s4 =	simm.s32 $_size__tile_overlayer_lowered;
	s5 =	simm.s32 $_tile_overlayer_lowered  }
0x9b: {  	s6 =	simm.s32 $0x1BFF;
	s21 =	sshll.u32 s5, $0x1;
	s3 =	sadd.s32 s20, s19  }
0x9c: {  	s22 =	simm.s32 $0x0;
	s4 =	sshll.u32 s4, $0x1;
	s5 =	sadd.s32 s21, s3  }
0x9d: {  	[timem:s22], [sflag:s6] =	dma.local [hbm:s5], s4  }
0x9e: {  	_ =	swait.ge [sflag:s6], s4  }
0x9f: {  	s4 =	ssub.s32 $0x0, s4;
	[sflag:s6] =	ssyncset.done $0x0  }
0xa0: {  	[sflag:s6] =	ssyncadd.s32 s4;
	_ =	sdelay $0x1  }
0xa1: {  	s23 =	simm.s32 $0x1B8B  }
0xa2: {  	_ =	swait.ge [sflag:s23], $0x1  }
0xa3: {  	[sflag:s23] =	ssyncset.done $0x0  }
0xa4: {  	[sflag:s23] =	ssyncadd.s32 $0xFFFFFFFF  }
0xa5: {  	s4 =	sld [smem:$0x0]  }
0xa6: {  	s5 =	sand.u32 $0xFFFFFFFE, s1  }
0xa7: {  	p0 =	sne.s32 s1, s5  }
0xa8: {  	s5 =	sshll.u32 @p0 s5, $0xE  }
0xa9: {  	s5 =	sadd.s32 @p0 $0x11B8D, s5;
	s6 =	sshll.u32 @p0 s4, $0x11  }
0xaa: {  	s5 =	sor.u32 @p0 s6, s5  }
0xab: {  	[sflag:s5] =	ssyncadd.remote.s32 @p0 $0x1;
	_ =	sdelay $0x1  }
0xac: {  	s5 =	simm.s32 @p0 $0x1B8D  }
0xad: {  	_ =	swait.eq @p0 [sflag:s5], $0x1  }
0xae: {  	[sflag:s5] =	ssyncadd.s32 @p0 $0xFFFFFFFF  }
0xaf: {  	s6 =	sshll.u32 @!p0 s1, $0xE  }
0xb0: {  	s6 =	sor.u32 @!p0 $0x4000, s6;
	s5 =	simm.s32 @!p0 $0x1B8D  }
0xb1: {  	s4 =	sshll.u32 @!p0 s4, $0x11;
	s6 =	sadd.s32 @!p0 $0x11B8D, s6;
	_ =	swait.eq @!p0 [sflag:s5], $0x1  }
0xb2: {  	s4 =	sor.u32 @!p0 s4, s6;
	[sflag:s5] =	ssyncadd.s32 @!p0 $0xFFFFFFFF  }
0xb3: {  	s25 =	simm.s32 $0x1B8E;
	s24 =	sld [smem:$0x3FFE];
	[sflag:s4] =	ssyncadd.remote.s32 @!p0 $0x1  }
0xb4: {  	s26 =	simm.s32 $execute0_lowered;
	[smem:$0x3FD2] =	sst s25  }
0xb5: {  	s5 =	sshll.u32 s26, $0x1;
	_ =	strace $0x8000004F;
	[dreg:$0x1] =	wrdreg $0xFFFFFFFF  }
0xb6: {  	s28 =	simm.s32 $_size_execute0_lowered;
	s3 =	sadd.s32 s3, s5;
	[dreg:$0x0] =	wrdreg $0x0  }
0xb7: {  	s5 =	sshll.u32 s28, $0x1;
	[dreg:$0x2] =	wrdreg s3  }
0xb8: {  	[dreg:$0x3] =	wrdreg s5  }
0xb9: {  	[dreg:$0x4] =	wrdreg $0xC0  }
0xba: {  	_ =	task [dreg:s22], $0x5FFFF  }
0xbb: {  	[dreg:$0x1] =	wrdreg $0xFFFFFFFF  }
0xbc: {  	[dreg:$0x0] =	wrdreg $0x60  }
0xbd: {  	[dreg:$0x2] =	wrdreg s24  }
0xbe: {  	[dreg:$0x3] =	wrdreg $0x9  }
0xbf: {  	_ =	task.clear_ibuf [dreg:s22], $0x4FFFF;
	_ =	strace $0x9000004F  }
0xc0: {  	s29 =	simm.s32 $0x9;
	_ =	strace $0x80000051  }
0xc1: {  	_ =	swait.ge [sflag:s29], $0x1  }
0xc2: {  	[sflag:s29] =	ssyncadd.s32 $0xFFFFFFFF  }
0xc3: {  	_ =	strace $0x90000051  }
0xc4: {  	_ =	sfence  }
0xc5: {  	s30 =	sld [smem:$0x0];
	_ =	sdelay $0x2  }
0xc6: {  	s31 =	sshll.u32 s1, $0xD;
	s1 =	sshrl.u32 s1, $0x2  }
0xc7: {  	s4 =	sand.u32 $0x4000, s31;
	s1 =	sadd.s32 s1, s30  }
0xc8: {  	s0 =	sor.u32 s4, s0;
	s1 =	sshll.u32 s1, $0x11  }
0xc9: {  	s0 =	sor.u32 s1, s0  }
0xca: {  	s0 =	sadd.s32 $0x8F2B, s0  }
0xcb: {  	[sflag:s0] =	ssyncadd.remote.s32 $0x1  }
0xcc: {  	_ =	sfence.sel $0xFFFF  }
0xcd: {  	[dreg:$0x0] =	wrdreg $0xFFFFFFFF;
	(pc) =	sbr.abs _section_cstart, $3  }
0xce: {  	[dreg:$0x1] =	wrdreg $0xFFFFFFFF  }
0xcf: {  	_ =	task.clear_ibuf [dreg:s22], $0x2FFFF;
	_ =	strace $0x9FFFFFFF  }
0xd0: {  	(tm) =	ssettm $0x7FFFFFFF  }
0xd1: {  	_ =	shalt  }
tec
execute0_lowered:
.L_overlay_start_1:
0x0: {  	(tag) =	ssettag $0x1  }
0x1: {  	s7 =	rddreg [dreg:$0x0]  }
0x2: {  	s0 =	rddreg [dreg:$0x1]  }
0x3: {  	s1 =	simm.s32 $0x0;
	s2 =	srdreg.scid;
	s12 =	simm.s32 $0x4080  }
0x4: {  	s13 =	simm.s32 $0x8080;
	s14 =	simm.s32 $0x1;
	s15 =	simm.s32 $0x0  }
0x5: {  	[smem:$0x7FF] =	sst s1;
	s3 =	sadd.s32 $0x4AAC00, s7;
	s8 =	sand.u32 $0x1, s2  }
0x6: {  	s4 =	sadd.s32 $0x4000, s7;
	s2 =	stileid.u32;
	s5 =	sadd.s32 $0x324000, s7  }
0x7: {  	s6 =	sadd.s32 $0x551000, s7;
	s7 =	sadd.s32 $0x5F1000, s7;
	s9 =	ssub.s32 $0x2, s8  }
0x8: {  	_ =	strace $0x80000050;
	s11 =	sshll.u32 s2, $0x1;
	s10 =	sshrl.u32 s9, $0x1  }
0x9: {  	s8 =	sor.u32 s8, s11;
	s11 =	simm.s32 $0x80;
	s9 =	ssub.s32 s9, s10  }
0xa: {  	v0 =	vimm.f32 $0.0e+00;
	v1 =	vimm.f32 $1.000000000e+00;
	s8 =	smul.u32 $0x500, s8;
	s10 =	simm.s32 $0x2;
	s9 =	smax.u32 s9, $0x1  }
.LBB2_1:
0xb: {  	s16 =	simm.s32 $0x0  }
.LBB2_2:
0xc: {  	s17 =	sshll.u32 s16, $0x7  }
0xd: {  	s17 =	sadd.s32 s8, s17  }
0xe: {  	s18 =	sadd.s32 $0x1E000, s17  }
0xf: {  	s19 =	sshrl.u32 s18, $0x3  }
0x10: {  	s19 =	sadd.s32 s3, s19  }
0x11: {  	[tilespmem:s1], [sflag:$0x2] =	stream.linear.gather [hbm4b:s19+s1], $0x80, $0x38;
	[tilespmem:$0xC080] =	vst v63  }
0x12: {  	_ =	swait.ge [sflag:s10], $0x80  }
0x13: {  	[sflag:s10] =	ssyncset.done $0x0  }
0x14: {  	s18 =	sshll.u32 s18, $0x4;
	[sflag:s10] =	ssyncadd.s32 $0xFFFFFF80  }
0x15: {  	[tilespmem:s11], [sflag:$0x1] =	stream.indirect.gather [hbm4b:s5+s11], $0x80, s1, s11, $0xb8;
	[tilespmem:$0xC080] =	vst v63  }
0x16: {  	s18 =	sadd.s32 s4, s18  }
0x17: {  	[tilespmem:s12], [sflag:$0x2] =	stream.linear.gather [hbm4b:s18+s1], $0x4000, $0x38;
	[tilespmem:$0xC080] =	vst v63  }
0x18: {  	_ =	swait.ge [sflag:s10], $0x4000  }
0x19: {  	[sflag:s10] =	ssyncset.done $0x0  }
0x1a: {  	s19 =	simm.s32 $0x8280;
	[sflag:s10] =	ssyncadd.s32 $0xFFFFC000  }
0x1b: {  	[tilespmem:s19+$0xFFFFFE00] =	vst v0  }
0x1c: {  	[tilespmem:s19+$0x190] =	vst v0  }
0x1d: {  	[tilespmem:s19+$0x180] =	vst v0  }
0x1e: {  	[tilespmem:s19+$0x110] =	vst v0  }
0x1f: {  	[tilespmem:s19+$0x100] =	vst v0  }
0x20: {  	[tilespmem:s19+$0x90] =	vst v0  }
0x21: {  	[tilespmem:s19+$0x80] =	vst v0  }
0x22: {  	[tilespmem:s19+$0x10] =	vst v0  }
0x23: {  	[tilespmem:s19+$0x0] =	vst v0  }
0x24: {  	[tilespmem:s19+$0xFFFFFF90] =	vst v0  }
0x25: {  	[tilespmem:s19+$0xFFFFFF80] =	vst v0  }
0x26: {  	[tilespmem:s19+$0xFFFFFF10] =	vst v0  }
0x27: {  	[tilespmem:s19+$0xFFFFFF00] =	vst v0  }
0x28: {  	[tilespmem:s19+$0xFFFFFE90] =	vst v0  }
0x29: {  	s20 =	simm.s32 $0x0;
	s18 =	simm.s32 $0x4180;
	[tilespmem:s19+$0xFFFFFE80] =	vst v0  }
.LBB2_3:
0x2a: {  	s20 =	sadd.s32 $0x8, s20;
	[tilespmem:s19+$0xFFFFFE10] =	vst v0;
	s19 =	sadd.s32 $0x400, s19  }
0x2b: {  	[tilespmem:s19+$0xFFFFFE00] =	vst v0;
	p0 =	slt.u32 s20, $0x78  }
0x2c: {  	[tilespmem:s19+$0x190] =	vst v0  }
0x2d: {  	[tilespmem:s19+$0x180] =	vst v0  }
0x2e: {  	[tilespmem:s19+$0x110] =	vst v0  }
0x2f: {  	[tilespmem:s19+$0x100] =	vst v0  }
0x30: {  	[tilespmem:s19+$0x90] =	vst v0  }
0x31: {  	[tilespmem:s19+$0x80] =	vst v0  }
0x32: {  	[tilespmem:s19+$0x10] =	vst v0  }
0x33: {  	[tilespmem:s19+$0x0] =	vst v0  }
0x34: {  	[tilespmem:s19+$0xFFFFFF90] =	vst v0  }
.Ltmp0:
0x35: {  	[tilespmem:s19+$0xFFFFFF80] =	vst v0;
	(pc) =	sbr.rel @p0 .LBB2_3-.Ltmp0, $4  }
0x36: {  	[tilespmem:s19+$0xFFFFFF10] =	vst v0  }
0x37: {  	[tilespmem:s19+$0xFFFFFF00] =	vst v0  }
0x38: {  	[tilespmem:s19+$0xFFFFFE90] =	vst v0  }
0x39: {  	[tilespmem:s19+$0xFFFFFE80] =	vst v0  }
0x3a: {  	[tilespmem:s19+$0xFFFFFE10] =	vst v0;
	s19 =	simm.s32 $0x0  }
.LBB2_5:
0x3b: {  	v2 =	vld [tilespmem:s18+$0xFFFFFF00]  }
0x3c: {  	v3 =	vld [tilespmem:s18+$0xFFFFFF10];
	_ =	sdelay $0x3  }
0x3d: {  	s20 =	sshll.u32 s19, $0x7;
	v4 =	vand.u32 $0xFFFFFF80, v2  }
0x3e: {  	v2 =	vand.u32 $0x7F, v2;
	v5 =	vand.u32 $0xFFFFFF80, v3;
	v4 =	vadd.s32 s20, v4  }
0x3f: {  	v3 =	vand.u32 $0x7F, v3;
	v54 =	vadd.s32 s20, v5;
	v2 =	vor.u32 v2, v4  }
0x40: {  	v3 =	vor.u32 v3, v54;
	_ =	sdelay $0x3  }
0x41: {  	[tilespmem:v2+s13+$0x0] =	vst.idx.add.f32.msk $0xffff, v1  }
0x42: {  	[tilespmem:v3+s13+$0x0] =	vst.idx.add.f32.msk $0xffff, v1  }
0x43: {  	v2 =	vld [tilespmem:s18+$0xFFFFFF80]  }
0x44: {  	v3 =	vld [tilespmem:s18+$0xFFFFFF90];
	_ =	sdelay $0x3  }
0x45: {  	s21 =	sadd.s32 $0x80, s20;
	v55 =	vand.u32 $0xFFFFFF80, v2  }
0x46: {  	v2 =	vand.u32 $0x7F, v2;
	v56 =	vand.u32 $0xFFFFFF80, v3;
	v4 =	vadd.s32 s21, v55  }
0x47: {  	v3 =	vand.u32 $0x7F, v3;
	v57 =	vadd.s32 s21, v56;
	v2 =	vor.u32 v2, v4  }
0x48: {  	v3 =	vor.u32 v3, v57;
	_ =	sdelay $0x3  }
0x49: {  	[tilespmem:v2+s13+$0x0] =	vst.idx.add.f32.msk $0xffff, v1  }
0x4a: {  	[tilespmem:v3+s13+$0x0] =	vst.idx.add.f32.msk $0xffff, v1  }
0x4b: {  	v2 =	vld [tilespmem:s18+$0x0]  }
0x4c: {  	v3 =	vld [tilespmem:s18+$0x10];
	_ =	sdelay $0x3  }
0x4d: {  	s31 =	sadd.s32 $0x100, s20;
	v58 =	vand.u32 $0xFFFFFF80, v2  }
0x4e: {  	v2 =	vand.u32 $0x7F, v2;
	v59 =	vand.u32 $0xFFFFFF80, v3;
	v4 =	vadd.s32 s31, v58  }
0x4f: {  	v3 =	vand.u32 $0x7F, v3;
	v60 =	vadd.s32 s31, v59;
	v2 =	vor.u32 v2, v4  }
0x50: {  	v3 =	vor.u32 v3, v60;
	_ =	sdelay $0x3  }
0x51: {  	[tilespmem:v2+s13+$0x0] =	vst.idx.add.f32.msk $0xffff, v1  }
0x52: {  	[tilespmem:v3+s13+$0x0] =	vst.idx.add.f32.msk $0xffff, v1  }
0x53: {  	v2 =	vld [tilespmem:s18+$0x80]  }
0x54: {  	v3 =	vld [tilespmem:s18+$0x90];
	_ =	sdelay $0x3  }
0x55: {  	s20 =	sadd.s32 $0x180, s20;
	v61 =	vand.u32 $0xFFFFFF80, v2  }
0x56: {  	v2 =	vand.u32 $0x7F, v2;
	v62 =	vand.u32 $0xFFFFFF80, v3;
	v4 =	vadd.s32 s20, v61  }
0x57: {  	v3 =	vand.u32 $0x7F, v3;
	v63 =	vadd.s32 s20, v62;
	v2 =	vor.u32 v2, v4  }
0x58: {  	p0 =	slt.u32 s19, $0x7C;
	v3 =	vor.u32 v3, v63  }
.Ltmp1:
0x59: {  	_ = 	snop;
	(pc) =	sbr.rel @p0 .LBB2_5-.Ltmp1, $3  }
0x5a: {  	_ =	sdelay $0x1  }
0x5b: {  	[tilespmem:v2+s13+$0x0] =	vst.idx.add.f32.msk $0xffff, v1  }
0x5c: {  	s19 =	sadd.s32 $0x4, s19;
	s18 =	sadd.s32 $0x200, s18;
	[tilespmem:v3+s13+$0x0] =	vst.idx.add.f32.msk $0xffff, v1  }
0x5d: {  	_ =	swait.ge [sflag:s14], $0x4000  }
0x5e: {  	s17 =	sshll.u32 s17, $0x4;
	[sflag:s14] =	ssyncset.done $0x0  }
0x5f: {  	s18 =	sadd.s32 s6, s17;
	[sflag:s14] =	ssyncadd.s32 $0xFFFFC000  }
0x60: {  	[hbm4b:s18+s1] =	stream.linear.scatter [tilespmem:s11], [sflag:$0x2], $0x4000, $0x38;
	[tilespmem:$0xC080] =	vst v63  }
0x61: {  	s16 =	sadd.s32 $0x1, s16;
	_ =	swait.ge [sflag:s10], $0x4000  }
0x62: {  	p0 =	sne.s32 s16, $0xA;
	[sflag:s10] =	ssyncset.done $0x0  }
.Ltmp2:
0x63: {  	s17 =	sadd.s32 s7, s17;
	[sflag:s10] =	ssyncadd.s32 $0xFFFFC000;
	(pc) =	sbr.rel @p0 .LBB2_2-.Ltmp2, $4  }
0x64: {  	[hbm4b:s17+s1] =	stream.linear.scatter [tilespmem:s13], [sflag:$0x2], $0x4000, $0x38;
	[tilespmem:$0xC080] =	vst v63  }
0x65: {  	_ =	swait.ge [sflag:s10], $0x4000  }
0x66: {  	[sflag:s10] =	ssyncset.done $0x0  }
0x67: {  	[sflag:s10] =	ssyncadd.s32 $0xFFFFC000  }
0x68: {  	s15 =	sadd.s32 $0x1, s15  }
0x69: {  	p0 =	sne.s32 s15, s9  }
.Ltmp3:
0x6a: {  	_ = 	snop;
	(pc) =	sbr.rel @p0 .LBB2_1-.Ltmp3, $1  }
0x6b: {  	_ =	sdelay $0x3  }
0x6c: {  	_ =	sfence.sel $0x180000  }
0x6d: {  	[bflag:$0x0] =	sbarrier.arrive $0xFFFF  }
0x6e: {  	p0 =	sne.s32 s2, $0x0;
	_ =	strace $0x90000050  }
0x6f: {  	s0 =	sadd.s32 @!p0 $0x100000, s0;
	[bflag:$0x2] =	sbarrier.arrive $0xFFFF  }
0x70: {  	[sflag:s0] =	ssyncadd.tile.s32 @!p0 $0x1;
	_ =	shalt  }
.Lfunc_end2:
_tile_overlayer_lowered:
.L_overlay_start_2:
0x71: {  	(tag) =	ssettag $0x2  }
0x72: {  	s0 =	rddreg [dreg:$0x0];
	s2 =	stileid.u32  }
0x73: {  	s1 =	rddreg [dreg:$0x1];
	p0 =	sne.s32 s2, $0x0  }
0x74: {  	s3 =	rddreg [dreg:$0x2];
	[bflag:$0x3] =	sbarrier.arrive $0xFFFF;
	s2 =	simm.s32 @!p0 $0x1C02  }
0x75: {  	[timem:s3], [sflag:s2] =	dma.local @!p0 [hbm:s0], s1  }
0x76: {  	s0 =	simm.s32 @!p0 $0x2  }
0x77: {  	_ =	swait.ge @!p0 [sflag:s0], s1  }
0x78: {  	s1 =	ssub.s32 @!p0 $0x0, s1;
	[sflag:s0] =	ssyncset.done @!p0 $0x0  }
0x79: {  	[sflag:s0] =	ssyncadd.s32 @!p0 s1  }
0x7a: {  	[bflag:$0x3] =	sbarrier.arrive $0xFFFF  }
0x7b: {  	_ =	shalt  }

// kernel: kernel.24.cloned.1.call-start
scs
__scs_entry_jumppad:
0x0: {  	(pc) =	sbr.rel $0x88, $3  }
0x1: {  	(tag) =	ssettag $0x0;
	lr =	simm.s32 $0x1  }
0x2: {  	[smem:$0x3F98] =	sst lr;
	_ =	strace $0xD0000000  }
0x3: {  	_ = 	snop  }
0x4: {  	_ = 	snop  }
0x5: {  	_ = 	snop  }
0x6: {  	_ = 	snop  }
0x7: {  	_ = 	snop  }
__scs_overlays_trampoline_lowered:
0x8: {  	[smem:$0x3FA7] =	sst s0  }
0x9: {  	[smem:$0x3FA8] =	sst s1  }
0xa: {  	[smem:$0x3FA9] =	sst s2  }
0xb: {  	[smem:$0x3FAA] =	sst s3  }
0xc: {  	[smem:$0x3FAB] =	sst s4  }
0xd: {  	[smem:$0x3FAC] =	sst s5  }
0xe: {  	[smem:$0x3FAD] =	sst s6  }
0xf: {  	[smem:$0x3FAE] =	sst s7  }
0x10: {  	[smem:$0x3FAF] =	sst s8  }
0x11: {  	[smem:$0x3FB0] =	sst s9;
	s0 =	simm.s32 @!p0 $0x0  }
0x12: {  	s1 =	sld [smem:$0x3F96];
	s0 =	simm.s32 @p0 $0x1  }
0x13: {  	[smem:$0x3FB1] =	sst s0;
	s0 =	simm.s32 @!p1 $0x0  }
0x14: {  	s2 =	sld [smem:$0x3F95];
	s0 =	simm.s32 @p1 $0x1  }
0x15: {  	[smem:$0x3FB2] =	sst s0;
	s0 =	simm.s32 @!p2 $0x0  }
0x16: {  	s3 =	sld [smem:$0x3FDB];
	s0 =	simm.s32 @p2 $0x1  }
0x17: {  	s4 =	simm.s32 $0x1BF5;
	[smem:$0x3FB4] =	sst s0  }
0x18: {  	s0 =	sld [smem:$0x3F97];
	_ =	swait.ge [sflag:s4], $0x0  }
0x19: {  	s7 =	sld [smem:$0x3F98]  }
0x1a: {  	s8 =	sadd.s32 $0xFFFFE003, lr  }
0x1b: {  	s9 =	sadd.s32 $0xFFFFFEF7, lr;
	s5 =	simm.s32 $0xFFFFFFFF;
	p2 =	slt.u32 s8, $0xFFFFF086  }
0x1c: {  	p1 =	slt.u32 s9, $0xF7A;
	s5 =	simm.s32 @!p2 $0x0  }
0x1d: {  	s5 =	simm.s32 @p1 $0x1;
	p0 =	seq.s32 s7, s2  }
0x1e: {  	s7 =	smul.u32 @!p0 $0xF7A, s2;
	p2 =	seq.s32 @!p0 s5, $0x0  }
0x1f: {  	s9 =	smul.u32 $0xF7A, s1;
	s8 =	simm.s32 @!p0 $0x1BF5;
	p2 =	por !p2, p0  }
0x20: {  	[sflag:s8] =	ssyncset.s32 @!p0 $0xFFFFF086;
	s6 =	sadd.s32 @!p0 s3, s7;
	s7 =	simm.s32 @!p0 $0x108  }
0x21: {  	s3 =	sadd.s32 s3, s9;
	s6 =	sadd.s32 @!p0 $0x88, s6;
	s7 =	simm.s32 @p2 $0x1082  }
0x22: {  	[simem:s7], [sflag:s8] =	dma.local @!p0 [hbm:s6], $0xF7A  }
0x23: {  	s9 =	sor.u32 $0xD0000000, s2;
	s6 =	simm.s32 $0x108;
	_ =	swait.ge @!p0 [sflag:s8], $0x0  }
0x24: {  	s3 =	sadd.s32 $0x88, s3;
	s6 =	simm.s32 @!p1 $0x1082;
	[sflag:s4] =	ssyncset.s32 $0xFFFFF086  }
0x25: {  	[simem:s6], [sflag:s4] =	dma.local [hbm:s3], $0xF7A  }
0x26: {  	[smem:$0x3F98] =	sst s1;
	(tag) =	ssettag s2;
	_ =	strace s9  }
0x27: {  	s1 =	sld [smem:$0x3FA8]  }
0x28: {  	s2 =	sld [smem:$0x3FA9]  }
0x29: {  	s4 =	sld [smem:$0x3FAB]  }
0x2a: {  	p0 =	seq.s32 s5, $0x0;
	s5 =	sld [smem:$0x3FAC]  }
0x2b: {  	s6 =	sld [smem:$0x3FAD]  }
0x2c: {  	s7 =	sld [smem:$0x3FAE]  }
0x2d: {  	s3 =	simm.s32 $0x108;
	s8 =	sld [smem:$0x3FAF]  }
0x2e: {  	s3 =	simm.s32 @!p0 $0x1082;
	s9 =	sld [smem:$0x3FB0]  }
0x2f: {  	lr =	sadd.s32 s0, s3;
	s0 =	sld [smem:$0x3FA7]  }
0x30: {  	s3 =	sld [smem:$0x3FAA]  }
0x31: {  	[smem:$0x3FB3] =	sst s10  }
0x32: {  	s10 =	sld [smem:$0x3FB1];
	_ =	sdelay $0x3  }
0x33: {  	p0 =	seq.s32 s10, $0x1;
	s10 =	sld [smem:$0x3FB3];
	_ =	sdelay $0x3  }
0x34: {  	[smem:$0x3FB3] =	sst s10  }
0x35: {  	s10 =	sld [smem:$0x3FB2];
	_ =	sdelay $0x3  }
0x36: {  	p1 =	seq.s32 s10, $0x1;
	s10 =	sld [smem:$0x3FB3];
	_ =	sdelay $0x3  }
0x37: {  	[smem:$0x3FB3] =	sst s10  }
0x38: {  	s10 =	sld [smem:$0x3FB4]  }
0x39: {  	_ = 	snop;
	(pc) =	sbr.ind lr, $3  }
0x3a: {  	_ = 	snop  }
0x3b: {  	_ = 	snop  }
0x3c: {  	p2 =	seq.s32 s10, $0x1;
	s10 =	sld [smem:$0x3FB3]  }
0x3d: {  	_ =	shalt  }
0x3e: {  	_ =	shalt  }
0x3f: {  	_ =	shalt  }
0x40: {  	_ =	shalt  }
0x41: {  	_ =	shalt  }
0x42: {  	_ =	shalt  }
0x43: {  	_ =	shalt  }
0x44: {  	_ =	shalt  }
0x45: {  	_ =	shalt  }
0x46: {  	_ =	shalt  }
0x47: {  	_ =	shalt  }
0x48: {  	_ =	shalt  }
0x49: {  	_ =	shalt  }
0x4a: {  	_ =	shalt  }
0x4b: {  	_ =	shalt  }
0x4c: {  	_ =	shalt  }
0x4d: {  	_ =	shalt  }
0x4e: {  	_ =	shalt  }
0x4f: {  	_ =	shalt  }
0x50: {  	_ =	shalt  }
0x51: {  	_ =	shalt  }
0x52: {  	_ =	shalt  }
0x53: {  	_ =	shalt  }
0x54: {  	_ =	shalt  }
0x55: {  	_ =	shalt  }
0x56: {  	_ =	shalt  }
0x57: {  	_ =	shalt  }
0x58: {  	_ =	shalt  }
0x59: {  	_ =	shalt  }
0x5a: {  	_ =	shalt  }
0x5b: {  	_ =	shalt  }
0x5c: {  	_ =	shalt  }
0x5d: {  	_ =	shalt  }
0x5e: {  	_ =	shalt  }
0x5f: {  	_ =	shalt  }
0x60: {  	_ =	shalt  }
0x61: {  	_ =	shalt  }
0x62: {  	_ =	shalt  }
0x63: {  	_ =	shalt  }
0x64: {  	_ =	shalt  }
0x65: {  	_ =	shalt  }
0x66: {  	_ =	shalt  }
0x67: {  	_ =	shalt  }
0x68: {  	_ =	shalt  }
0x69: {  	_ =	shalt  }
0x6a: {  	_ =	shalt  }
0x6b: {  	_ =	shalt  }
0x6c: {  	_ =	shalt  }
0x6d: {  	_ =	shalt  }
0x6e: {  	_ =	shalt  }
0x6f: {  	_ =	shalt  }
0x70: {  	_ =	shalt  }
0x71: {  	_ =	shalt  }
0x72: {  	_ =	shalt  }
0x73: {  	_ =	shalt  }
0x74: {  	_ =	shalt  }
0x75: {  	_ =	shalt  }
0x76: {  	_ =	shalt  }
0x77: {  	_ =	shalt  }
0x78: {  	_ =	shalt  }
0x79: {  	_ =	shalt  }
0x7a: {  	_ =	shalt  }
0x7b: {  	_ =	shalt  }
0x7c: {  	_ =	shalt  }
0x7d: {  	_ =	shalt  }
0x7e: {  	_ =	shalt  }
0x7f: {  	_ =	shalt  }
0x80: {  	_ =	shalt  }
0x81: {  	_ =	shalt  }
0x82: {  	_ =	shalt  }
0x83: {  	_ =	shalt  }
0x84: {  	_ =	shalt  }
0x85: {  	_ =	shalt  }
0x86: {  	_ =	shalt  }
0x87: {  	_ =	shalt  }
.Lfunc_end0:
.L_simem_size_0:
called_computation.4_lowered:
.L_overlay_start_0:
0x88: {  	s2 =	sld [smem:$0x3FD9]  }
0x89: {  	s3 =	sld [smem:$0x3FFE];
	_ =	sdelay $0x1  }
0x8a: {  	s1 =	srdreg.scid  }
0x8b: {  	s0 =	sand.u32 $0x1, s1  }
0x8c: {  	s17 =	sshll.u32 s0, $0xA;
	s2 =	sadd.s32 s3, s2  }
0x8d: {  	s2 =	sadd.s32 s2, s17  }
0x8e: {  	[smem:$0x3FBF] =	sst s2  }
0x8f: {  	_ = 	snop  }
0x90: {  	(tm) =	ssettm $0x1  }
0x91: {  	s18 =	sld [smem:$0x3FFB];
	_ =	sdelay $0x3  }
0x92: {  	_ =	strace s18  }
0x93: {  	s2 =	sld [smem:$0x3FFC];
	_ =	sdelay $0x3  }
0x94: {  	_ =	strace s2  }
0x95: {  	s2 =	sld [smem:$0x3FFD];
	_ =	sdelay $0x3  }
0x96: {  	_ =	strace s2  }
0x97: {  	_ =	strace $0x8FFFFFFF  }
0x98: {  	s19 =	sld [smem:$0x3FDB];
	_ =	sdelay $0x1  }
0x99: {  	s20 =	simm.s32 $_scs_section_size  }
0x9a: {  	s4 =	simm.s32 $_size__tile_overlayer_lowered;
	s5 =	simm.s32 $_tile_overlayer_lowered  }
0x9b: {  	s6 =	simm.s32 $0x1BFF;
	s21 =	sshll.u32 s5, $0x1;
	s3 =	sadd.s32 s20, s19  }
0x9c: {  	s22 =	simm.s32 $0x0;
	s4 =	sshll.u32 s4, $0x1;
	s5 =	sadd.s32 s21, s3  }
0x9d: {  	[timem:s22], [sflag:s6] =	dma.local [hbm:s5], s4  }
0x9e: {  	_ =	swait.ge [sflag:s6], s4  }
0x9f: {  	s4 =	ssub.s32 $0x0, s4;
	[sflag:s6] =	ssyncset.done $0x0  }
0xa0: {  	[sflag:s6] =	ssyncadd.s32 s4;
	_ =	sdelay $0x1  }
0xa1: {  	s23 =	simm.s32 $0x1B8B  }
0xa2: {  	_ =	swait.ge [sflag:s23], $0x1  }
0xa3: {  	[sflag:s23] =	ssyncset.done $0x0  }
0xa4: {  	[sflag:s23] =	ssyncadd.s32 $0xFFFFFFFF  }
0xa5: {  	s4 =	sld [smem:$0x0]  }
0xa6: {  	s5 =	sand.u32 $0xFFFFFFFE, s1  }
0xa7: {  	p0 =	sne.s32 s1, s5  }
0xa8: {  	s5 =	sshll.u32 @p0 s5, $0xE  }
0xa9: {  	s5 =	sadd.s32 @p0 $0x11B8D, s5;
	s6 =	sshll.u32 @p0 s4, $0x11  }
0xaa: {  	s5 =	sor.u32 @p0 s6, s5  }
0xab: {  	[sflag:s5] =	ssyncadd.remote.s32 @p0 $0x1;
	_ =	sdelay $0x1  }
0xac: {  	s5 =	simm.s32 @p0 $0x1B8D  }
0xad: {  	_ =	swait.eq @p0 [sflag:s5], $0x1  }
0xae: {  	[sflag:s5] =	ssyncadd.s32 @p0 $0xFFFFFFFF  }
0xaf: {  	s6 =	sshll.u32 @!p0 s1, $0xE  }
0xb0: {  	s6 =	sor.u32 @!p0 $0x4000, s6;
	s5 =	simm.s32 @!p0 $0x1B8D  }
0xb1: {  	s4 =	sshll.u32 @!p0 s4, $0x11;
	s6 =	sadd.s32 @!p0 $0x11B8D, s6;
	_ =	swait.eq @!p0 [sflag:s5], $0x1  }
0xb2: {  	s4 =	sor.u32 @!p0 s4, s6;
	[sflag:s5] =	ssyncadd.s32 @!p0 $0xFFFFFFFF  }
0xb3: {  	s25 =	simm.s32 $0x1B8E;
	s24 =	sld [smem:$0x3FFE];
	[sflag:s4] =	ssyncadd.remote.s32 @!p0 $0x1  }
0xb4: {  	s26 =	simm.s32 $execute0_lowered;
	[smem:$0x3FD2] =	sst s25  }
0xb5: {  	s5 =	sshll.u32 s26, $0x1;
	_ =	strace $0x80000052;
	[dreg:$0x1] =	wrdreg $0xFFFFFFFF  }
0xb6: {  	s28 =	simm.s32 $_size_execute0_lowered;
	s3 =	sadd.s32 s3, s5;
	[dreg:$0x0] =	wrdreg $0x0  }
0xb7: {  	s5 =	sshll.u32 s28, $0x1;
	[dreg:$0x2] =	wrdreg s3  }
0xb8: {  	[dreg:$0x3] =	wrdreg s5  }
0xb9: {  	[dreg:$0x4] =	wrdreg $0xC0  }
0xba: {  	_ =	task [dreg:s22], $0x5FFFF  }
0xbb: {  	[dreg:$0x1] =	wrdreg $0xFFFFFFFF  }
0xbc: {  	[dreg:$0x0] =	wrdreg $0x60  }
0xbd: {  	[dreg:$0x2] =	wrdreg s24  }
0xbe: {  	[dreg:$0x3] =	wrdreg $0xA  }
0xbf: {  	_ =	task.clear_ibuf [dreg:s22], $0x4FFFF;
	_ =	strace $0x90000052  }
0xc0: {  	s29 =	simm.s32 $0xA;
	_ =	strace $0x80000054  }
0xc1: {  	_ =	swait.ge [sflag:s29], $0x1  }
0xc2: {  	[sflag:s29] =	ssyncadd.s32 $0xFFFFFFFF  }
0xc3: {  	_ =	strace $0x90000054  }
0xc4: {  	_ =	sfence  }
0xc5: {  	s30 =	sld [smem:$0x0];
	_ =	sdelay $0x2  }
0xc6: {  	s31 =	sshll.u32 s1, $0xD;
	s1 =	sshrl.u32 s1, $0x2  }
0xc7: {  	s4 =	sand.u32 $0x4000, s31;
	s1 =	sadd.s32 s1, s30  }
0xc8: {  	s0 =	sor.u32 s4, s0;
	s1 =	sshll.u32 s1, $0x11  }
0xc9: {  	s0 =	sor.u32 s1, s0  }
0xca: {  	s0 =	sadd.s32 $0x8F2B, s0  }
0xcb: {  	[sflag:s0] =	ssyncadd.remote.s32 $0x1  }
0xcc: {  	_ =	sfence.sel $0xFFFF  }
0xcd: {  	[dreg:$0x0] =	wrdreg $0xFFFFFFFF;
	(pc) =	sbr.abs _section_cstart, $3  }
0xce: {  	[dreg:$0x1] =	wrdreg $0xFFFFFFFF  }
0xcf: {  	_ =	task.clear_ibuf [dreg:s22], $0x2FFFF;
	_ =	strace $0x9FFFFFFF  }
0xd0: {  	(tm) =	ssettm $0x7FFFFFFF  }
0xd1: {  	_ =	shalt  }
tec
execute0_lowered:
.L_overlay_start_1:
0x0: {  	(tag) =	ssettag $0x1  }
0x1: {  	s7 =	rddreg [dreg:$0x0]  }
0x2: {  	s0 =	rddreg [dreg:$0x1]  }
0x3: {  	s1 =	simm.s32 $0x0;
	s2 =	srdreg.scid;
	s12 =	simm.s32 $0x4080  }
0x4: {  	s13 =	simm.s32 $0x8080;
	s14 =	simm.s32 $0x1;
	s15 =	simm.s32 $0x0  }
0x5: {  	[smem:$0x7FF] =	sst s1;
	s3 =	sadd.s32 $0x4AAC00, s7;
	s8 =	sand.u32 $0x1, s2  }
0x6: {  	s4 =	sadd.s32 $0x4000, s7;
	s2 =	stileid.u32;
	s5 =	sadd.s32 $0x324000, s7  }
0x7: {  	s6 =	sadd.s32 $0x4B1000, s7;
	s7 =	sadd.s32 $0x9B1000, s7;
	s9 =	ssub.s32 $0x2, s8  }
0x8: {  	_ =	strace $0x80000053;
	s11 =	sshll.u32 s2, $0x1;
	s10 =	sshrl.u32 s9, $0x1  }
0x9: {  	s8 =	sor.u32 s8, s11;
	s11 =	simm.s32 $0x80;
	s9 =	ssub.s32 s9, s10  }
0xa: {  	v0 =	vimm.f32 $0.0e+00;
	v1 =	vimm.f32 $1.000000000e+00;
	s8 =	smul.u32 $0x500, s8;
	s10 =	simm.s32 $0x2;
	s9 =	smax.u32 s9, $0x1  }
.LBB2_1:
0xb: {  	s16 =	simm.s32 $0x0  }
.LBB2_2:
0xc: {  	s17 =	sshll.u32 s16, $0x7  }
0xd: {  	s17 =	sadd.s32 s8, s17  }
0xe: {  	s18 =	sadd.s32 $0x28000, s17  }
0xf: {  	s19 =	sshrl.u32 s18, $0x3  }
0x10: {  	s19 =	sadd.s32 s3, s19  }
0x11: {  	[tilespmem:s1], [sflag:$0x2] =	stream.linear.gather [hbm4b:s19+s1], $0x80, $0x38;
	[tilespmem:$0xC080] =	vst v63  }
0x12: {  	_ =	swait.ge [sflag:s10], $0x80  }
0x13: {  	[sflag:s10] =	ssyncset.done $0x0  }
0x14: {  	s18 =	sshll.u32 s18, $0x4;
	[sflag:s10] =	ssyncadd.s32 $0xFFFFFF80  }
0x15: {  	[tilespmem:s11], [sflag:$0x1] =	stream.indirect.gather [hbm4b:s5+s11], $0x80, s1, s11, $0xb8;
	[tilespmem:$0xC080] =	vst v63  }
0x16: {  	s18 =	sadd.s32 s4, s18  }
0x17: {  	[tilespmem:s12], [sflag:$0x2] =	stream.linear.gather [hbm4b:s18+s1], $0x4000, $0x38;
	[tilespmem:$0xC080] =	vst v63  }
0x18: {  	_ =	swait.ge [sflag:s10], $0x4000  }
0x19: {  	[sflag:s10] =	ssyncset.done $0x0  }
0x1a: {  	s19 =	simm.s32 $0x8280;
	[sflag:s10] =	ssyncadd.s32 $0xFFFFC000  }
0x1b: {  	[tilespmem:s19+$0xFFFFFE00] =	vst v0  }
0x1c: {  	[tilespmem:s19+$0x190] =	vst v0  }
0x1d: {  	[tilespmem:s19+$0x180] =	vst v0  }
0x1e: {  	[tilespmem:s19+$0x110] =	vst v0  }
0x1f: {  	[tilespmem:s19+$0x100] =	vst v0  }
0x20: {  	[tilespmem:s19+$0x90] =	vst v0  }
0x21: {  	[tilespmem:s19+$0x80] =	vst v0  }
0x22: {  	[tilespmem:s19+$0x10] =	vst v0  }
0x23: {  	[tilespmem:s19+$0x0] =	vst v0  }
0x24: {  	[tilespmem:s19+$0xFFFFFF90] =	vst v0  }
0x25: {  	[tilespmem:s19+$0xFFFFFF80] =	vst v0  }
0x26: {  	[tilespmem:s19+$0xFFFFFF10] =	vst v0  }
0x27: {  	[tilespmem:s19+$0xFFFFFF00] =	vst v0  }
0x28: {  	[tilespmem:s19+$0xFFFFFE90] =	vst v0  }
0x29: {  	s20 =	simm.s32 $0x0;
	s18 =	simm.s32 $0x4180;
	[tilespmem:s19+$0xFFFFFE80] =	vst v0  }
.LBB2_3:
0x2a: {  	s20 =	sadd.s32 $0x8, s20;
	[tilespmem:s19+$0xFFFFFE10] =	vst v0;
	s19 =	sadd.s32 $0x400, s19  }
0x2b: {  	[tilespmem:s19+$0xFFFFFE00] =	vst v0;
	p0 =	slt.u32 s20, $0x78  }
0x2c: {  	[tilespmem:s19+$0x190] =	vst v0  }
0x2d: {  	[tilespmem:s19+$0x180] =	vst v0  }
0x2e: {  	[tilespmem:s19+$0x110] =	vst v0  }
0x2f: {  	[tilespmem:s19+$0x100] =	vst v0  }
0x30: {  	[tilespmem:s19+$0x90] =	vst v0  }
0x31: {  	[tilespmem:s19+$0x80] =	vst v0  }
0x32: {  	[tilespmem:s19+$0x10] =	vst v0  }
0x33: {  	[tilespmem:s19+$0x0] =	vst v0  }
0x34: {  	[tilespmem:s19+$0xFFFFFF90] =	vst v0  }
.Ltmp0:
0x35: {  	[tilespmem:s19+$0xFFFFFF80] =	vst v0;
	(pc) =	sbr.rel @p0 .LBB2_3-.Ltmp0, $4  }
0x36: {  	[tilespmem:s19+$0xFFFFFF10] =	vst v0  }
0x37: {  	[tilespmem:s19+$0xFFFFFF00] =	vst v0  }
0x38: {  	[tilespmem:s19+$0xFFFFFE90] =	vst v0  }
0x39: {  	[tilespmem:s19+$0xFFFFFE80] =	vst v0  }
0x3a: {  	[tilespmem:s19+$0xFFFFFE10] =	vst v0;
	s19 =	simm.s32 $0x0  }
.LBB2_5:
0x3b: {  	v2 =	vld [tilespmem:s18+$0xFFFFFF00]  }
0x3c: {  	v3 =	vld [tilespmem:s18+$0xFFFFFF10];
	_ =	sdelay $0x3  }
0x3d: {  	s20 =	sshll.u32 s19, $0x7;
	v4 =	vand.u32 $0xFFFFFF80, v2  }
0x3e: {  	v2 =	vand.u32 $0x7F, v2;
	v5 =	vand.u32 $0xFFFFFF80, v3;
	v4 =	vadd.s32 s20, v4  }
0x3f: {  	v3 =	vand.u32 $0x7F, v3;
	v54 =	vadd.s32 s20, v5;
	v2 =	vor.u32 v2, v4  }
0x40: {  	v3 =	vor.u32 v3, v54;
	_ =	sdelay $0x3  }
0x41: {  	[tilespmem:v2+s13+$0x0] =	vst.idx.add.f32.msk $0xffff, v1  }
0x42: {  	[tilespmem:v3+s13+$0x0] =	vst.idx.add.f32.msk $0xffff, v1  }
0x43: {  	v2 =	vld [tilespmem:s18+$0xFFFFFF80]  }
0x44: {  	v3 =	vld [tilespmem:s18+$0xFFFFFF90];
	_ =	sdelay $0x3  }
0x45: {  	s21 =	sadd.s32 $0x80, s20;
	v55 =	vand.u32 $0xFFFFFF80, v2  }
0x46: {  	v2 =	vand.u32 $0x7F, v2;
	v56 =	vand.u32 $0xFFFFFF80, v3;
	v4 =	vadd.s32 s21, v55  }
0x47: {  	v3 =	vand.u32 $0x7F, v3;
	v57 =	vadd.s32 s21, v56;
	v2 =	vor.u32 v2, v4  }
0x48: {  	v3 =	vor.u32 v3, v57;
	_ =	sdelay $0x3  }
0x49: {  	[tilespmem:v2+s13+$0x0] =	vst.idx.add.f32.msk $0xffff, v1  }
0x4a: {  	[tilespmem:v3+s13+$0x0] =	vst.idx.add.f32.msk $0xffff, v1  }
0x4b: {  	v2 =	vld [tilespmem:s18+$0x0]  }
0x4c: {  	v3 =	vld [tilespmem:s18+$0x10];
	_ =	sdelay $0x3  }
0x4d: {  	s31 =	sadd.s32 $0x100, s20;
	v58 =	vand.u32 $0xFFFFFF80, v2  }
0x4e: {  	v2 =	vand.u32 $0x7F, v2;
	v59 =	vand.u32 $0xFFFFFF80, v3;
	v4 =	vadd.s32 s31, v58  }
0x4f: {  	v3 =	vand.u32 $0x7F, v3;
	v60 =	vadd.s32 s31, v59;
	v2 =	vor.u32 v2, v4  }
0x50: {  	v3 =	vor.u32 v3, v60;
	_ =	sdelay $0x3  }
0x51: {  	[tilespmem:v2+s13+$0x0] =	vst.idx.add.f32.msk $0xffff, v1  }
0x52: {  	[tilespmem:v3+s13+$0x0] =	vst.idx.add.f32.msk $0xffff, v1  }
0x53: {  	v2 =	vld [tilespmem:s18+$0x80]  }
0x54: {  	v3 =	vld [tilespmem:s18+$0x90];
	_ =	sdelay $0x3  }
0x55: {  	s20 =	sadd.s32 $0x180, s20;
	v61 =	vand.u32 $0xFFFFFF80, v2  }
0x56: {  	v2 =	vand.u32 $0x7F, v2;
	v62 =	vand.u32 $0xFFFFFF80, v3;
	v4 =	vadd.s32 s20, v61  }
0x57: {  	v3 =	vand.u32 $0x7F, v3;
	v63 =	vadd.s32 s20, v62;
	v2 =	vor.u32 v2, v4  }
0x58: {  	p0 =	slt.u32 s19, $0x7C;
	v3 =	vor.u32 v3, v63  }
.Ltmp1:
0x59: {  	_ = 	snop;
	(pc) =	sbr.rel @p0 .LBB2_5-.Ltmp1, $3  }
0x5a: {  	_ =	sdelay $0x1  }
0x5b: {  	[tilespmem:v2+s13+$0x0] =	vst.idx.add.f32.msk $0xffff, v1  }
0x5c: {  	s19 =	sadd.s32 $0x4, s19;
	s18 =	sadd.s32 $0x200, s18;
	[tilespmem:v3+s13+$0x0] =	vst.idx.add.f32.msk $0xffff, v1  }
0x5d: {  	_ =	swait.ge [sflag:s14], $0x4000  }
0x5e: {  	s17 =	sshll.u32 s17, $0x4;
	[sflag:s14] =	ssyncset.done $0x0  }
0x5f: {  	s18 =	sadd.s32 s6, s17;
	[sflag:s14] =	ssyncadd.s32 $0xFFFFC000  }
0x60: {  	[hbm4b:s18+s1] =	stream.linear.scatter [tilespmem:s11], [sflag:$0x2], $0x4000, $0x38;
	[tilespmem:$0xC080] =	vst v63  }
0x61: {  	s16 =	sadd.s32 $0x1, s16;
	_ =	swait.ge [sflag:s10], $0x4000  }
0x62: {  	p0 =	sne.s32 s16, $0xA;
	[sflag:s10] =	ssyncset.done $0x0  }
.Ltmp2:
0x63: {  	s17 =	sadd.s32 s7, s17;
	[sflag:s10] =	ssyncadd.s32 $0xFFFFC000;
	(pc) =	sbr.rel @p0 .LBB2_2-.Ltmp2, $4  }
0x64: {  	[hbm4b:s17+s1] =	stream.linear.scatter [tilespmem:s13], [sflag:$0x2], $0x4000, $0x38;
	[tilespmem:$0xC080] =	vst v63  }
0x65: {  	_ =	swait.ge [sflag:s10], $0x4000  }
0x66: {  	[sflag:s10] =	ssyncset.done $0x0  }
0x67: {  	[sflag:s10] =	ssyncadd.s32 $0xFFFFC000  }
0x68: {  	s15 =	sadd.s32 $0x1, s15  }
0x69: {  	p0 =	sne.s32 s15, s9  }
.Ltmp3:
0x6a: {  	_ = 	snop;
	(pc) =	sbr.rel @p0 .LBB2_1-.Ltmp3, $1  }
0x6b: {  	_ =	sdelay $0x3  }
0x6c: {  	_ =	sfence.sel $0x180000  }
0x6d: {  	[bflag:$0x0] =	sbarrier.arrive $0xFFFF  }
0x6e: {  	p0 =	sne.s32 s2, $0x0;
	_ =	strace $0x90000053  }
0x6f: {  	s0 =	sadd.s32 @!p0 $0x100000, s0;
	[bflag:$0x2] =	sbarrier.arrive $0xFFFF  }
0x70: {  	[sflag:s0] =	ssyncadd.tile.s32 @!p0 $0x1;
	_ =	shalt  }
.Lfunc_end2:
_tile_overlayer_lowered:
.L_overlay_start_2:
0x71: {  	(tag) =	ssettag $0x2  }
0x72: {  	s0 =	rddreg [dreg:$0x0];
	s2 =	stileid.u32  }
0x73: {  	s1 =	rddreg [dreg:$0x1];
	p0 =	sne.s32 s2, $0x0  }
0x74: {  	s3 =	rddreg [dreg:$0x2];
	[bflag:$0x3] =	sbarrier.arrive $0xFFFF;
	s2 =	simm.s32 @!p0 $0x1C02  }
0x75: {  	[timem:s3], [sflag:s2] =	dma.local @!p0 [hbm:s0], s1  }
0x76: {  	s0 =	simm.s32 @!p0 $0x2  }
0x77: {  	_ =	swait.ge @!p0 [sflag:s0], s1  }
0x78: {  	s1 =	ssub.s32 @!p0 $0x0, s1;
	[sflag:s0] =	ssyncset.done @!p0 $0x0  }
0x79: {  	[sflag:s0] =	ssyncadd.s32 @!p0 s1  }
0x7a: {  	[bflag:$0x3] =	sbarrier.arrive $0xFFFF  }
0x7b: {  	_ =	shalt  }

</sc_bundles>
